<compile_context>
chip_gen: v7x
topology: tpu7x:2x2x1
jax: 0.10.2.dev20260603
libtpu: 0.0.44.dev20260713+nightly
codegen_flags: <defaults>
</compile_context>

<pallas_src>
import functools

import jax
import jax.numpy as jnp
from jax import lax
from jax.experimental import pallas as pl
from jax.experimental.pallas import tpu as pltpu
from jax.experimental.pallas import tpu_sc as plsc

N = 4 * 4096
D = 1024
NC, NS = 2, 16
NW = NC * NS
B_PER_W = N // NW
CH = 16
NCH = B_PER_W // CH
NBUF = 6

_mesh = plsc.VectorSubcoreMesh(core_axis_name="c", subcore_axis_name="s")


@functools.partial(
    pl.kernel,
    mesh=_mesh,
    out_type=jax.ShapeDtypeStruct((N, D), jnp.float32),
    scratch_types=[
        pltpu.VMEM((B_PER_W,), jnp.int32),
        pltpu.VMEM((NBUF, CH, D), jnp.float32),
        pltpu.SemaphoreType.DMA,
        pltpu.SemaphoreType.DMA,
        pltpu.SemaphoreType.DMA,
        pltpu.SemaphoreType.DMA,
        pltpu.SemaphoreType.DMA,
        pltpu.SemaphoreType.DMA,
        pltpu.SemaphoreType.DMA,
        pltpu.SemaphoreType.DMA,
        pltpu.SemaphoreType.DMA,
        pltpu.SemaphoreType.DMA,
        pltpu.SemaphoreType.DMA,
        pltpu.SemaphoreType.DMA,
    ],
)
def _gather_rows(x_hbm, pe_hbm, out_hbm, idx_v, rows_v,
                 g0, g1, g2, g3, g4, g5, s0, s1, s2, s3, s4, s5):
    gsem = (g0, g1, g2, g3, g4, g5)
    ssem = (s0, s1, s2, s3, s4, s5)
    wid = lax.axis_index("s") * NC + lax.axis_index("c")
    base = wid * B_PER_W
    pltpu.sync_copy(x_hbm.at[pl.ds(base, B_PER_W)], idx_v)

    def start_gather(c, b):
        return pltpu.async_copy(
            pe_hbm.at[idx_v.at[pl.ds(c * CH, CH)]], rows_v.at[b], gsem[b])

    gathers = [start_gather(b, b) for b in range(NBUF)]
    stores = [None] * NBUF
    for c in range(NCH):
        b = c % NBUF
        gathers[b].wait()
        stores[b] = pltpu.async_copy(
            rows_v.at[b], out_hbm.at[pl.ds(base + c * CH, CH)], ssem[b])
        gc = c - 1 + NBUF
        if c >= 1 and gc < NCH:
            stores[(c - 1) % NBUF].wait()
            gathers[gc % NBUF] = start_gather(gc, gc % NBUF)
    for i in range(NCH - NBUF, NCH):
        stores[i % NBUF].wait()


def kernel(x, pe):
    out = _gather_rows(x.reshape(N), pe)
    return out.reshape(x.shape + (D,))

# --- scband reference (transcript-rebuilt; emitter-appended) ---
"""Pipeline reference for scband-positional-embedding-11063835754681 (READ-ONLY COPY).

The authoritative reference and input builder live on the scoring server;
editing this copy changes nothing except your own understanding.
"""

import math
import jax, jax.numpy as jnp
import numpy as np

MAX_LEN = 4096
X_DIM = 1024


def _make_pe(max_len=MAX_LEN, x_dim=X_DIM):
    # Faithful reproduction of the torch sinusoidal positional embedding buffer.
    position = np.arange(0, max_len, dtype=np.float32)[:, None]
    div_term = np.exp(np.arange(0, x_dim, 2, dtype=np.float32) * -(math.log(10000.0) / x_dim))
    pe = np.zeros((max_len, x_dim), dtype=np.float32)
    pe[:, 0::2] = np.sin(position * div_term)
    pe[:, 1::2] = np.cos(position * div_term)
    return jnp.asarray(pe)


def setup_inputs(seed: int = 0) -> dict:
    key = jax.random.key(seed)
    # position indices into the pe table; int32 used on-device (values < 4096 fit easily)
    x = jax.random.randint(key, (4, 4096), 0, MAX_LEN, dtype=jnp.int32)
    pe = _make_pe()
    return {"x": x, "pe": pe}


def reference(x, pe):
    # torch: self.pe[x, :]  -> gather rows of pe by x
    return jnp.take(pe, x, axis=0)

if __name__ == "__main__":
    import jax
    _d = setup_inputs()
    print(jax.jit(kernel)(*tuple(_d.values())))

</pallas_src>

<mosaic_0001>
#map = affine_map<(d0, d1) -> (0)>
#map1 = affine_map<(d0, d1) -> (0, 0)>
module attributes {stable_mosaic.version = 14 : i64} {
  func.func @_gather_rows(%arg0: i32, %arg1: i32, %arg2: memref<16384xi32, #tpu.memory_space<hbm>>, %arg3: memref<4096x1024xf32, #tpu.memory_space<hbm>>, %arg4: memref<16384x1024xf32, #tpu.memory_space<hbm>>, %arg5: memref<512xi32, #tpu.memory_space<vmem>>, %arg6: memref<6x16x1024xf32, #tpu.memory_space<vmem>>, %arg7: memref<!tpu.dma_semaphore, #tpu.memory_space<semaphore_mem>>, %arg8: memref<!tpu.dma_semaphore, #tpu.memory_space<semaphore_mem>>, %arg9: memref<!tpu.dma_semaphore, #tpu.memory_space<semaphore_mem>>, %arg10: memref<!tpu.dma_semaphore, #tpu.memory_space<semaphore_mem>>, %arg11: memref<!tpu.dma_semaphore, #tpu.memory_space<semaphore_mem>>, %arg12: memref<!tpu.dma_semaphore, #tpu.memory_space<semaphore_mem>>, %arg13: memref<!tpu.dma_semaphore, #tpu.memory_space<semaphore_mem>>, %arg14: memref<!tpu.dma_semaphore, #tpu.memory_space<semaphore_mem>>, %arg15: memref<!tpu.dma_semaphore, #tpu.memory_space<semaphore_mem>>, %arg16: memref<!tpu.dma_semaphore, #tpu.memory_space<semaphore_mem>>, %arg17: memref<!tpu.dma_semaphore, #tpu.memory_space<semaphore_mem>>, %arg18: memref<!tpu.dma_semaphore, #tpu.memory_space<semaphore_mem>>) attributes {dimension_semantics = [#tpu.dimension_semantics<core_parallel>, #tpu.dimension_semantics<subcore_parallel>], iteration_bounds = array<i64: 2, 16>, scalar_prefetch = 0 : i64, scratch_operands = 14 : i64, tpu.core_type = #tpu.core_type<sc_vector_subcore>, window_params = [{transform_indices = #map}, {transform_indices = #map1}, {transform_indices = #map1}]} {
    %mul3A = arith.constant 2 : i32
    %mul3A_0 = arith.muli %arg1, %mul3A : i32
    %add3A = arith.addi %mul3A_0, %arg0 : i32
    %mul3A_1 = arith.constant 512 : i32
    %mul3A_2 = arith.muli %add3A, %mul3A_1 : i32
    "tpu.region"() ({
      %run_scoped3A = tpu.sem_alloc : memref<!tpu.dma_semaphore, #tpu.memory_space<semaphore_mem>>
      %dma_start3A_1537 = tpu.memref_slice %arg2[%mul3A_2] : memref<16384xi32, #tpu.memory_space<hbm>> -> memref<512xi32, #tpu.memory_space<hbm>>
      %dma_start3A_1538 = tpu.memref_slice %arg2[%mul3A_2] : memref<16384xi32, #tpu.memory_space<hbm>> -> memref<512xi32, #tpu.memory_space<hbm>>
      tpu.enqueue_dma source(%dma_start3A_1538 : memref<512xi32, #tpu.memory_space<hbm>>) target(%arg5 : memref<512xi32, #tpu.memory_space<vmem>>) target_semaphore(%run_scoped3A : memref<!tpu.dma_semaphore, #tpu.memory_space<semaphore_mem>>)
      %dma_wait3A_1539 = tpu.memref_slice %arg2[%mul3A_2] : memref<16384xi32, #tpu.memory_space<hbm>> -> memref<512xi32, #tpu.memory_space<hbm>>
      %dma_wait3A_1540 = tpu.memref_slice %arg2[%mul3A_2] : memref<16384xi32, #tpu.memory_space<hbm>> -> memref<512xi32, #tpu.memory_space<hbm>>
      tpu.wait_dma2 semaphore(%run_scoped3A : memref<!tpu.dma_semaphore, #tpu.memory_space<semaphore_mem>>) src(%dma_wait3A_1540 : memref<512xi32, #tpu.memory_space<hbm>>) dst(%arg5 : memref<512xi32, #tpu.memory_space<vmem>>)
      tpu.yield
    }) : () -> ()
    %dma_start3A = arith.constant 0 : i32
    %dma_start3A_3 = arith.constant 0 : i32
    %dma_start3A_4 = arith.constant 0 : i32
    %dma_start3A_5 = tpu.memref_slice %arg6[%dma_start3A, %dma_start3A_3, %dma_start3A_4] : memref<6x16x1024xf32, #tpu.memory_space<vmem>> -> memref<1x16x1024xf32, #tpu.memory_space<vmem>>
    %dma_start3A_6 = tpu.memref_squeeze %dma_start3A_5 : memref<1x16x1024xf32, #tpu.memory_space<vmem>> -> memref<16x1024xf32, #tpu.memory_space<vmem>>
    %dma_start3A_7 = arith.constant 0 : i32
    %dma_start3A_8 = tpu.memref_slice %arg5[%dma_start3A_7] : memref<512xi32, #tpu.memory_space<vmem>> -> memref<16xi32, #tpu.memory_space<vmem>>
    %dma_start3A_9 = arith.constant 0 : i32
    %dma_start3A_10 = arith.constant 0 : i32
    %dma_start3A_11 = tpu.memref_slice %arg3[%dma_start3A_9, %dma_start3A_10] : memref<4096x1024xf32, #tpu.memory_space<hbm>> -> memref<4096x1024xf32, #tpu.memory_space<hbm>>
    tpu.enqueue_indirect_dma source(%dma_start3A_11 : memref<4096x1024xf32, #tpu.memory_space<hbm>>) target(%dma_start3A_6 : memref<16x1024xf32, #tpu.memory_space<vmem>>) offsets(%dma_start3A_8 : memref<16xi32, #tpu.memory_space<vmem>>) semaphore(%arg7 : memref<!tpu.dma_semaphore, #tpu.memory_space<semaphore_mem>>)
    %dma_start3A_12 = arith.constant 1 : i32
    %dma_start3A_13 = arith.constant 0 : i32
    %dma_start3A_14 = arith.constant 0 : i32
    %dma_start3A_15 = tpu.memref_slice %arg6[%dma_start3A_12, %dma_start3A_13, %dma_start3A_14] : memref<6x16x1024xf32, #tpu.memory_space<vmem>> -> memref<1x16x1024xf32, #tpu.memory_space<vmem>>
    %dma_start3A_16 = tpu.memref_squeeze %dma_start3A_15 : memref<1x16x1024xf32, #tpu.memory_space<vmem>> -> memref<16x1024xf32, #tpu.memory_space<vmem>>
    %dma_start3A_17 = arith.constant 16 : i32
    %dma_start3A_18 = tpu.memref_slice %arg5[%dma_start3A_17] : memref<512xi32, #tpu.memory_space<vmem>> -> memref<16xi32, #tpu.memory_space<vmem>>
    %dma_start3A_19 = arith.constant 0 : i32
    %dma_start3A_20 = arith.constant 0 : i32
    %dma_start3A_21 = tpu.memref_slice %arg3[%dma_start3A_19, %dma_start3A_20] : memref<4096x1024xf32, #tpu.memory_space<hbm>> -> memref<4096x1024xf32, #tpu.memory_space<hbm>>
    tpu.enqueue_indirect_dma source(%dma_start3A_21 : memref<4096x1024xf32, #tpu.memory_space<hbm>>) target(%dma_start3A_16 : memref<16x1024xf32, #tpu.memory_space<vmem>>) offsets(%dma_start3A_18 : memref<16xi32, #tpu.memory_space<vmem>>) semaphore(%arg8 : memref<!tpu.dma_semaphore, #tpu.memory_space<semaphore_mem>>)
    %dma_start3A_22 = arith.constant 2 : i32
    %dma_start3A_23 = arith.constant 0 : i32
    %dma_start3A_24 = arith.constant 0 : i32
    %dma_start3A_25 = tpu.memref_slice %arg6[%dma_start3A_22, %dma_start3A_23, %dma_start3A_24] : memref<6x16x1024xf32, #tpu.memory_space<vmem>> -> memref<1x16x1024xf32, #tpu.memory_space<vmem>>
    %dma_start3A_26 = tpu.memref_squeeze %dma_start3A_25 : memref<1x16x1024xf32, #tpu.memory_space<vmem>> -> memref<16x1024xf32, #tpu.memory_space<vmem>>
    %dma_start3A_27 = arith.constant 32 : i32
    %dma_start3A_28 = tpu.memref_slice %arg5[%dma_start3A_27] : memref<512xi32, #tpu.memory_space<vmem>> -> memref<16xi32, #tpu.memory_space<vmem>>
    %dma_start3A_29 = arith.constant 0 : i32
    %dma_start3A_30 = arith.constant 0 : i32
    %dma_start3A_31 = tpu.memref_slice %arg3[%dma_start3A_29, %dma_start3A_30] : memref<4096x1024xf32, #tpu.memory_space<hbm>> -> memref<4096x1024xf32, #tpu.memory_space<hbm>>
    tpu.enqueue_indirect_dma source(%dma_start3A_31 : memref<4096x1024xf32, #tpu.memory_space<hbm>>) target(%dma_start3A_26 : memref<16x1024xf32, #tpu.memory_space<vmem>>) offsets(%dma_start3A_28 : memref<16xi32, #tpu.memory_space<vmem>>) semaphore(%arg9 : memref<!tpu.dma_semaphore, #tpu.memory_space<semaphore_mem>>)
    %dma_start3A_32 = arith.constant 3 : i32
    %dma_start3A_33 = arith.constant 0 : i32
    %dma_start3A_34 = arith.constant 0 : i32
    %dma_start3A_35 = tpu.memref_slice %arg6[%dma_start3A_32, %dma_start3A_33, %dma_start3A_34] : memref<6x16x1024xf32, #tpu.memory_space<vmem>> -> memref<1x16x1024xf32, #tpu.memory_space<vmem>>
    %dma_start3A_36 = tpu.memref_squeeze %dma_start3A_35 : memref<1x16x1024xf32, #tpu.memory_space<vmem>> -> memref<16x1024xf32, #tpu.memory_space<vmem>>
    %dma_start3A_37 = arith.constant 48 : i32
    %dma_start3A_38 = tpu.memref_slice %arg5[%dma_start3A_37] : memref<512xi32, #tpu.memory_space<vmem>> -> memref<16xi32, #tpu.memory_space<vmem>>
    %dma_start3A_39 = arith.constant 0 : i32
    %dma_start3A_40 = arith.constant 0 : i32
    %dma_start3A_41 = tpu.memref_slice %arg3[%dma_start3A_39, %dma_start3A_40] : memref<4096x1024xf32, #tpu.memory_space<hbm>> -> memref<4096x1024xf32, #tpu.memory_space<hbm>>
    tpu.enqueue_indirect_dma source(%dma_start3A_41 : memref<4096x1024xf32, #tpu.memory_space<hbm>>) target(%dma_start3A_36 : memref<16x1024xf32, #tpu.memory_space<vmem>>) offsets(%dma_start3A_38 : memref<16xi32, #tpu.memory_space<vmem>>) semaphore(%arg10 : memref<!tpu.dma_semaphore, #tpu.memory_space<semaphore_mem>>)
    %dma_start3A_42 = arith.constant 4 : i32
    %dma_start3A_43 = arith.constant 0 : i32
    %dma_start3A_44 = arith.constant 0 : i32
    %dma_start3A_45 = tpu.memref_slice %arg6[%dma_start3A_42, %dma_start3A_43, %dma_start3A_44] : memref<6x16x1024xf32, #tpu.memory_space<vmem>> -> memref<1x16x1024xf32, #tpu.memory_space<vmem>>
    %dma_start3A_46 = tpu.memref_squeeze %dma_start3A_45 : memref<1x16x1024xf32, #tpu.memory_space<vmem>> -> memref<16x1024xf32, #tpu.memory_space<vmem>>
    %dma_start3A_47 = arith.constant 64 : i32
    %dma_start3A_48 = tpu.memref_slice %arg5[%dma_start3A_47] : memref<512xi32, #tpu.memory_space<vmem>> -> memref<16xi32, #tpu.memory_space<vmem>>
    %dma_start3A_49 = arith.constant 0 : i32
    %dma_start3A_50 = arith.constant 0 : i32
    %dma_start3A_51 = tpu.memref_slice %arg3[%dma_start3A_49, %dma_start3A_50] : memref<4096x1024xf32, #tpu.memory_space<hbm>> -> memref<4096x1024xf32, #tpu.memory_space<hbm>>
    tpu.enqueue_indirect_dma source(%dma_start3A_51 : memref<4096x1024xf32, #tpu.memory_space<hbm>>) target(%dma_start3A_46 : memref<16x1024xf32, #tpu.memory_space<vmem>>) offsets(%dma_start3A_48 : memref<16xi32, #tpu.memory_space<vmem>>) semaphore(%arg11 : memref<!tpu.dma_semaphore, #tpu.memory_space<semaphore_mem>>)
    %dma_start3A_52 = arith.constant 5 : i32
    %dma_start3A_53 = arith.constant 0 : i32
    %dma_start3A_54 = arith.constant 0 : i32
    %dma_start3A_55 = tpu.memref_slice %arg6[%dma_start3A_52, %dma_start3A_53, %dma_start3A_54] : memref<6x16x1024xf32, #tpu.memory_space<vmem>> -> memref<1x16x1024xf32, #tpu.memory_space<vmem>>
    %dma_start3A_56 = tpu.memref_squeeze %dma_start3A_55 : memref<1x16x1024xf32, #tpu.memory_space<vmem>> -> memref<16x1024xf32, #tpu.memory_space<vmem>>
    %dma_start3A_57 = arith.constant 80 : i32
    %dma_start3A_58 = tpu.memref_slice %arg5[%dma_start3A_57] : memref<512xi32, #tpu.memory_space<vmem>> -> memref<16xi32, #tpu.memory_space<vmem>>
    %dma_start3A_59 = arith.constant 0 : i32
    %dma_start3A_60 = arith.constant 0 : i32
    %dma_start3A_61 = tpu.memref_slice %arg3[%dma_start3A_59, %dma_start3A_60] : memref<4096x1024xf32, #tpu.memory_space<hbm>> -> memref<4096x1024xf32, #tpu.memory_space<hbm>>
    tpu.enqueue_indirect_dma source(%dma_start3A_61 : memref<4096x1024xf32, #tpu.memory_space<hbm>>) target(%dma_start3A_56 : memref<16x1024xf32, #tpu.memory_space<vmem>>) offsets(%dma_start3A_58 : memref<16xi32, #tpu.memory_space<vmem>>) semaphore(%arg12 : memref<!tpu.dma_semaphore, #tpu.memory_space<semaphore_mem>>)
    %dma_wait3A = arith.constant 0 : i32
    %dma_wait3A_62 = arith.constant 0 : i32
    %dma_wait3A_63 = arith.constant 0 : i32
    %dma_wait3A_64 = tpu.memref_slice %arg6[%dma_wait3A, %dma_wait3A_62, %dma_wait3A_63] : memref<6x16x1024xf32, #tpu.memory_space<vmem>> -> memref<1x16x1024xf32, #tpu.memory_space<vmem>>
    %dma_wait3A_65 = tpu.memref_squeeze %dma_wait3A_64 : memref<1x16x1024xf32, #tpu.memory_space<vmem>> -> memref<16x1024xf32, #tpu.memory_space<vmem>>
    %dma_wait3A_66 = arith.constant 0 : i32
    %dma_wait3A_67 = tpu.memref_slice %arg5[%dma_wait3A_66] : memref<512xi32, #tpu.memory_space<vmem>> -> memref<16xi32, #tpu.memory_space<vmem>>
    %dma_wait3A_68 = arith.constant 0 : i32
    %dma_wait3A_69 = arith.constant 0 : i32
    %dma_wait3A_70 = tpu.memref_slice %arg3[%dma_wait3A_68, %dma_wait3A_69] : memref<4096x1024xf32, #tpu.memory_space<hbm>> -> memref<4096x1024xf32, #tpu.memory_space<hbm>>
    tpu.wait_indirect_dma semaphore(%arg7 : memref<!tpu.dma_semaphore, #tpu.memory_space<semaphore_mem>>) src(%dma_wait3A_70 : memref<4096x1024xf32, #tpu.memory_space<hbm>>) dst(%dma_wait3A_65 : memref<16x1024xf32, #tpu.memory_space<vmem>>)
    %add3A_71 = arith.constant 0 : i32
    %add3A_72 = arith.addi %mul3A_2, %add3A_71 : i32
    %dma_start3A_73 = arith.constant 0 : i32
    %dma_start3A_74 = arith.constant 0 : i32
    %dma_start3A_75 = arith.constant 0 : i32
    %dma_start3A_76 = tpu.memref_slice %arg6[%dma_start3A_73, %dma_start3A_74, %dma_start3A_75] : memref<6x16x1024xf32, #tpu.memory_space<vmem>> -> memref<1x16x1024xf32, #tpu.memory_space<vmem>>
    %dma_start3A_77 = tpu.memref_squeeze %dma_start3A_76 : memref<1x16x1024xf32, #tpu.memory_space<vmem>> -> memref<16x1024xf32, #tpu.memory_space<vmem>>
    %dma_start3A_78 = arith.constant 0 : i32
    %dma_start3A_79 = tpu.memref_slice %arg4[%add3A_72, %dma_start3A_78] : memref<16384x1024xf32, #tpu.memory_space<hbm>> -> memref<16x1024xf32, #tpu.memory_space<hbm>>
    %dma_start3A_80 = arith.constant 0 : i32
    %dma_start3A_81 = tpu.memref_slice %arg4[%add3A_72, %dma_start3A_80] : memref<16384x1024xf32, #tpu.memory_space<hbm>> -> memref<16x1024xf32, #tpu.memory_space<hbm>>
    %dma_start3A_82 = arith.constant 0 : i32
    %dma_start3A_83 = arith.constant 0 : i32
    %dma_start3A_84 = tpu.memref_slice %arg6[%dma_start3A_73, %dma_start3A_82, %dma_start3A_83] : memref<6x16x1024xf32, #tpu.memory_space<vmem>> -> memref<1x16x1024xf32, #tpu.memory_space<vmem>>
    %dma_start3A_85 = tpu.memref_squeeze %dma_start3A_84 : memref<1x16x1024xf32, #tpu.memory_space<vmem>> -> memref<16x1024xf32, #tpu.memory_space<vmem>>
    tpu.enqueue_dma source(%dma_start3A_85 : memref<16x1024xf32, #tpu.memory_space<vmem>>) target(%dma_start3A_81 : memref<16x1024xf32, #tpu.memory_space<hbm>>) target_semaphore(%arg13 : memref<!tpu.dma_semaphore, #tpu.memory_space<semaphore_mem>>)
    %dma_wait3A_86 = arith.constant 1 : i32
    %dma_wait3A_87 = arith.constant 0 : i32
    %dma_wait3A_88 = arith.constant 0 : i32
    %dma_wait3A_89 = tpu.memref_slice %arg6[%dma_wait3A_86, %dma_wait3A_87, %dma_wait3A_88] : memref<6x16x1024xf32, #tpu.memory_space<vmem>> -> memref<1x16x1024xf32, #tpu.memory_space<vmem>>
    %dma_wait3A_90 = tpu.memref_squeeze %dma_wait3A_89 : memref<1x16x1024xf32, #tpu.memory_space<vmem>> -> memref<16x1024xf32, #tpu.memory_space<vmem>>
    %dma_wait3A_91 = arith.constant 16 : i32
    %dma_wait3A_92 = tpu.memref_slice %arg5[%dma_wait3A_91] : memref<512xi32, #tpu.memory_space<vmem>> -> memref<16xi32, #tpu.memory_space<vmem>>
    %dma_wait3A_93 = arith.constant 0 : i32
    %dma_wait3A_94 = arith.constant 0 : i32
    %dma_wait3A_95 = tpu.memref_slice %arg3[%dma_wait3A_93, %dma_wait3A_94] : memref<4096x1024xf32, #tpu.memory_space<hbm>> -> memref<4096x1024xf32, #tpu.memory_space<hbm>>
    tpu.wait_indirect_dma semaphore(%arg8 : memref<!tpu.dma_semaphore, #tpu.memory_space<semaphore_mem>>) src(%dma_wait3A_95 : memref<4096x1024xf32, #tpu.memory_space<hbm>>) dst(%dma_wait3A_90 : memref<16x1024xf32, #tpu.memory_space<vmem>>)
    %add3A_96 = arith.constant 16 : i32
    %add3A_97 = arith.addi %mul3A_2, %add3A_96 : i32
    %dma_start3A_98 = arith.constant 1 : i32
    %dma_start3A_99 = arith.constant 0 : i32
    %dma_start3A_100 = arith.constant 0 : i32
    %dma_start3A_101 = tpu.memref_slice %arg6[%dma_start3A_98, %dma_start3A_99, %dma_start3A_100] : memref<6x16x1024xf32, #tpu.memory_space<vmem>> -> memref<1x16x1024xf32, #tpu.memory_space<vmem>>
    %dma_start3A_102 = tpu.memref_squeeze %dma_start3A_101 : memref<1x16x1024xf32, #tpu.memory_space<vmem>> -> memref<16x1024xf32, #tpu.memory_space<vmem>>
    %dma_start3A_103 = arith.constant 0 : i32
    %dma_start3A_104 = tpu.memref_slice %arg4[%add3A_97, %dma_start3A_103] : memref<16384x1024xf32, #tpu.memory_space<hbm>> -> memref<16x1024xf32, #tpu.memory_space<hbm>>
    %dma_start3A_105 = arith.constant 0 : i32
    %dma_start3A_106 = tpu.memref_slice %arg4[%add3A_97, %dma_start3A_105] : memref<16384x1024xf32, #tpu.memory_space<hbm>> -> memref<16x1024xf32, #tpu.memory_space<hbm>>
    %dma_start3A_107 = arith.constant 0 : i32
    %dma_start3A_108 = arith.constant 0 : i32
    %dma_start3A_109 = tpu.memref_slice %arg6[%dma_start3A_98, %dma_start3A_107, %dma_start3A_108] : memref<6x16x1024xf32, #tpu.memory_space<vmem>> -> memref<1x16x1024xf32, #tpu.memory_space<vmem>>
    %dma_start3A_110 = tpu.memref_squeeze %dma_start3A_109 : memref<1x16x1024xf32, #tpu.memory_space<vmem>> -> memref<16x1024xf32, #tpu.memory_space<vmem>>
    tpu.enqueue_dma source(%dma_start3A_110 : memref<16x1024xf32, #tpu.memory_space<vmem>>) target(%dma_start3A_106 : memref<16x1024xf32, #tpu.memory_space<hbm>>) target_semaphore(%arg14 : memref<!tpu.dma_semaphore, #tpu.memory_space<semaphore_mem>>)
    %dma_wait3A_111 = arith.constant 0 : i32
    %dma_wait3A_112 = arith.constant 0 : i32
    %dma_wait3A_113 = arith.constant 0 : i32
    %dma_wait3A_114 = tpu.memref_slice %arg6[%dma_wait3A_111, %dma_wait3A_112, %dma_wait3A_113] : memref<6x16x1024xf32, #tpu.memory_space<vmem>> -> memref<1x16x1024xf32, #tpu.memory_space<vmem>>
    %dma_wait3A_115 = tpu.memref_squeeze %dma_wait3A_114 : memref<1x16x1024xf32, #tpu.memory_space<vmem>> -> memref<16x1024xf32, #tpu.memory_space<vmem>>
    %dma_wait3A_116 = arith.constant 0 : i32
    %dma_wait3A_117 = tpu.memref_slice %arg4[%add3A_72, %dma_wait3A_116] : memref<16384x1024xf32, #tpu.memory_space<hbm>> -> memref<16x1024xf32, #tpu.memory_space<hbm>>
    %dma_wait3A_118 = arith.constant 0 : i32
    %dma_wait3A_119 = tpu.memref_slice %arg4[%add3A_72, %dma_wait3A_118] : memref<16384x1024xf32, #tpu.memory_space<hbm>> -> memref<16x1024xf32, #tpu.memory_space<hbm>>
    %dma_wait3A_120 = arith.constant 0 : i32
    %dma_wait3A_121 = arith.constant 0 : i32
    %dma_wait3A_122 = tpu.memref_slice %arg6[%dma_wait3A_111, %dma_wait3A_120, %dma_wait3A_121] : memref<6x16x1024xf32, #tpu.memory_space<vmem>> -> memref<1x16x1024xf32, #tpu.memory_space<vmem>>
    %dma_wait3A_123 = tpu.memref_squeeze %dma_wait3A_122 : memref<1x16x1024xf32, #tpu.memory_space<vmem>> -> memref<16x1024xf32, #tpu.memory_space<vmem>>
    tpu.wait_dma2 semaphore(%arg13 : memref<!tpu.dma_semaphore, #tpu.memory_space<semaphore_mem>>) src(%dma_wait3A_123 : memref<16x1024xf32, #tpu.memory_space<vmem>>) dst(%dma_wait3A_119 : memref<16x1024xf32, #tpu.memory_space<hbm>>)
    %dma_start3A_124 = arith.constant 0 : i32
    %dma_start3A_125 = arith.constant 0 : i32
    %dma_start3A_126 = arith.constant 0 : i32
    %dma_start3A_127 = tpu.memref_slice %arg6[%dma_start3A_124, %dma_start3A_125, %dma_start3A_126] : memref<6x16x1024xf32, #tpu.memory_space<vmem>> -> memref<1x16x1024xf32, #tpu.memory_space<vmem>>
    %dma_start3A_128 = tpu.memref_squeeze %dma_start3A_127 : memref<1x16x1024xf32, #tpu.memory_space<vmem>> -> memref<16x1024xf32, #tpu.memory_space<vmem>>
    %dma_start3A_129 = arith.constant 96 : i32
    %dma_start3A_130 = tpu.memref_slice %arg5[%dma_start3A_129] : memref<512xi32, #tpu.memory_space<vmem>> -> memref<16xi32, #tpu.memory_space<vmem>>
    %dma_start3A_131 = arith.constant 0 : i32
    %dma_start3A_132 = arith.constant 0 : i32
    %dma_start3A_133 = tpu.memref_slice %arg3[%dma_start3A_131, %dma_start3A_132] : memref<4096x1024xf32, #tpu.memory_space<hbm>> -> memref<4096x1024xf32, #tpu.memory_space<hbm>>
    tpu.enqueue_indirect_dma source(%dma_start3A_133 : memref<4096x1024xf32, #tpu.memory_space<hbm>>) target(%dma_start3A_128 : memref<16x1024xf32, #tpu.memory_space<vmem>>) offsets(%dma_start3A_130 : memref<16xi32, #tpu.memory_space<vmem>>) semaphore(%arg7 : memref<!tpu.dma_semaphore, #tpu.memory_space<semaphore_mem>>)
    %dma_wait3A_134 = arith.constant 2 : i32
    %dma_wait3A_135 = arith.constant 0 : i32
    %dma_wait3A_136 = arith.constant 0 : i32
    %dma_wait3A_137 = tpu.memref_slice %arg6[%dma_wait3A_134, %dma_wait3A_135, %dma_wait3A_136] : memref<6x16x1024xf32, #tpu.memory_space<vmem>> -> memref<1x16x1024xf32, #tpu.memory_space<vmem>>
    %dma_wait3A_138 = tpu.memref_squeeze %dma_wait3A_137 : memref<1x16x1024xf32, #tpu.memory_space<vmem>> -> memref<16x1024xf32, #tpu.memory_space<vmem>>
    %dma_wait3A_139 = arith.constant 32 : i32
    %dma_wait3A_140 = tpu.memref_slice %arg5[%dma_wait3A_139] : memref<512xi32, #tpu.memory_space<vmem>> -> memref<16xi32, #tpu.memory_space<vmem>>
    %dma_wait3A_141 = arith.constant 0 : i32
    %dma_wait3A_142 = arith.constant 0 : i32
    %dma_wait3A_143 = tpu.memref_slice %arg3[%dma_wait3A_141, %dma_wait3A_142] : memref<4096x1024xf32, #tpu.memory_space<hbm>> -> memref<4096x1024xf32, #tpu.memory_space<hbm>>
    tpu.wait_indirect_dma semaphore(%arg9 : memref<!tpu.dma_semaphore, #tpu.memory_space<semaphore_mem>>) src(%dma_wait3A_143 : memref<4096x1024xf32, #tpu.memory_space<hbm>>) dst(%dma_wait3A_138 : memref<16x1024xf32, #tpu.memory_space<vmem>>)
    %add3A_144 = arith.constant 32 : i32
    %add3A_145 = arith.addi %mul3A_2, %add3A_144 : i32
    %dma_start3A_146 = arith.constant 2 : i32
    %dma_start3A_147 = arith.constant 0 : i32
    %dma_start3A_148 = arith.constant 0 : i32
    %dma_start3A_149 = tpu.memref_slice %arg6[%dma_start3A_146, %dma_start3A_147, %dma_start3A_148] : memref<6x16x1024xf32, #tpu.memory_space<vmem>> -> memref<1x16x1024xf32, #tpu.memory_space<vmem>>
    %dma_start3A_150 = tpu.memref_squeeze %dma_start3A_149 : memref<1x16x1024xf32, #tpu.memory_space<vmem>> -> memref<16x1024xf32, #tpu.memory_space<vmem>>
    %dma_start3A_151 = arith.constant 0 : i32
    %dma_start3A_152 = tpu.memref_slice %arg4[%add3A_145, %dma_start3A_151] : memref<16384x1024xf32, #tpu.memory_space<hbm>> -> memref<16x1024xf32, #tpu.memory_space<hbm>>
    %dma_start3A_153 = arith.constant 0 : i32
    %dma_start3A_154 = tpu.memref_slice %arg4[%add3A_145, %dma_start3A_153] : memref<16384x1024xf32, #tpu.memory_space<hbm>> -> memref<16x1024xf32, #tpu.memory_space<hbm>>
    %dma_start3A_155 = arith.constant 0 : i32
    %dma_start3A_156 = arith.constant 0 : i32
    %dma_start3A_157 = tpu.memref_slice %arg6[%dma_start3A_146, %dma_start3A_155, %dma_start3A_156] : memref<6x16x1024xf32, #tpu.memory_space<vmem>> -> memref<1x16x1024xf32, #tpu.memory_space<vmem>>
    %dma_start3A_158 = tpu.memref_squeeze %dma_start3A_157 : memref<1x16x1024xf32, #tpu.memory_space<vmem>> -> memref<16x1024xf32, #tpu.memory_space<vmem>>
    tpu.enqueue_dma source(%dma_start3A_158 : memref<16x1024xf32, #tpu.memory_space<vmem>>) target(%dma_start3A_154 : memref<16x1024xf32, #tpu.memory_space<hbm>>) target_semaphore(%arg15 : memref<!tpu.dma_semaphore, #tpu.memory_space<semaphore_mem>>)
    %dma_wait3A_159 = arith.constant 1 : i32
    %dma_wait3A_160 = arith.constant 0 : i32
    %dma_wait3A_161 = arith.constant 0 : i32
    %dma_wait3A_162 = tpu.memref_slice %arg6[%dma_wait3A_159, %dma_wait3A_160, %dma_wait3A_161] : memref<6x16x1024xf32, #tpu.memory_space<vmem>> -> memref<1x16x1024xf32, #tpu.memory_space<vmem>>
    %dma_wait3A_163 = tpu.memref_squeeze %dma_wait3A_162 : memref<1x16x1024xf32, #tpu.memory_space<vmem>> -> memref<16x1024xf32, #tpu.memory_space<vmem>>
    %dma_wait3A_164 = arith.constant 0 : i32
    %dma_wait3A_165 = tpu.memref_slice %arg4[%add3A_97, %dma_wait3A_164] : memref<16384x1024xf32, #tpu.memory_space<hbm>> -> memref<16x1024xf32, #tpu.memory_space<hbm>>
    %dma_wait3A_166 = arith.constant 0 : i32
    %dma_wait3A_167 = tpu.memref_slice %arg4[%add3A_97, %dma_wait3A_166] : memref<16384x1024xf32, #tpu.memory_space<hbm>> -> memref<16x1024xf32, #tpu.memory_space<hbm>>
    %dma_wait3A_168 = arith.constant 0 : i32
    %dma_wait3A_169 = arith.constant 0 : i32
    %dma_wait3A_170 = tpu.memref_slice %arg6[%dma_wait3A_159, %dma_wait3A_168, %dma_wait3A_169] : memref<6x16x1024xf32, #tpu.memory_space<vmem>> -> memref<1x16x1024xf32, #tpu.memory_space<vmem>>
    %dma_wait3A_171 = tpu.memref_squeeze %dma_wait3A_170 : memref<1x16x1024xf32, #tpu.memory_space<vmem>> -> memref<16x1024xf32, #tpu.memory_space<vmem>>
    tpu.wait_dma2 semaphore(%arg14 : memref<!tpu.dma_semaphore, #tpu.memory_space<semaphore_mem>>) src(%dma_wait3A_171 : memref<16x1024xf32, #tpu.memory_space<vmem>>) dst(%dma_wait3A_167 : memref<16x1024xf32, #tpu.memory_space<hbm>>)
    %dma_start3A_172 = arith.constant 1 : i32
    %dma_start3A_173 = arith.constant 0 : i32
    %dma_start3A_174 = arith.constant 0 : i32
    %dma_start3A_175 = tpu.memref_slice %arg6[%dma_start3A_172, %dma_start3A_173, %dma_start3A_174] : memref<6x16x1024xf32, #tpu.memory_space<vmem>> -> memref<1x16x1024xf32, #tpu.memory_space<vmem>>
    %dma_start3A_176 = tpu.memref_squeeze %dma_start3A_175 : memref<1x16x1024xf32, #tpu.memory_space<vmem>> -> memref<16x1024xf32, #tpu.memory_space<vmem>>
    %dma_start3A_177 = arith.constant 112 : i32
    %dma_start3A_178 = tpu.memref_slice %arg5[%dma_start3A_177] : memref<512xi32, #tpu.memory_space<vmem>> -> memref<16xi32, #tpu.memory_space<vmem>>
    %dma_start3A_179 = arith.constant 0 : i32
    %dma_start3A_180 = arith.constant 0 : i32
    %dma_start3A_181 = tpu.memref_slice %arg3[%dma_start3A_179, %dma_start3A_180] : memref<4096x1024xf32, #tpu.memory_space<hbm>> -> memref<4096x1024xf32, #tpu.memory_space<hbm>>
    tpu.enqueue_indirect_dma source(%dma_start3A_181 : memref<4096x1024xf32, #tpu.memory_space<hbm>>) target(%dma_start3A_176 : memref<16x1024xf32, #tpu.memory_space<vmem>>) offsets(%dma_start3A_178 : memref<16xi32, #tpu.memory_space<vmem>>) semaphore(%arg8 : memref<!tpu.dma_semaphore, #tpu.memory_space<semaphore_mem>>)
    %dma_wait3A_182 = arith.constant 3 : i32
    %dma_wait3A_183 = arith.constant 0 : i32
    %dma_wait3A_184 = arith.constant 0 : i32
    %dma_wait3A_185 = tpu.memref_slice %arg6[%dma_wait3A_182, %dma_wait3A_183, %dma_wait3A_184] : memref<6x16x1024xf32, #tpu.memory_space<vmem>> -> memref<1x16x1024xf32, #tpu.memory_space<vmem>>
    %dma_wait3A_186 = tpu.memref_squeeze %dma_wait3A_185 : memref<1x16x1024xf32, #tpu.memory_space<vmem>> -> memref<16x1024xf32, #tpu.memory_space<vmem>>
    %dma_wait3A_187 = arith.constant 48 : i32
    %dma_wait3A_188 = tpu.memref_slice %arg5[%dma_wait3A_187] : memref<512xi32, #tpu.memory_space<vmem>> -> memref<16xi32, #tpu.memory_space<vmem>>
    %dma_wait3A_189 = arith.constant 0 : i32
    %dma_wait3A_190 = arith.constant 0 : i32
    %dma_wait3A_191 = tpu.memref_slice %arg3[%dma_wait3A_189, %dma_wait3A_190] : memref<4096x1024xf32, #tpu.memory_space<hbm>> -> memref<4096x1024xf32, #tpu.memory_space<hbm>>
    tpu.wait_indirect_dma semaphore(%arg10 : memref<!tpu.dma_semaphore, #tpu.memory_space<semaphore_mem>>) src(%dma_wait3A_191 : memref<4096x1024xf32, #tpu.memory_space<hbm>>) dst(%dma_wait3A_186 : memref<16x1024xf32, #tpu.memory_space<vmem>>)
    %add3A_192 = arith.constant 48 : i32
    %add3A_193 = arith.addi %mul3A_2, %add3A_192 : i32
    %dma_start3A_194 = arith.constant 3 : i32
    %dma_start3A_195 = arith.constant 0 : i32
    %dma_start3A_196 = arith.constant 0 : i32
    %dma_start3A_197 = tpu.memref_slice %arg6[%dma_start3A_194, %dma_start3A_195, %dma_start3A_196] : memref<6x16x1024xf32, #tpu.memory_space<vmem>> -> memref<1x16x1024xf32, #tpu.memory_space<vmem>>
    %dma_start3A_198 = tpu.memref_squeeze %dma_start3A_197 : memref<1x16x1024xf32, #tpu.memory_space<vmem>> -> memref<16x1024xf32, #tpu.memory_space<vmem>>
    %dma_start3A_199 = arith.constant 0 : i32
    %dma_start3A_200 = tpu.memref_slice %arg4[%add3A_193, %dma_start3A_199] : memref<16384x1024xf32, #tpu.memory_space<hbm>> -> memref<16x1024xf32, #tpu.memory_space<hbm>>
    %dma_start3A_201 = arith.constant 0 : i32
    %dma_start3A_202 = tpu.memref_slice %arg4[%add3A_193, %dma_start3A_201] : memref<16384x1024xf32, #tpu.memory_space<hbm>> -> memref<16x1024xf32, #tpu.memory_space<hbm>>
    %dma_start3A_203 = arith.constant 0 : i32
    %dma_start3A_204 = arith.constant 0 : i32
    %dma_start3A_205 = tpu.memref_slice %arg6[%dma_start3A_194, %dma_start3A_203, %dma_start3A_204] : memref<6x16x1024xf32, #tpu.memory_space<vmem>> -> memref<1x16x1024xf32, #tpu.memory_space<vmem>>
    %dma_start3A_206 = tpu.memref_squeeze %dma_start3A_205 : memref<1x16x1024xf32, #tpu.memory_space<vmem>> -> memref<16x1024xf32, #tpu.memory_space<vmem>>
    tpu.enqueue_dma source(%dma_start3A_206 : memref<16x1024xf32, #tpu.memory_space<vmem>>) target(%dma_start3A_202 : memref<16x1024xf32, #tpu.memory_space<hbm>>) target_semaphore(%arg16 : memref<!tpu.dma_semaphore, #tpu.memory_space<semaphore_mem>>)
    %dma_wait3A_207 = arith.constant 2 : i32
    %dma_wait3A_208 = arith.constant 0 : i32
    %dma_wait3A_209 = arith.constant 0 : i32
    %dma_wait3A_210 = tpu.memref_slice %arg6[%dma_wait3A_207, %dma_wait3A_208, %dma_wait3A_209] : memref<6x16x1024xf32, #tpu.memory_space<vmem>> -> memref<1x16x1024xf32, #tpu.memory_space<vmem>>
    %dma_wait3A_211 = tpu.memref_squeeze %dma_wait3A_210 : memref<1x16x1024xf32, #tpu.memory_space<vmem>> -> memref<16x1024xf32, #tpu.memory_space<vmem>>
    %dma_wait3A_212 = arith.constant 0 : i32
    %dma_wait3A_213 = tpu.memref_slice %arg4[%add3A_145, %dma_wait3A_212] : memref<16384x1024xf32, #tpu.memory_space<hbm>> -> memref<16x1024xf32, #tpu.memory_space<hbm>>
    %dma_wait3A_214 = arith.constant 0 : i32
    %dma_wait3A_215 = tpu.memref_slice %arg4[%add3A_145, %dma_wait3A_214] : memref<16384x1024xf32, #tpu.memory_space<hbm>> -> memref<16x1024xf32, #tpu.memory_space<hbm>>
    %dma_wait3A_216 = arith.constant 0 : i32
    %dma_wait3A_217 = arith.constant 0 : i32
    %dma_wait3A_218 = tpu.memref_slice %arg6[%dma_wait3A_207, %dma_wait3A_216, %dma_wait3A_217] : memref<6x16x1024xf32, #tpu.memory_space<vmem>> -> memref<1x16x1024xf32, #tpu.memory_space<vmem>>
    %dma_wait3A_219 = tpu.memref_squeeze %dma_wait3A_218 : memref<1x16x1024xf32, #tpu.memory_space<vmem>> -> memref<16x1024xf32, #tpu.memory_space<vmem>>
    tpu.wait_dma2 semaphore(%arg15 : memref<!tpu.dma_semaphore, #tpu.memory_space<semaphore_mem>>) src(%dma_wait3A_219 : memref<16x1024xf32, #tpu.memory_space<vmem>>) dst(%dma_wait3A_215 : memref<16x1024xf32, #tpu.memory_space<hbm>>)
    %dma_start3A_220 = arith.constant 2 : i32
    %dma_start3A_221 = arith.constant 0 : i32
    %dma_start3A_222 = arith.constant 0 : i32
    %dma_start3A_223 = tpu.memref_slice %arg6[%dma_start3A_220, %dma_start3A_221, %dma_start3A_222] : memref<6x16x1024xf32, #tpu.memory_space<vmem>> -> memref<1x16x1024xf32, #tpu.memory_space<vmem>>
    %dma_start3A_224 = tpu.memref_squeeze %dma_start3A_223 : memref<1x16x1024xf32, #tpu.memory_space<vmem>> -> memref<16x1024xf32, #tpu.memory_space<vmem>>
    %dma_start3A_225 = arith.constant 128 : i32
    %dma_start3A_226 = tpu.memref_slice %arg5[%dma_start3A_225] : memref<512xi32, #tpu.memory_space<vmem>> -> memref<16xi32, #tpu.memory_space<vmem>>
    %dma_start3A_227 = arith.constant 0 : i32
    %dma_start3A_228 = arith.constant 0 : i32
    %dma_start3A_229 = tpu.memref_slice %arg3[%dma_start3A_227, %dma_start3A_228] : memref<4096x1024xf32, #tpu.memory_space<hbm>> -> memref<4096x1024xf32, #tpu.memory_space<hbm>>
    tpu.enqueue_indirect_dma source(%dma_start3A_229 : memref<4096x1024xf32, #tpu.memory_space<hbm>>) target(%dma_start3A_224 : memref<16x1024xf32, #tpu.memory_space<vmem>>) offsets(%dma_start3A_226 : memref<16xi32, #tpu.memory_space<vmem>>) semaphore(%arg9 : memref<!tpu.dma_semaphore, #tpu.memory_space<semaphore_mem>>)
    %dma_wait3A_230 = arith.constant 4 : i32
    %dma_wait3A_231 = arith.constant 0 : i32
    %dma_wait3A_232 = arith.constant 0 : i32
    %dma_wait3A_233 = tpu.memref_slice %arg6[%dma_wait3A_230, %dma_wait3A_231, %dma_wait3A_232] : memref<6x16x1024xf32, #tpu.memory_space<vmem>> -> memref<1x16x1024xf32, #tpu.memory_space<vmem>>
    %dma_wait3A_234 = tpu.memref_squeeze %dma_wait3A_233 : memref<1x16x1024xf32, #tpu.memory_space<vmem>> -> memref<16x1024xf32, #tpu.memory_space<vmem>>
    %dma_wait3A_235 = arith.constant 64 : i32
    %dma_wait3A_236 = tpu.memref_slice %arg5[%dma_wait3A_235] : memref<512xi32, #tpu.memory_space<vmem>> -> memref<16xi32, #tpu.memory_space<vmem>>
    %dma_wait3A_237 = arith.constant 0 : i32
    %dma_wait3A_238 = arith.constant 0 : i32
    %dma_wait3A_239 = tpu.memref_slice %arg3[%dma_wait3A_237, %dma_wait3A_238] : memref<4096x1024xf32, #tpu.memory_space<hbm>> -> memref<4096x1024xf32, #tpu.memory_space<hbm>>
    tpu.wait_indirect_dma semaphore(%arg11 : memref<!tpu.dma_semaphore, #tpu.memory_space<semaphore_mem>>) src(%dma_wait3A_239 : memref<4096x1024xf32, #tpu.memory_space<hbm>>) dst(%dma_wait3A_234 : memref<16x1024xf32, #tpu.memory_space<vmem>>)
    %add3A_240 = arith.constant 64 : i32
    %add3A_241 = arith.addi %mul3A_2, %add3A_240 : i32
    %dma_start3A_242 = arith.constant 4 : i32
    %dma_start3A_243 = arith.constant 0 : i32
    %dma_start3A_244 = arith.constant 0 : i32
    %dma_start3A_245 = tpu.memref_slice %arg6[%dma_start3A_242, %dma_start3A_243, %dma_start3A_244] : memref<6x16x1024xf32, #tpu.memory_space<vmem>> -> memref<1x16x1024xf32, #tpu.memory_space<vmem>>
    %dma_start3A_246 = tpu.memref_squeeze %dma_start3A_245 : memref<1x16x1024xf32, #tpu.memory_space<vmem>> -> memref<16x1024xf32, #tpu.memory_space<vmem>>
    %dma_start3A_247 = arith.constant 0 : i32
    %dma_start3A_248 = tpu.memref_slice %arg4[%add3A_241, %dma_start3A_247] : memref<16384x1024xf32, #tpu.memory_space<hbm>> -> memref<16x1024xf32, #tpu.memory_space<hbm>>
    %dma_start3A_249 = arith.constant 0 : i32
    %dma_start3A_250 = tpu.memref_slice %arg4[%add3A_241, %dma_start3A_249] : memref<16384x1024xf32, #tpu.memory_space<hbm>> -> memref<16x1024xf32, #tpu.memory_space<hbm>>
    %dma_start3A_251 = arith.constant 0 : i32
    %dma_start3A_252 = arith.constant 0 : i32
    %dma_start3A_253 = tpu.memref_slice %arg6[%dma_start3A_242, %dma_start3A_251, %dma_start3A_252] : memref<6x16x1024xf32, #tpu.memory_space<vmem>> -> memref<1x16x1024xf32, #tpu.memory_space<vmem>>
    %dma_start3A_254 = tpu.memref_squeeze %dma_start3A_253 : memref<1x16x1024xf32, #tpu.memory_space<vmem>> -> memref<16x1024xf32, #tpu.memory_space<vmem>>
    tpu.enqueue_dma source(%dma_start3A_254 : memref<16x1024xf32, #tpu.memory_space<vmem>>) target(%dma_start3A_250 : memref<16x1024xf32, #tpu.memory_space<hbm>>) target_semaphore(%arg17 : memref<!tpu.dma_semaphore, #tpu.memory_space<semaphore_mem>>)
    %dma_wait3A_255 = arith.constant 3 : i32
    %dma_wait3A_256 = arith.constant 0 : i32
    %dma_wait3A_257 = arith.constant 0 : i32
    %dma_wait3A_258 = tpu.memref_slice %arg6[%dma_wait3A_255, %dma_wait3A_256, %dma_wait3A_257] : memref<6x16x1024xf32, #tpu.memory_space<vmem>> -> memref<1x16x1024xf32, #tpu.memory_space<vmem>>
    %dma_wait3A_259 = tpu.memref_squeeze %dma_wait3A_258 : memref<1x16x1024xf32, #tpu.memory_space<vmem>> -> memref<16x1024xf32, #tpu.memory_space<vmem>>
    %dma_wait3A_260 = arith.constant 0 : i32
    %dma_wait3A_261 = tpu.memref_slice %arg4[%add3A_193, %dma_wait3A_260] : memref<16384x1024xf32, #tpu.memory_space<hbm>> -> memref<16x1024xf32, #tpu.memory_space<hbm>>
    %dma_wait3A_262 = arith.constant 0 : i32
    %dma_wait3A_263 = tpu.memref_slice %arg4[%add3A_193, %dma_wait3A_262] : memref<16384x1024xf32, #tpu.memory_space<hbm>> -> memref<16x1024xf32, #tpu.memory_space<hbm>>
    %dma_wait3A_264 = arith.constant 0 : i32
    %dma_wait3A_265 = arith.constant 0 : i32
    %dma_wait3A_266 = tpu.memref_slice %arg6[%dma_wait3A_255, %dma_wait3A_264, %dma_wait3A_265] : memref<6x16x1024xf32, #tpu.memory_space<vmem>> -> memref<1x16x1024xf32, #tpu.memory_space<vmem>>
    %dma_wait3A_267 = tpu.memref_squeeze %dma_wait3A_266 : memref<1x16x1024xf32, #tpu.memory_space<vmem>> -> memref<16x1024xf32, #tpu.memory_space<vmem>>
    tpu.wait_dma2 semaphore(%arg16 : memref<!tpu.dma_semaphore, #tpu.memory_space<semaphore_mem>>) src(%dma_wait3A_267 : memref<16x1024xf32, #tpu.memory_space<vmem>>) dst(%dma_wait3A_263 : memref<16x1024xf32, #tpu.memory_space<hbm>>)
    %dma_start3A_268 = arith.constant 3 : i32
    %dma_start3A_269 = arith.constant 0 : i32
    %dma_start3A_270 = arith.constant 0 : i32
    %dma_start3A_271 = tpu.memref_slice %arg6[%dma_start3A_268, %dma_start3A_269, %dma_start3A_270] : memref<6x16x1024xf32, #tpu.memory_space<vmem>> -> memref<1x16x1024xf32, #tpu.memory_space<vmem>>
    %dma_start3A_272 = tpu.memref_squeeze %dma_start3A_271 : memref<1x16x1024xf32, #tpu.memory_space<vmem>> -> memref<16x1024xf32, #tpu.memory_space<vmem>>
    %dma_start3A_273 = arith.constant 144 : i32
    %dma_start3A_274 = tpu.memref_slice %arg5[%dma_start3A_273] : memref<512xi32, #tpu.memory_space<vmem>> -> memref<16xi32, #tpu.memory_space<vmem>>
    %dma_start3A_275 = arith.constant 0 : i32
    %dma_start3A_276 = arith.constant 0 : i32
    %dma_start3A_277 = tpu.memref_slice %arg3[%dma_start3A_275, %dma_start3A_276] : memref<4096x1024xf32, #tpu.memory_space<hbm>> -> memref<4096x1024xf32, #tpu.memory_space<hbm>>
    tpu.enqueue_indirect_dma source(%dma_start3A_277 : memref<4096x1024xf32, #tpu.memory_space<hbm>>) target(%dma_start3A_272 : memref<16x1024xf32, #tpu.memory_space<vmem>>) offsets(%dma_start3A_274 : memref<16xi32, #tpu.memory_space<vmem>>) semaphore(%arg10 : memref<!tpu.dma_semaphore, #tpu.memory_space<semaphore_mem>>)
    %dma_wait3A_278 = arith.constant 5 : i32
    %dma_wait3A_279 = arith.constant 0 : i32
    %dma_wait3A_280 = arith.constant 0 : i32
    %dma_wait3A_281 = tpu.memref_slice %arg6[%dma_wait3A_278, %dma_wait3A_279, %dma_wait3A_280] : memref<6x16x1024xf32, #tpu.memory_space<vmem>> -> memref<1x16x1024xf32, #tpu.memory_space<vmem>>
    %dma_wait3A_282 = tpu.memref_squeeze %dma_wait3A_281 : memref<1x16x1024xf32, #tpu.memory_space<vmem>> -> memref<16x1024xf32, #tpu.memory_space<vmem>>
    %dma_wait3A_283 = arith.constant 80 : i32
    %dma_wait3A_284 = tpu.memref_slice %arg5[%dma_wait3A_283] : memref<512xi32, #tpu.memory_space<vmem>> -> memref<16xi32, #tpu.memory_space<vmem>>
    %dma_wait3A_285 = arith.constant 0 : i32
    %dma_wait3A_286 = arith.constant 0 : i32
    %dma_wait3A_287 = tpu.memref_slice %arg3[%dma_wait3A_285, %dma_wait3A_286] : memref<4096x1024xf32, #tpu.memory_space<hbm>> -> memref<4096x1024xf32, #tpu.memory_space<hbm>>
    tpu.wait_indirect_dma semaphore(%arg12 : memref<!tpu.dma_semaphore, #tpu.memory_space<semaphore_mem>>) src(%dma_wait3A_287 : memref<4096x1024xf32, #tpu.memory_space<hbm>>) dst(%dma_wait3A_282 : memref<16x1024xf32, #tpu.memory_space<vmem>>)
    %add3A_288 = arith.constant 80 : i32
    %add3A_289 = arith.addi %mul3A_2, %add3A_288 : i32
    %dma_start3A_290 = arith.constant 5 : i32
    %dma_start3A_291 = arith.constant 0 : i32
    %dma_start3A_292 = arith.constant 0 : i32
    %dma_start3A_293 = tpu.memref_slice %arg6[%dma_start3A_290, %dma_start3A_291, %dma_start3A_292] : memref<6x16x1024xf32, #tpu.memory_space<vmem>> -> memref<1x16x1024xf32, #tpu.memory_space<vmem>>
    %dma_start3A_294 = tpu.memref_squeeze %dma_start3A_293 : memref<1x16x1024xf32, #tpu.memory_space<vmem>> -> memref<16x1024xf32, #tpu.memory_space<vmem>>
    %dma_start3A_295 = arith.constant 0 : i32
    %dma_start3A_296 = tpu.memref_slice %arg4[%add3A_289, %dma_start3A_295] : memref<16384x1024xf32, #tpu.memory_space<hbm>> -> memref<16x1024xf32, #tpu.memory_space<hbm>>
    %dma_start3A_297 = arith.constant 0 : i32
    %dma_start3A_298 = tpu.memref_slice %arg4[%add3A_289, %dma_start3A_297] : memref<16384x1024xf32, #tpu.memory_space<hbm>> -> memref<16x1024xf32, #tpu.memory_space<hbm>>
    %dma_start3A_299 = arith.constant 0 : i32
    %dma_start3A_300 = arith.constant 0 : i32
    %dma_start3A_301 = tpu.memref_slice %arg6[%dma_start3A_290, %dma_start3A_299, %dma_start3A_300] : memref<6x16x1024xf32, #tpu.memory_space<vmem>> -> memref<1x16x1024xf32, #tpu.memory_space<vmem>>
    %dma_start3A_302 = tpu.memref_squeeze %dma_start3A_301 : memref<1x16x1024xf32, #tpu.memory_space<vmem>> -> memref<16x1024xf32, #tpu.memory_space<vmem>>
    tpu.enqueue_dma source(%dma_start3A_302 : memref<16x1024xf32, #tpu.memory_space<vmem>>) target(%dma_start3A_298 : memref<16x1024xf32, #tpu.memory_space<hbm>>) target_semaphore(%arg18 : memref<!tpu.dma_semaphore, #tpu.memory_space<semaphore_mem>>)
    %dma_wait3A_303 = arith.constant 4 : i32
    %dma_wait3A_304 = arith.constant 0 : i32
    %dma_wait3A_305 = arith.constant 0 : i32
    %dma_wait3A_306 = tpu.memref_slice %arg6[%dma_wait3A_303, %dma_wait3A_304, %dma_wait3A_305] : memref<6x16x1024xf32, #tpu.memory_space<vmem>> -> memref<1x16x1024xf32, #tpu.memory_space<vmem>>
    %dma_wait3A_307 = tpu.memref_squeeze %dma_wait3A_306 : memref<1x16x1024xf32, #tpu.memory_space<vmem>> -> memref<16x1024xf32, #tpu.memory_space<vmem>>
    %dma_wait3A_308 = arith.constant 0 : i32
    %dma_wait3A_309 = tpu.memref_slice %arg4[%add3A_241, %dma_wait3A_308] : memref<16384x1024xf32, #tpu.memory_space<hbm>> -> memref<16x1024xf32, #tpu.memory_space<hbm>>
    %dma_wait3A_310 = arith.constant 0 : i32
    %dma_wait3A_311 = tpu.memref_slice %arg4[%add3A_241, %dma_wait3A_310] : memref<16384x1024xf32, #tpu.memory_space<hbm>> -> memref<16x1024xf32, #tpu.memory_space<hbm>>
    %dma_wait3A_312 = arith.constant 0 : i32
    %dma_wait3A_313 = arith.constant 0 : i32
    %dma_wait3A_314 = tpu.memref_slice %arg6[%dma_wait3A_303, %dma_wait3A_312, %dma_wait3A_313] : memref<6x16x1024xf32, #tpu.memory_space<vmem>> -> memref<1x16x1024xf32, #tpu.memory_space<vmem>>
    %dma_wait3A_315 = tpu.memref_squeeze %dma_wait3A_314 : memref<1x16x1024xf32, #tpu.memory_space<vmem>> -> memref<16x1024xf32, #tpu.memory_space<vmem>>
    tpu.wait_dma2 semaphore(%arg17 : memref<!tpu.dma_semaphore, #tpu.memory_space<semaphore_mem>>) src(%dma_wait3A_315 : memref<16x1024xf32, #tpu.memory_space<vmem>>) dst(%dma_wait3A_311 : memref<16x1024xf32, #tpu.memory_space<hbm>>)
    %dma_start3A_316 = arith.constant 4 : i32
    %dma_start3A_317 = arith.constant 0 : i32
    %dma_start3A_318 = arith.constant 0 : i32
    %dma_start3A_319 = tpu.memref_slice %arg6[%dma_start3A_316, %dma_start3A_317, %dma_start3A_318] : memref<6x16x1024xf32, #tpu.memory_space<vmem>> -> memref<1x16x1024xf32, #tpu.memory_space<vmem>>
    %dma_start3A_320 = tpu.memref_squeeze %dma_start3A_319 : memref<1x16x1024xf32, #tpu.memory_space<vmem>> -> memref<16x1024xf32, #tpu.memory_space<vmem>>
    %dma_start3A_321 = arith.constant 160 : i32
    %dma_start3A_322 = tpu.memref_slice %arg5[%dma_start3A_321] : memref<512xi32, #tpu.memory_space<vmem>> -> memref<16xi32, #tpu.memory_space<vmem>>
    %dma_start3A_323 = arith.constant 0 : i32
    %dma_start3A_324 = arith.constant 0 : i32
    %dma_start3A_325 = tpu.memref_slice %arg3[%dma_start3A_323, %dma_start3A_324] : memref<4096x1024xf32, #tpu.memory_space<hbm>> -> memref<4096x1024xf32, #tpu.memory_space<hbm>>
    tpu.enqueue_indirect_dma source(%dma_start3A_325 : memref<4096x1024xf32, #tpu.memory_space<hbm>>) target(%dma_start3A_320 : memref<16x1024xf32, #tpu.memory_space<vmem>>) offsets(%dma_start3A_322 : memref<16xi32, #tpu.memory_space<vmem>>) semaphore(%arg11 : memref<!tpu.dma_semaphore, #tpu.memory_space<semaphore_mem>>)
    %dma_wait3A_326 = arith.constant 0 : i32
    %dma_wait3A_327 = arith.constant 0 : i32
    %dma_wait3A_328 = arith.constant 0 : i32
    %dma_wait3A_329 = tpu.memref_slice %arg6[%dma_wait3A_326, %dma_wait3A_327, %dma_wait3A_328] : memref<6x16x1024xf32, #tpu.memory_space<vmem>> -> memref<1x16x1024xf32, #tpu.memory_space<vmem>>
    %dma_wait3A_330 = tpu.memref_squeeze %dma_wait3A_329 : memref<1x16x1024xf32, #tpu.memory_space<vmem>> -> memref<16x1024xf32, #tpu.memory_space<vmem>>
    %dma_wait3A_331 = arith.constant 96 : i32
    %dma_wait3A_332 = tpu.memref_slice %arg5[%dma_wait3A_331] : memref<512xi32, #tpu.memory_space<vmem>> -> memref<16xi32, #tpu.memory_space<vmem>>
    %dma_wait3A_333 = arith.constant 0 : i32
    %dma_wait3A_334 = arith.constant 0 : i32
    %dma_wait3A_335 = tpu.memref_slice %arg3[%dma_wait3A_333, %dma_wait3A_334] : memref<4096x1024xf32, #tpu.memory_space<hbm>> -> memref<4096x1024xf32, #tpu.memory_space<hbm>>
    tpu.wait_indirect_dma semaphore(%arg7 : memref<!tpu.dma_semaphore, #tpu.memory_space<semaphore_mem>>) src(%dma_wait3A_335 : memref<4096x1024xf32, #tpu.memory_space<hbm>>) dst(%dma_wait3A_330 : memref<16x1024xf32, #tpu.memory_space<vmem>>)
    %add3A_336 = arith.constant 96 : i32
    %add3A_337 = arith.addi %mul3A_2, %add3A_336 : i32
    %dma_start3A_338 = arith.constant 0 : i32
    %dma_start3A_339 = arith.constant 0 : i32
    %dma_start3A_340 = arith.constant 0 : i32
    %dma_start3A_341 = tpu.memref_slice %arg6[%dma_start3A_338, %dma_start3A_339, %dma_start3A_340] : memref<6x16x1024xf32, #tpu.memory_space<vmem>> -> memref<1x16x1024xf32, #tpu.memory_space<vmem>>
    %dma_start3A_342 = tpu.memref_squeeze %dma_start3A_341 : memref<1x16x1024xf32, #tpu.memory_space<vmem>> -> memref<16x1024xf32, #tpu.memory_space<vmem>>
    %dma_start3A_343 = arith.constant 0 : i32
    %dma_start3A_344 = tpu.memref_slice %arg4[%add3A_337, %dma_start3A_343] : memref<16384x1024xf32, #tpu.memory_space<hbm>> -> memref<16x1024xf32, #tpu.memory_space<hbm>>
    %dma_start3A_345 = arith.constant 0 : i32
    %dma_start3A_346 = tpu.memref_slice %arg4[%add3A_337, %dma_start3A_345] : memref<16384x1024xf32, #tpu.memory_space<hbm>> -> memref<16x1024xf32, #tpu.memory_space<hbm>>
    %dma_start3A_347 = arith.constant 0 : i32
    %dma_start3A_348 = arith.constant 0 : i32
    %dma_start3A_349 = tpu.memref_slice %arg6[%dma_start3A_338, %dma_start3A_347, %dma_start3A_348] : memref<6x16x1024xf32, #tpu.memory_space<vmem>> -> memref<1x16x1024xf32, #tpu.memory_space<vmem>>
    %dma_start3A_350 = tpu.memref_squeeze %dma_start3A_349 : memref<1x16x1024xf32, #tpu.memory_space<vmem>> -> memref<16x1024xf32, #tpu.memory_space<vmem>>
    tpu.enqueue_dma source(%dma_start3A_350 : memref<16x1024xf32, #tpu.memory_space<vmem>>) target(%dma_start3A_346 : memref<16x1024xf32, #tpu.memory_space<hbm>>) target_semaphore(%arg13 : memref<!tpu.dma_semaphore, #tpu.memory_space<semaphore_mem>>)
    %dma_wait3A_351 = arith.constant 5 : i32
    %dma_wait3A_352 = arith.constant 0 : i32
    %dma_wait3A_353 = arith.constant 0 : i32
    %dma_wait3A_354 = tpu.memref_slice %arg6[%dma_wait3A_351, %dma_wait3A_352, %dma_wait3A_353] : memref<6x16x1024xf32, #tpu.memory_space<vmem>> -> memref<1x16x1024xf32, #tpu.memory_space<vmem>>
    %dma_wait3A_355 = tpu.memref_squeeze %dma_wait3A_354 : memref<1x16x1024xf32, #tpu.memory_space<vmem>> -> memref<16x1024xf32, #tpu.memory_space<vmem>>
    %dma_wait3A_356 = arith.constant 0 : i32
    %dma_wait3A_357 = tpu.memref_slice %arg4[%add3A_289, %dma_wait3A_356] : memref<16384x1024xf32, #tpu.memory_space<hbm>> -> memref<16x1024xf32, #tpu.memory_space<hbm>>
    %dma_wait3A_358 = arith.constant 0 : i32
    %dma_wait3A_359 = tpu.memref_slice %arg4[%add3A_289, %dma_wait3A_358] : memref<16384x1024xf32, #tpu.memory_space<hbm>> -> memref<16x1024xf32, #tpu.memory_space<hbm>>
    %dma_wait3A_360 = arith.constant 0 : i32
    %dma_wait3A_361 = arith.constant 0 : i32
    %dma_wait3A_362 = tpu.memref_slice %arg6[%dma_wait3A_351, %dma_wait3A_360, %dma_wait3A_361] : memref<6x16x1024xf32, #tpu.memory_space<vmem>> -> memref<1x16x1024xf32, #tpu.memory_space<vmem>>
    %dma_wait3A_363 = tpu.memref_squeeze %dma_wait3A_362 : memref<1x16x1024xf32, #tpu.memory_space<vmem>> -> memref<16x1024xf32, #tpu.memory_space<vmem>>
    tpu.wait_dma2 semaphore(%arg18 : memref<!tpu.dma_semaphore, #tpu.memory_space<semaphore_mem>>) src(%dma_wait3A_363 : memref<16x1024xf32, #tpu.memory_space<vmem>>) dst(%dma_wait3A_359 : memref<16x1024xf32, #tpu.memory_space<hbm>>)
    %dma_start3A_364 = arith.constant 5 : i32
    %dma_start3A_365 = arith.constant 0 : i32
    %dma_start3A_366 = arith.constant 0 : i32
    %dma_start3A_367 = tpu.memref_slice %arg6[%dma_start3A_364, %dma_start3A_365, %dma_start3A_366] : memref<6x16x1024xf32, #tpu.memory_space<vmem>> -> memref<1x16x1024xf32, #tpu.memory_space<vmem>>
    %dma_start3A_368 = tpu.memref_squeeze %dma_start3A_367 : memref<1x16x1024xf32, #tpu.memory_space<vmem>> -> memref<16x1024xf32, #tpu.memory_space<vmem>>
    %dma_start3A_369 = arith.constant 176 : i32
    %dma_start3A_370 = tpu.memref_slice %arg5[%dma_start3A_369] : memref<512xi32, #tpu.memory_space<vmem>> -> memref<16xi32, #tpu.memory_space<vmem>>
    %dma_start3A_371 = arith.constant 0 : i32
    %dma_start3A_372 = arith.constant 0 : i32
    %dma_start3A_373 = tpu.memref_slice %arg3[%dma_start3A_371, %dma_start3A_372] : memref<4096x1024xf32, #tpu.memory_space<hbm>> -> memref<4096x1024xf32, #tpu.memory_space<hbm>>
    tpu.enqueue_indirect_dma source(%dma_start3A_373 : memref<4096x1024xf32, #tpu.memory_space<hbm>>) target(%dma_start3A_368 : memref<16x1024xf32, #tpu.memory_space<vmem>>) offsets(%dma_start3A_370 : memref<16xi32, #tpu.memory_space<vmem>>) semaphore(%arg12 : memref<!tpu.dma_semaphore, #tpu.memory_space<semaphore_mem>>)
    %dma_wait3A_374 = arith.constant 1 : i32
    %dma_wait3A_375 = arith.constant 0 : i32
    %dma_wait3A_376 = arith.constant 0 : i32
    %dma_wait3A_377 = tpu.memref_slice %arg6[%dma_wait3A_374, %dma_wait3A_375, %dma_wait3A_376] : memref<6x16x1024xf32, #tpu.memory_space<vmem>> -> memref<1x16x1024xf32, #tpu.memory_space<vmem>>
    %dma_wait3A_378 = tpu.memref_squeeze %dma_wait3A_377 : memref<1x16x1024xf32, #tpu.memory_space<vmem>> -> memref<16x1024xf32, #tpu.memory_space<vmem>>
    %dma_wait3A_379 = arith.constant 112 : i32
    %dma_wait3A_380 = tpu.memref_slice %arg5[%dma_wait3A_379] : memref<512xi32, #tpu.memory_space<vmem>> -> memref<16xi32, #tpu.memory_space<vmem>>
    %dma_wait3A_381 = arith.constant 0 : i32
    %dma_wait3A_382 = arith.constant 0 : i32
    %dma_wait3A_383 = tpu.memref_slice %arg3[%dma_wait3A_381, %dma_wait3A_382] : memref<4096x1024xf32, #tpu.memory_space<hbm>> -> memref<4096x1024xf32, #tpu.memory_space<hbm>>
    tpu.wait_indirect_dma semaphore(%arg8 : memref<!tpu.dma_semaphore, #tpu.memory_space<semaphore_mem>>) src(%dma_wait3A_383 : memref<4096x1024xf32, #tpu.memory_space<hbm>>) dst(%dma_wait3A_378 : memref<16x1024xf32, #tpu.memory_space<vmem>>)
    %add3A_384 = arith.constant 112 : i32
    %add3A_385 = arith.addi %mul3A_2, %add3A_384 : i32
    %dma_start3A_386 = arith.constant 1 : i32
    %dma_start3A_387 = arith.constant 0 : i32
    %dma_start3A_388 = arith.constant 0 : i32
    %dma_start3A_389 = tpu.memref_slice %arg6[%dma_start3A_386, %dma_start3A_387, %dma_start3A_388] : memref<6x16x1024xf32, #tpu.memory_space<vmem>> -> memref<1x16x1024xf32, #tpu.memory_space<vmem>>
    %dma_start3A_390 = tpu.memref_squeeze %dma_start3A_389 : memref<1x16x1024xf32, #tpu.memory_space<vmem>> -> memref<16x1024xf32, #tpu.memory_space<vmem>>
    %dma_start3A_391 = arith.constant 0 : i32
    %dma_start3A_392 = tpu.memref_slice %arg4[%add3A_385, %dma_start3A_391] : memref<16384x1024xf32, #tpu.memory_space<hbm>> -> memref<16x1024xf32, #tpu.memory_space<hbm>>
    %dma_start3A_393 = arith.constant 0 : i32
    %dma_start3A_394 = tpu.memref_slice %arg4[%add3A_385, %dma_start3A_393] : memref<16384x1024xf32, #tpu.memory_space<hbm>> -> memref<16x1024xf32, #tpu.memory_space<hbm>>
    %dma_start3A_395 = arith.constant 0 : i32
    %dma_start3A_396 = arith.constant 0 : i32
    %dma_start3A_397 = tpu.memref_slice %arg6[%dma_start3A_386, %dma_start3A_395, %dma_start3A_396] : memref<6x16x1024xf32, #tpu.memory_space<vmem>> -> memref<1x16x1024xf32, #tpu.memory_space<vmem>>
    %dma_start3A_398 = tpu.memref_squeeze %dma_start3A_397 : memref<1x16x1024xf32, #tpu.memory_space<vmem>> -> memref<16x1024xf32, #tpu.memory_space<vmem>>
    tpu.enqueue_dma source(%dma_start3A_398 : memref<16x1024xf32, #tpu.memory_space<vmem>>) target(%dma_start3A_394 : memref<16x1024xf32, #tpu.memory_space<hbm>>) target_semaphore(%arg14 : memref<!tpu.dma_semaphore, #tpu.memory_space<semaphore_mem>>)
    %dma_wait3A_399 = arith.constant 0 : i32
    %dma_wait3A_400 = arith.constant 0 : i32
    %dma_wait3A_401 = arith.constant 0 : i32
    %dma_wait3A_402 = tpu.memref_slice %arg6[%dma_wait3A_399, %dma_wait3A_400, %dma_wait3A_401] : memref<6x16x1024xf32, #tpu.memory_space<vmem>> -> memref<1x16x1024xf32, #tpu.memory_space<vmem>>
    %dma_wait3A_403 = tpu.memref_squeeze %dma_wait3A_402 : memref<1x16x1024xf32, #tpu.memory_space<vmem>> -> memref<16x1024xf32, #tpu.memory_space<vmem>>
    %dma_wait3A_404 = arith.constant 0 : i32
    %dma_wait3A_405 = tpu.memref_slice %arg4[%add3A_337, %dma_wait3A_404] : memref<16384x1024xf32, #tpu.memory_space<hbm>> -> memref<16x1024xf32, #tpu.memory_space<hbm>>
    %dma_wait3A_406 = arith.constant 0 : i32
    %dma_wait3A_407 = tpu.memref_slice %arg4[%add3A_337, %dma_wait3A_406] : memref<16384x1024xf32, #tpu.memory_space<hbm>> -> memref<16x1024xf32, #tpu.memory_space<hbm>>
    %dma_wait3A_408 = arith.constant 0 : i32
    %dma_wait3A_409 = arith.constant 0 : i32
    %dma_wait3A_410 = tpu.memref_slice %arg6[%dma_wait3A_399, %dma_wait3A_408, %dma_wait3A_409] : memref<6x16x1024xf32, #tpu.memory_space<vmem>> -> memref<1x16x1024xf32, #tpu.memory_space<vmem>>
    %dma_wait3A_411 = tpu.memref_squeeze %dma_wait3A_410 : memref<1x16x1024xf32, #tpu.memory_space<vmem>> -> memref<16x1024xf32, #tpu.memory_space<vmem>>
    tpu.wait_dma2 semaphore(%arg13 : memref<!tpu.dma_semaphore, #tpu.memory_space<semaphore_mem>>) src(%dma_wait3A_411 : memref<16x1024xf32, #tpu.memory_space<vmem>>) dst(%dma_wait3A_407 : memref<16x1024xf32, #tpu.memory_space<hbm>>)
    %dma_start3A_412 = arith.constant 0 : i32
    %dma_start3A_413 = arith.constant 0 : i32
    %dma_start3A_414 = arith.constant 0 : i32
    %dma_start3A_415 = tpu.memref_slice %arg6[%dma_start3A_412, %dma_start3A_413, %dma_start3A_414] : memref<6x16x1024xf32, #tpu.memory_space<vmem>> -> memref<1x16x1024xf32, #tpu.memory_space<vmem>>
    %dma_start3A_416 = tpu.memref_squeeze %dma_start3A_415 : memref<1x16x1024xf32, #tpu.memory_space<vmem>> -> memref<16x1024xf32, #tpu.memory_space<vmem>>
    %dma_start3A_417 = arith.constant 192 : i32
    %dma_start3A_418 = tpu.memref_slice %arg5[%dma_start3A_417] : memref<512xi32, #tpu.memory_space<vmem>> -> memref<16xi32, #tpu.memory_space<vmem>>
    %dma_start3A_419 = arith.constant 0 : i32
    %dma_start3A_420 = arith.constant 0 : i32
    %dma_start3A_421 = tpu.memref_slice %arg3[%dma_start3A_419, %dma_start3A_420] : memref<4096x1024xf32, #tpu.memory_space<hbm>> -> memref<4096x1024xf32, #tpu.memory_space<hbm>>
    tpu.enqueue_indirect_dma source(%dma_start3A_421 : memref<4096x1024xf32, #tpu.memory_space<hbm>>) target(%dma_start3A_416 : memref<16x1024xf32, #tpu.memory_space<vmem>>) offsets(%dma_start3A_418 : memref<16xi32, #tpu.memory_space<vmem>>) semaphore(%arg7 : memref<!tpu.dma_semaphore, #tpu.memory_space<semaphore_mem>>)
    %dma_wait3A_422 = arith.constant 2 : i32
    %dma_wait3A_423 = arith.constant 0 : i32
    %dma_wait3A_424 = arith.constant 0 : i32
    %dma_wait3A_425 = tpu.memref_slice %arg6[%dma_wait3A_422, %dma_wait3A_423, %dma_wait3A_424] : memref<6x16x1024xf32, #tpu.memory_space<vmem>> -> memref<1x16x1024xf32, #tpu.memory_space<vmem>>
    %dma_wait3A_426 = tpu.memref_squeeze %dma_wait3A_425 : memref<1x16x1024xf32, #tpu.memory_space<vmem>> -> memref<16x1024xf32, #tpu.memory_space<vmem>>
    %dma_wait3A_427 = arith.constant 128 : i32
    %dma_wait3A_428 = tpu.memref_slice %arg5[%dma_wait3A_427] : memref<512xi32, #tpu.memory_space<vmem>> -> memref<16xi32, #tpu.memory_space<vmem>>
    %dma_wait3A_429 = arith.constant 0 : i32
    %dma_wait3A_430 = arith.constant 0 : i32
    %dma_wait3A_431 = tpu.memref_slice %arg3[%dma_wait3A_429, %dma_wait3A_430] : memref<4096x1024xf32, #tpu.memory_space<hbm>> -> memref<4096x1024xf32, #tpu.memory_space<hbm>>
    tpu.wait_indirect_dma semaphore(%arg9 : memref<!tpu.dma_semaphore, #tpu.memory_space<semaphore_mem>>) src(%dma_wait3A_431 : memref<4096x1024xf32, #tpu.memory_space<hbm>>) dst(%dma_wait3A_426 : memref<16x1024xf32, #tpu.memory_space<vmem>>)
    %add3A_432 = arith.constant 128 : i32
    %add3A_433 = arith.addi %mul3A_2, %add3A_432 : i32
    %dma_start3A_434 = arith.constant 2 : i32
    %dma_start3A_435 = arith.constant 0 : i32
    %dma_start3A_436 = arith.constant 0 : i32
    %dma_start3A_437 = tpu.memref_slice %arg6[%dma_start3A_434, %dma_start3A_435, %dma_start3A_436] : memref<6x16x1024xf32, #tpu.memory_space<vmem>> -> memref<1x16x1024xf32, #tpu.memory_space<vmem>>
    %dma_start3A_438 = tpu.memref_squeeze %dma_start3A_437 : memref<1x16x1024xf32, #tpu.memory_space<vmem>> -> memref<16x1024xf32, #tpu.memory_space<vmem>>
    %dma_start3A_439 = arith.constant 0 : i32
    %dma_start3A_440 = tpu.memref_slice %arg4[%add3A_433, %dma_start3A_439] : memref<16384x1024xf32, #tpu.memory_space<hbm>> -> memref<16x1024xf32, #tpu.memory_space<hbm>>
    %dma_start3A_441 = arith.constant 0 : i32
    %dma_start3A_442 = tpu.memref_slice %arg4[%add3A_433, %dma_start3A_441] : memref<16384x1024xf32, #tpu.memory_space<hbm>> -> memref<16x1024xf32, #tpu.memory_space<hbm>>
    %dma_start3A_443 = arith.constant 0 : i32
    %dma_start3A_444 = arith.constant 0 : i32
    %dma_start3A_445 = tpu.memref_slice %arg6[%dma_start3A_434, %dma_start3A_443, %dma_start3A_444] : memref<6x16x1024xf32, #tpu.memory_space<vmem>> -> memref<1x16x1024xf32, #tpu.memory_space<vmem>>
    %dma_start3A_446 = tpu.memref_squeeze %dma_start3A_445 : memref<1x16x1024xf32, #tpu.memory_space<vmem>> -> memref<16x1024xf32, #tpu.memory_space<vmem>>
    tpu.enqueue_dma source(%dma_start3A_446 : memref<16x1024xf32, #tpu.memory_space<vmem>>) target(%dma_start3A_442 : memref<16x1024xf32, #tpu.memory_space<hbm>>) target_semaphore(%arg15 : memref<!tpu.dma_semaphore, #tpu.memory_space<semaphore_mem>>)
    %dma_wait3A_447 = arith.constant 1 : i32
    %dma_wait3A_448 = arith.constant 0 : i32
    %dma_wait3A_449 = arith.constant 0 : i32
    %dma_wait3A_450 = tpu.memref_slice %arg6[%dma_wait3A_447, %dma_wait3A_448, %dma_wait3A_449] : memref<6x16x1024xf32, #tpu.memory_space<vmem>> -> memref<1x16x1024xf32, #tpu.memory_space<vmem>>
    %dma_wait3A_451 = tpu.memref_squeeze %dma_wait3A_450 : memref<1x16x1024xf32, #tpu.memory_space<vmem>> -> memref<16x1024xf32, #tpu.memory_space<vmem>>
    %dma_wait3A_452 = arith.constant 0 : i32
    %dma_wait3A_453 = tpu.memref_slice %arg4[%add3A_385, %dma_wait3A_452] : memref<16384x1024xf32, #tpu.memory_space<hbm>> -> memref<16x1024xf32, #tpu.memory_space<hbm>>
    %dma_wait3A_454 = arith.constant 0 : i32
    %dma_wait3A_455 = tpu.memref_slice %arg4[%add3A_385, %dma_wait3A_454] : memref<16384x1024xf32, #tpu.memory_space<hbm>> -> memref<16x1024xf32, #tpu.memory_space<hbm>>
    %dma_wait3A_456 = arith.constant 0 : i32
    %dma_wait3A_457 = arith.constant 0 : i32
    %dma_wait3A_458 = tpu.memref_slice %arg6[%dma_wait3A_447, %dma_wait3A_456, %dma_wait3A_457] : memref<6x16x1024xf32, #tpu.memory_space<vmem>> -> memref<1x16x1024xf32, #tpu.memory_space<vmem>>
    %dma_wait3A_459 = tpu.memref_squeeze %dma_wait3A_458 : memref<1x16x1024xf32, #tpu.memory_space<vmem>> -> memref<16x1024xf32, #tpu.memory_space<vmem>>
    tpu.wait_dma2 semaphore(%arg14 : memref<!tpu.dma_semaphore, #tpu.memory_space<semaphore_mem>>) src(%dma_wait3A_459 : memref<16x1024xf32, #tpu.memory_space<vmem>>) dst(%dma_wait3A_455 : memref<16x1024xf32, #tpu.memory_space<hbm>>)
    %dma_start3A_460 = arith.constant 1 : i32
    %dma_start3A_461 = arith.constant 0 : i32
    %dma_start3A_462 = arith.constant 0 : i32
    %dma_start3A_463 = tpu.memref_slice %arg6[%dma_start3A_460, %dma_start3A_461, %dma_start3A_462] : memref<6x16x1024xf32, #tpu.memory_space<vmem>> -> memref<1x16x1024xf32, #tpu.memory_space<vmem>>
    %dma_start3A_464 = tpu.memref_squeeze %dma_start3A_463 : memref<1x16x1024xf32, #tpu.memory_space<vmem>> -> memref<16x1024xf32, #tpu.memory_space<vmem>>
    %dma_start3A_465 = arith.constant 208 : i32
    %dma_start3A_466 = tpu.memref_slice %arg5[%dma_start3A_465] : memref<512xi32, #tpu.memory_space<vmem>> -> memref<16xi32, #tpu.memory_space<vmem>>
    %dma_start3A_467 = arith.constant 0 : i32
    %dma_start3A_468 = arith.constant 0 : i32
    %dma_start3A_469 = tpu.memref_slice %arg3[%dma_start3A_467, %dma_start3A_468] : memref<4096x1024xf32, #tpu.memory_space<hbm>> -> memref<4096x1024xf32, #tpu.memory_space<hbm>>
    tpu.enqueue_indirect_dma source(%dma_start3A_469 : memref<4096x1024xf32, #tpu.memory_space<hbm>>) target(%dma_start3A_464 : memref<16x1024xf32, #tpu.memory_space<vmem>>) offsets(%dma_start3A_466 : memref<16xi32, #tpu.memory_space<vmem>>) semaphore(%arg8 : memref<!tpu.dma_semaphore, #tpu.memory_space<semaphore_mem>>)
    %dma_wait3A_470 = arith.constant 3 : i32
    %dma_wait3A_471 = arith.constant 0 : i32
    %dma_wait3A_472 = arith.constant 0 : i32
    %dma_wait3A_473 = tpu.memref_slice %arg6[%dma_wait3A_470, %dma_wait3A_471, %dma_wait3A_472] : memref<6x16x1024xf32, #tpu.memory_space<vmem>> -> memref<1x16x1024xf32, #tpu.memory_space<vmem>>
    %dma_wait3A_474 = tpu.memref_squeeze %dma_wait3A_473 : memref<1x16x1024xf32, #tpu.memory_space<vmem>> -> memref<16x1024xf32, #tpu.memory_space<vmem>>
    %dma_wait3A_475 = arith.constant 144 : i32
    %dma_wait3A_476 = tpu.memref_slice %arg5[%dma_wait3A_475] : memref<512xi32, #tpu.memory_space<vmem>> -> memref<16xi32, #tpu.memory_space<vmem>>
    %dma_wait3A_477 = arith.constant 0 : i32
    %dma_wait3A_478 = arith.constant 0 : i32
    %dma_wait3A_479 = tpu.memref_slice %arg3[%dma_wait3A_477, %dma_wait3A_478] : memref<4096x1024xf32, #tpu.memory_space<hbm>> -> memref<4096x1024xf32, #tpu.memory_space<hbm>>
    tpu.wait_indirect_dma semaphore(%arg10 : memref<!tpu.dma_semaphore, #tpu.memory_space<semaphore_mem>>) src(%dma_wait3A_479 : memref<4096x1024xf32, #tpu.memory_space<hbm>>) dst(%dma_wait3A_474 : memref<16x1024xf32, #tpu.memory_space<vmem>>)
    %add3A_480 = arith.constant 144 : i32
    %add3A_481 = arith.addi %mul3A_2, %add3A_480 : i32
    %dma_start3A_482 = arith.constant 3 : i32
    %dma_start3A_483 = arith.constant 0 : i32
    %dma_start3A_484 = arith.constant 0 : i32
    %dma_start3A_485 = tpu.memref_slice %arg6[%dma_start3A_482, %dma_start3A_483, %dma_start3A_484] : memref<6x16x1024xf32, #tpu.memory_space<vmem>> -> memref<1x16x1024xf32, #tpu.memory_space<vmem>>
    %dma_start3A_486 = tpu.memref_squeeze %dma_start3A_485 : memref<1x16x1024xf32, #tpu.memory_space<vmem>> -> memref<16x1024xf32, #tpu.memory_space<vmem>>
    %dma_start3A_487 = arith.constant 0 : i32
    %dma_start3A_488 = tpu.memref_slice %arg4[%add3A_481, %dma_start3A_487] : memref<16384x1024xf32, #tpu.memory_space<hbm>> -> memref<16x1024xf32, #tpu.memory_space<hbm>>
    %dma_start3A_489 = arith.constant 0 : i32
    %dma_start3A_490 = tpu.memref_slice %arg4[%add3A_481, %dma_start3A_489] : memref<16384x1024xf32, #tpu.memory_space<hbm>> -> memref<16x1024xf32, #tpu.memory_space<hbm>>
    %dma_start3A_491 = arith.constant 0 : i32
    %dma_start3A_492 = arith.constant 0 : i32
    %dma_start3A_493 = tpu.memref_slice %arg6[%dma_start3A_482, %dma_start3A_491, %dma_start3A_492] : memref<6x16x1024xf32, #tpu.memory_space<vmem>> -> memref<1x16x1024xf32, #tpu.memory_space<vmem>>
    %dma_start3A_494 = tpu.memref_squeeze %dma_start3A_493 : memref<1x16x1024xf32, #tpu.memory_space<vmem>> -> memref<16x1024xf32, #tpu.memory_space<vmem>>
    tpu.enqueue_dma source(%dma_start3A_494 : memref<16x1024xf32, #tpu.memory_space<vmem>>) target(%dma_start3A_490 : memref<16x1024xf32, #tpu.memory_space<hbm>>) target_semaphore(%arg16 : memref<!tpu.dma_semaphore, #tpu.memory_space<semaphore_mem>>)
    %dma_wait3A_495 = arith.constant 2 : i32
    %dma_wait3A_496 = arith.constant 0 : i32
    %dma_wait3A_497 = arith.constant 0 : i32
    %dma_wait3A_498 = tpu.memref_slice %arg6[%dma_wait3A_495, %dma_wait3A_496, %dma_wait3A_497] : memref<6x16x1024xf32, #tpu.memory_space<vmem>> -> memref<1x16x1024xf32, #tpu.memory_space<vmem>>
    %dma_wait3A_499 = tpu.memref_squeeze %dma_wait3A_498 : memref<1x16x1024xf32, #tpu.memory_space<vmem>> -> memref<16x1024xf32, #tpu.memory_space<vmem>>
    %dma_wait3A_500 = arith.constant 0 : i32
    %dma_wait3A_501 = tpu.memref_slice %arg4[%add3A_433, %dma_wait3A_500] : memref<16384x1024xf32, #tpu.memory_space<hbm>> -> memref<16x1024xf32, #tpu.memory_space<hbm>>
    %dma_wait3A_502 = arith.constant 0 : i32
    %dma_wait3A_503 = tpu.memref_slice %arg4[%add3A_433, %dma_wait3A_502] : memref<16384x1024xf32, #tpu.memory_space<hbm>> -> memref<16x1024xf32, #tpu.memory_space<hbm>>
    %dma_wait3A_504 = arith.constant 0 : i32
    %dma_wait3A_505 = arith.constant 0 : i32
    %dma_wait3A_506 = tpu.memref_slice %arg6[%dma_wait3A_495, %dma_wait3A_504, %dma_wait3A_505] : memref<6x16x1024xf32, #tpu.memory_space<vmem>> -> memref<1x16x1024xf32, #tpu.memory_space<vmem>>
    %dma_wait3A_507 = tpu.memref_squeeze %dma_wait3A_506 : memref<1x16x1024xf32, #tpu.memory_space<vmem>> -> memref<16x1024xf32, #tpu.memory_space<vmem>>
    tpu.wait_dma2 semaphore(%arg15 : memref<!tpu.dma_semaphore, #tpu.memory_space<semaphore_mem>>) src(%dma_wait3A_507 : memref<16x1024xf32, #tpu.memory_space<vmem>>) dst(%dma_wait3A_503 : memref<16x1024xf32, #tpu.memory_space<hbm>>)
    %dma_start3A_508 = arith.constant 2 : i32
    %dma_start3A_509 = arith.constant 0 : i32
    %dma_start3A_510 = arith.constant 0 : i32
    %dma_start3A_511 = tpu.memref_slice %arg6[%dma_start3A_508, %dma_start3A_509, %dma_start3A_510] : memref<6x16x1024xf32, #tpu.memory_space<vmem>> -> memref<1x16x1024xf32, #tpu.memory_space<vmem>>
    %dma_start3A_512 = tpu.memref_squeeze %dma_start3A_511 : memref<1x16x1024xf32, #tpu.memory_space<vmem>> -> memref<16x1024xf32, #tpu.memory_space<vmem>>
    %dma_start3A_513 = arith.constant 224 : i32
    %dma_start3A_514 = tpu.memref_slice %arg5[%dma_start3A_513] : memref<512xi32, #tpu.memory_space<vmem>> -> memref<16xi32, #tpu.memory_space<vmem>>
    %dma_start3A_515 = arith.constant 0 : i32
    %dma_start3A_516 = arith.constant 0 : i32
    %dma_start3A_517 = tpu.memref_slice %arg3[%dma_start3A_515, %dma_start3A_516] : memref<4096x1024xf32, #tpu.memory_space<hbm>> -> memref<4096x1024xf32, #tpu.memory_space<hbm>>
    tpu.enqueue_indirect_dma source(%dma_start3A_517 : memref<4096x1024xf32, #tpu.memory_space<hbm>>) target(%dma_start3A_512 : memref<16x1024xf32, #tpu.memory_space<vmem>>) offsets(%dma_start3A_514 : memref<16xi32, #tpu.memory_space<vmem>>) semaphore(%arg9 : memref<!tpu.dma_semaphore, #tpu.memory_space<semaphore_mem>>)
    %dma_wait3A_518 = arith.constant 4 : i32
    %dma_wait3A_519 = arith.constant 0 : i32
    %dma_wait3A_520 = arith.constant 0 : i32
    %dma_wait3A_521 = tpu.memref_slice %arg6[%dma_wait3A_518, %dma_wait3A_519, %dma_wait3A_520] : memref<6x16x1024xf32, #tpu.memory_space<vmem>> -> memref<1x16x1024xf32, #tpu.memory_space<vmem>>
    %dma_wait3A_522 = tpu.memref_squeeze %dma_wait3A_521 : memref<1x16x1024xf32, #tpu.memory_space<vmem>> -> memref<16x1024xf32, #tpu.memory_space<vmem>>
    %dma_wait3A_523 = arith.constant 160 : i32
    %dma_wait3A_524 = tpu.memref_slice %arg5[%dma_wait3A_523] : memref<512xi32, #tpu.memory_space<vmem>> -> memref<16xi32, #tpu.memory_space<vmem>>
    %dma_wait3A_525 = arith.constant 0 : i32
    %dma_wait3A_526 = arith.constant 0 : i32
    %dma_wait3A_527 = tpu.memref_slice %arg3[%dma_wait3A_525, %dma_wait3A_526] : memref<4096x1024xf32, #tpu.memory_space<hbm>> -> memref<4096x1024xf32, #tpu.memory_space<hbm>>
    tpu.wait_indirect_dma semaphore(%arg11 : memref<!tpu.dma_semaphore, #tpu.memory_space<semaphore_mem>>) src(%dma_wait3A_527 : memref<4096x1024xf32, #tpu.memory_space<hbm>>) dst(%dma_wait3A_522 : memref<16x1024xf32, #tpu.memory_space<vmem>>)
    %add3A_528 = arith.constant 160 : i32
    %add3A_529 = arith.addi %mul3A_2, %add3A_528 : i32
    %dma_start3A_530 = arith.constant 4 : i32
    %dma_start3A_531 = arith.constant 0 : i32
    %dma_start3A_532 = arith.constant 0 : i32
    %dma_start3A_533 = tpu.memref_slice %arg6[%dma_start3A_530, %dma_start3A_531, %dma_start3A_532] : memref<6x16x1024xf32, #tpu.memory_space<vmem>> -> memref<1x16x1024xf32, #tpu.memory_space<vmem>>
    %dma_start3A_534 = tpu.memref_squeeze %dma_start3A_533 : memref<1x16x1024xf32, #tpu.memory_space<vmem>> -> memref<16x1024xf32, #tpu.memory_space<vmem>>
    %dma_start3A_535 = arith.constant 0 : i32
    %dma_start3A_536 = tpu.memref_slice %arg4[%add3A_529, %dma_start3A_535] : memref<16384x1024xf32, #tpu.memory_space<hbm>> -> memref<16x1024xf32, #tpu.memory_space<hbm>>
    %dma_start3A_537 = arith.constant 0 : i32
    %dma_start3A_538 = tpu.memref_slice %arg4[%add3A_529, %dma_start3A_537] : memref<16384x1024xf32, #tpu.memory_space<hbm>> -> memref<16x1024xf32, #tpu.memory_space<hbm>>
    %dma_start3A_539 = arith.constant 0 : i32
    %dma_start3A_540 = arith.constant 0 : i32
    %dma_start3A_541 = tpu.memref_slice %arg6[%dma_start3A_530, %dma_start3A_539, %dma_start3A_540] : memref<6x16x1024xf32, #tpu.memory_space<vmem>> -> memref<1x16x1024xf32, #tpu.memory_space<vmem>>
    %dma_start3A_542 = tpu.memref_squeeze %dma_start3A_541 : memref<1x16x1024xf32, #tpu.memory_space<vmem>> -> memref<16x1024xf32, #tpu.memory_space<vmem>>
    tpu.enqueue_dma source(%dma_start3A_542 : memref<16x1024xf32, #tpu.memory_space<vmem>>) target(%dma_start3A_538 : memref<16x1024xf32, #tpu.memory_space<hbm>>) target_semaphore(%arg17 : memref<!tpu.dma_semaphore, #tpu.memory_space<semaphore_mem>>)
    %dma_wait3A_543 = arith.constant 3 : i32
    %dma_wait3A_544 = arith.constant 0 : i32
    %dma_wait3A_545 = arith.constant 0 : i32
    %dma_wait3A_546 = tpu.memref_slice %arg6[%dma_wait3A_543, %dma_wait3A_544, %dma_wait3A_545] : memref<6x16x1024xf32, #tpu.memory_space<vmem>> -> memref<1x16x1024xf32, #tpu.memory_space<vmem>>
    %dma_wait3A_547 = tpu.memref_squeeze %dma_wait3A_546 : memref<1x16x1024xf32, #tpu.memory_space<vmem>> -> memref<16x1024xf32, #tpu.memory_space<vmem>>
    %dma_wait3A_548 = arith.constant 0 : i32
    %dma_wait3A_549 = tpu.memref_slice %arg4[%add3A_481, %dma_wait3A_548] : memref<16384x1024xf32, #tpu.memory_space<hbm>> -> memref<16x1024xf32, #tpu.memory_space<hbm>>
    %dma_wait3A_550 = arith.constant 0 : i32
    %dma_wait3A_551 = tpu.memref_slice %arg4[%add3A_481, %dma_wait3A_550] : memref<16384x1024xf32, #tpu.memory_space<hbm>> -> memref<16x1024xf32, #tpu.memory_space<hbm>>
    %dma_wait3A_552 = arith.constant 0 : i32
    %dma_wait3A_553 = arith.constant 0 : i32
    %dma_wait3A_554 = tpu.memref_slice %arg6[%dma_wait3A_543, %dma_wait3A_552, %dma_wait3A_553] : memref<6x16x1024xf32, #tpu.memory_space<vmem>> -> memref<1x16x1024xf32, #tpu.memory_space<vmem>>
    %dma_wait3A_555 = tpu.memref_squeeze %dma_wait3A_554 : memref<1x16x1024xf32, #tpu.memory_space<vmem>> -> memref<16x1024xf32, #tpu.memory_space<vmem>>
    tpu.wait_dma2 semaphore(%arg16 : memref<!tpu.dma_semaphore, #tpu.memory_space<semaphore_mem>>) src(%dma_wait3A_555 : memref<16x1024xf32, #tpu.memory_space<vmem>>) dst(%dma_wait3A_551 : memref<16x1024xf32, #tpu.memory_space<hbm>>)
    %dma_start3A_556 = arith.constant 3 : i32
    %dma_start3A_557 = arith.constant 0 : i32
    %dma_start3A_558 = arith.constant 0 : i32
    %dma_start3A_559 = tpu.memref_slice %arg6[%dma_start3A_556, %dma_start3A_557, %dma_start3A_558] : memref<6x16x1024xf32, #tpu.memory_space<vmem>> -> memref<1x16x1024xf32, #tpu.memory_space<vmem>>
    %dma_start3A_560 = tpu.memref_squeeze %dma_start3A_559 : memref<1x16x1024xf32, #tpu.memory_space<vmem>> -> memref<16x1024xf32, #tpu.memory_space<vmem>>
    %dma_start3A_561 = arith.constant 240 : i32
    %dma_start3A_562 = tpu.memref_slice %arg5[%dma_start3A_561] : memref<512xi32, #tpu.memory_space<vmem>> -> memref<16xi32, #tpu.memory_space<vmem>>
    %dma_start3A_563 = arith.constant 0 : i32
    %dma_start3A_564 = arith.constant 0 : i32
    %dma_start3A_565 = tpu.memref_slice %arg3[%dma_start3A_563, %dma_start3A_564] : memref<4096x1024xf32, #tpu.memory_space<hbm>> -> memref<4096x1024xf32, #tpu.memory_space<hbm>>
    tpu.enqueue_indirect_dma source(%dma_start3A_565 : memref<4096x1024xf32, #tpu.memory_space<hbm>>) target(%dma_start3A_560 : memref<16x1024xf32, #tpu.memory_space<vmem>>) offsets(%dma_start3A_562 : memref<16xi32, #tpu.memory_space<vmem>>) semaphore(%arg10 : memref<!tpu.dma_semaphore, #tpu.memory_space<semaphore_mem>>)
    %dma_wait3A_566 = arith.constant 5 : i32
    %dma_wait3A_567 = arith.constant 0 : i32
    %dma_wait3A_568 = arith.constant 0 : i32
    %dma_wait3A_569 = tpu.memref_slice %arg6[%dma_wait3A_566, %dma_wait3A_567, %dma_wait3A_568] : memref<6x16x1024xf32, #tpu.memory_space<vmem>> -> memref<1x16x1024xf32, #tpu.memory_space<vmem>>
    %dma_wait3A_570 = tpu.memref_squeeze %dma_wait3A_569 : memref<1x16x1024xf32, #tpu.memory_space<vmem>> -> memref<16x1024xf32, #tpu.memory_space<vmem>>
    %dma_wait3A_571 = arith.constant 176 : i32
    %dma_wait3A_572 = tpu.memref_slice %arg5[%dma_wait3A_571] : memref<512xi32, #tpu.memory_space<vmem>> -> memref<16xi32, #tpu.memory_space<vmem>>
    %dma_wait3A_573 = arith.constant 0 : i32
    %dma_wait3A_574 = arith.constant 0 : i32
    %dma_wait3A_575 = tpu.memref_slice %arg3[%dma_wait3A_573, %dma_wait3A_574] : memref<4096x1024xf32, #tpu.memory_space<hbm>> -> memref<4096x1024xf32, #tpu.memory_space<hbm>>
    tpu.wait_indirect_dma semaphore(%arg12 : memref<!tpu.dma_semaphore, #tpu.memory_space<semaphore_mem>>) src(%dma_wait3A_575 : memref<4096x1024xf32, #tpu.memory_space<hbm>>) dst(%dma_wait3A_570 : memref<16x1024xf32, #tpu.memory_space<vmem>>)
    %add3A_576 = arith.constant 176 : i32
    %add3A_577 = arith.addi %mul3A_2, %add3A_576 : i32
    %dma_start3A_578 = arith.constant 5 : i32
    %dma_start3A_579 = arith.constant 0 : i32
    %dma_start3A_580 = arith.constant 0 : i32
    %dma_start3A_581 = tpu.memref_slice %arg6[%dma_start3A_578, %dma_start3A_579, %dma_start3A_580] : memref<6x16x1024xf32, #tpu.memory_space<vmem>> -> memref<1x16x1024xf32, #tpu.memory_space<vmem>>
    %dma_start3A_582 = tpu.memref_squeeze %dma_start3A_581 : memref<1x16x1024xf32, #tpu.memory_space<vmem>> -> memref<16x1024xf32, #tpu.memory_space<vmem>>
    %dma_start3A_583 = arith.constant 0 : i32
    %dma_start3A_584 = tpu.memref_slice %arg4[%add3A_577, %dma_start3A_583] : memref<16384x1024xf32, #tpu.memory_space<hbm>> -> memref<16x1024xf32, #tpu.memory_space<hbm>>
    %dma_start3A_585 = arith.constant 0 : i32
    %dma_start3A_586 = tpu.memref_slice %arg4[%add3A_577, %dma_start3A_585] : memref<16384x1024xf32, #tpu.memory_space<hbm>> -> memref<16x1024xf32, #tpu.memory_space<hbm>>
    %dma_start3A_587 = arith.constant 0 : i32
    %dma_start3A_588 = arith.constant 0 : i32
    %dma_start3A_589 = tpu.memref_slice %arg6[%dma_start3A_578, %dma_start3A_587, %dma_start3A_588] : memref<6x16x1024xf32, #tpu.memory_space<vmem>> -> memref<1x16x1024xf32, #tpu.memory_space<vmem>>
    %dma_start3A_590 = tpu.memref_squeeze %dma_start3A_589 : memref<1x16x1024xf32, #tpu.memory_space<vmem>> -> memref<16x1024xf32, #tpu.memory_space<vmem>>
    tpu.enqueue_dma source(%dma_start3A_590 : memref<16x1024xf32, #tpu.memory_space<vmem>>) target(%dma_start3A_586 : memref<16x1024xf32, #tpu.memory_space<hbm>>) target_semaphore(%arg18 : memref<!tpu.dma_semaphore, #tpu.memory_space<semaphore_mem>>)
    %dma_wait3A_591 = arith.constant 4 : i32
    %dma_wait3A_592 = arith.constant 0 : i32
    %dma_wait3A_593 = arith.constant 0 : i32
    %dma_wait3A_594 = tpu.memref_slice %arg6[%dma_wait3A_591, %dma_wait3A_592, %dma_wait3A_593] : memref<6x16x1024xf32, #tpu.memory_space<vmem>> -> memref<1x16x1024xf32, #tpu.memory_space<vmem>>
    %dma_wait3A_595 = tpu.memref_squeeze %dma_wait3A_594 : memref<1x16x1024xf32, #tpu.memory_space<vmem>> -> memref<16x1024xf32, #tpu.memory_space<vmem>>
    %dma_wait3A_596 = arith.constant 0 : i32
    %dma_wait3A_597 = tpu.memref_slice %arg4[%add3A_529, %dma_wait3A_596] : memref<16384x1024xf32, #tpu.memory_space<hbm>> -> memref<16x1024xf32, #tpu.memory_space<hbm>>
    %dma_wait3A_598 = arith.constant 0 : i32
    %dma_wait3A_599 = tpu.memref_slice %arg4[%add3A_529, %dma_wait3A_598] : memref<16384x1024xf32, #tpu.memory_space<hbm>> -> memref<16x1024xf32, #tpu.memory_space<hbm>>
    %dma_wait3A_600 = arith.constant 0 : i32
    %dma_wait3A_601 = arith.constant 0 : i32
    %dma_wait3A_602 = tpu.memref_slice %arg6[%dma_wait3A_591, %dma_wait3A_600, %dma_wait3A_601] : memref<6x16x1024xf32, #tpu.memory_space<vmem>> -> memref<1x16x1024xf32, #tpu.memory_space<vmem>>
    %dma_wait3A_603 = tpu.memref_squeeze %dma_wait3A_602 : memref<1x16x1024xf32, #tpu.memory_space<vmem>> -> memref<16x1024xf32, #tpu.memory_space<vmem>>
    tpu.wait_dma2 semaphore(%arg17 : memref<!tpu.dma_semaphore, #tpu.memory_space<semaphore_mem>>) src(%dma_wait3A_603 : memref<16x1024xf32, #tpu.memory_space<vmem>>) dst(%dma_wait3A_599 : memref<16x1024xf32, #tpu.memory_space<hbm>>)
    %dma_start3A_604 = arith.constant 4 : i32
    %dma_start3A_605 = arith.constant 0 : i32
    %dma_start3A_606 = arith.constant 0 : i32
    %dma_start3A_607 = tpu.memref_slice %arg6[%dma_start3A_604, %dma_start3A_605, %dma_start3A_606] : memref<6x16x1024xf32, #tpu.memory_space<vmem>> -> memref<1x16x1024xf32, #tpu.memory_space<vmem>>
    %dma_start3A_608 = tpu.memref_squeeze %dma_start3A_607 : memref<1x16x1024xf32, #tpu.memory_space<vmem>> -> memref<16x1024xf32, #tpu.memory_space<vmem>>
    %dma_start3A_609 = arith.constant 256 : i32
    %dma_start3A_610 = tpu.memref_slice %arg5[%dma_start3A_609] : memref<512xi32, #tpu.memory_space<vmem>> -> memref<16xi32, #tpu.memory_space<vmem>>
    %dma_start3A_611 = arith.constant 0 : i32
    %dma_start3A_612 = arith.constant 0 : i32
    %dma_start3A_613 = tpu.memref_slice %arg3[%dma_start3A_611, %dma_start3A_612] : memref<4096x1024xf32, #tpu.memory_space<hbm>> -> memref<4096x1024xf32, #tpu.memory_space<hbm>>
    tpu.enqueue_indirect_dma source(%dma_start3A_613 : memref<4096x1024xf32, #tpu.memory_space<hbm>>) target(%dma_start3A_608 : memref<16x1024xf32, #tpu.memory_space<vmem>>) offsets(%dma_start3A_610 : memref<16xi32, #tpu.memory_space<vmem>>) semaphore(%arg11 : memref<!tpu.dma_semaphore, #tpu.memory_space<semaphore_mem>>)
    %dma_wait3A_614 = arith.constant 0 : i32
    %dma_wait3A_615 = arith.constant 0 : i32
    %dma_wait3A_616 = arith.constant 0 : i32
    %dma_wait3A_617 = tpu.memref_slice %arg6[%dma_wait3A_614, %dma_wait3A_615, %dma_wait3A_616] : memref<6x16x1024xf32, #tpu.memory_space<vmem>> -> memref<1x16x1024xf32, #tpu.memory_space<vmem>>
    %dma_wait3A_618 = tpu.memref_squeeze %dma_wait3A_617 : memref<1x16x1024xf32, #tpu.memory_space<vmem>> -> memref<16x1024xf32, #tpu.memory_space<vmem>>
    %dma_wait3A_619 = arith.constant 192 : i32
    %dma_wait3A_620 = tpu.memref_slice %arg5[%dma_wait3A_619] : memref<512xi32, #tpu.memory_space<vmem>> -> memref<16xi32, #tpu.memory_space<vmem>>
    %dma_wait3A_621 = arith.constant 0 : i32
    %dma_wait3A_622 = arith.constant 0 : i32
    %dma_wait3A_623 = tpu.memref_slice %arg3[%dma_wait3A_621, %dma_wait3A_622] : memref<4096x1024xf32, #tpu.memory_space<hbm>> -> memref<4096x1024xf32, #tpu.memory_space<hbm>>
    tpu.wait_indirect_dma semaphore(%arg7 : memref<!tpu.dma_semaphore, #tpu.memory_space<semaphore_mem>>) src(%dma_wait3A_623 : memref<4096x1024xf32, #tpu.memory_space<hbm>>) dst(%dma_wait3A_618 : memref<16x1024xf32, #tpu.memory_space<vmem>>)
    %add3A_624 = arith.constant 192 : i32
    %add3A_625 = arith.addi %mul3A_2, %add3A_624 : i32
    %dma_start3A_626 = arith.constant 0 : i32
    %dma_start3A_627 = arith.constant 0 : i32
    %dma_start3A_628 = arith.constant 0 : i32
    %dma_start3A_629 = tpu.memref_slice %arg6[%dma_start3A_626, %dma_start3A_627, %dma_start3A_628] : memref<6x16x1024xf32, #tpu.memory_space<vmem>> -> memref<1x16x1024xf32, #tpu.memory_space<vmem>>
    %dma_start3A_630 = tpu.memref_squeeze %dma_start3A_629 : memref<1x16x1024xf32, #tpu.memory_space<vmem>> -> memref<16x1024xf32, #tpu.memory_space<vmem>>
    %dma_start3A_631 = arith.constant 0 : i32
    %dma_start3A_632 = tpu.memref_slice %arg4[%add3A_625, %dma_start3A_631] : memref<16384x1024xf32, #tpu.memory_space<hbm>> -> memref<16x1024xf32, #tpu.memory_space<hbm>>
    %dma_start3A_633 = arith.constant 0 : i32
    %dma_start3A_634 = tpu.memref_slice %arg4[%add3A_625, %dma_start3A_633] : memref<16384x1024xf32, #tpu.memory_space<hbm>> -> memref<16x1024xf32, #tpu.memory_space<hbm>>
    %dma_start3A_635 = arith.constant 0 : i32
    %dma_start3A_636 = arith.constant 0 : i32
    %dma_start3A_637 = tpu.memref_slice %arg6[%dma_start3A_626, %dma_start3A_635, %dma_start3A_636] : memref<6x16x1024xf32, #tpu.memory_space<vmem>> -> memref<1x16x1024xf32, #tpu.memory_space<vmem>>
    %dma_start3A_638 = tpu.memref_squeeze %dma_start3A_637 : memref<1x16x1024xf32, #tpu.memory_space<vmem>> -> memref<16x1024xf32, #tpu.memory_space<vmem>>
    tpu.enqueue_dma source(%dma_start3A_638 : memref<16x1024xf32, #tpu.memory_space<vmem>>) target(%dma_start3A_634 : memref<16x1024xf32, #tpu.memory_space<hbm>>) target_semaphore(%arg13 : memref<!tpu.dma_semaphore, #tpu.memory_space<semaphore_mem>>)
    %dma_wait3A_639 = arith.constant 5 : i32
    %dma_wait3A_640 = arith.constant 0 : i32
    %dma_wait3A_641 = arith.constant 0 : i32
    %dma_wait3A_642 = tpu.memref_slice %arg6[%dma_wait3A_639, %dma_wait3A_640, %dma_wait3A_641] : memref<6x16x1024xf32, #tpu.memory_space<vmem>> -> memref<1x16x1024xf32, #tpu.memory_space<vmem>>
    %dma_wait3A_643 = tpu.memref_squeeze %dma_wait3A_642 : memref<1x16x1024xf32, #tpu.memory_space<vmem>> -> memref<16x1024xf32, #tpu.memory_space<vmem>>
    %dma_wait3A_644 = arith.constant 0 : i32
    %dma_wait3A_645 = tpu.memref_slice %arg4[%add3A_577, %dma_wait3A_644] : memref<16384x1024xf32, #tpu.memory_space<hbm>> -> memref<16x1024xf32, #tpu.memory_space<hbm>>
    %dma_wait3A_646 = arith.constant 0 : i32
    %dma_wait3A_647 = tpu.memref_slice %arg4[%add3A_577, %dma_wait3A_646] : memref<16384x1024xf32, #tpu.memory_space<hbm>> -> memref<16x1024xf32, #tpu.memory_space<hbm>>
    %dma_wait3A_648 = arith.constant 0 : i32
    %dma_wait3A_649 = arith.constant 0 : i32
    %dma_wait3A_650 = tpu.memref_slice %arg6[%dma_wait3A_639, %dma_wait3A_648, %dma_wait3A_649] : memref<6x16x1024xf32, #tpu.memory_space<vmem>> -> memref<1x16x1024xf32, #tpu.memory_space<vmem>>
    %dma_wait3A_651 = tpu.memref_squeeze %dma_wait3A_650 : memref<1x16x1024xf32, #tpu.memory_space<vmem>> -> memref<16x1024xf32, #tpu.memory_space<vmem>>
    tpu.wait_dma2 semaphore(%arg18 : memref<!tpu.dma_semaphore, #tpu.memory_space<semaphore_mem>>) src(%dma_wait3A_651 : memref<16x1024xf32, #tpu.memory_space<vmem>>) dst(%dma_wait3A_647 : memref<16x1024xf32, #tpu.memory_space<hbm>>)
    %dma_start3A_652 = arith.constant 5 : i32
    %dma_start3A_653 = arith.constant 0 : i32
    %dma_start3A_654 = arith.constant 0 : i32
    %dma_start3A_655 = tpu.memref_slice %arg6[%dma_start3A_652, %dma_start3A_653, %dma_start3A_654] : memref<6x16x1024xf32, #tpu.memory_space<vmem>> -> memref<1x16x1024xf32, #tpu.memory_space<vmem>>
    %dma_start3A_656 = tpu.memref_squeeze %dma_start3A_655 : memref<1x16x1024xf32, #tpu.memory_space<vmem>> -> memref<16x1024xf32, #tpu.memory_space<vmem>>
    %dma_start3A_657 = arith.constant 272 : i32
    %dma_start3A_658 = tpu.memref_slice %arg5[%dma_start3A_657] : memref<512xi32, #tpu.memory_space<vmem>> -> memref<16xi32, #tpu.memory_space<vmem>>
    %dma_start3A_659 = arith.constant 0 : i32
    %dma_start3A_660 = arith.constant 0 : i32
    %dma_start3A_661 = tpu.memref_slice %arg3[%dma_start3A_659, %dma_start3A_660] : memref<4096x1024xf32, #tpu.memory_space<hbm>> -> memref<4096x1024xf32, #tpu.memory_space<hbm>>
    tpu.enqueue_indirect_dma source(%dma_start3A_661 : memref<4096x1024xf32, #tpu.memory_space<hbm>>) target(%dma_start3A_656 : memref<16x1024xf32, #tpu.memory_space<vmem>>) offsets(%dma_start3A_658 : memref<16xi32, #tpu.memory_space<vmem>>) semaphore(%arg12 : memref<!tpu.dma_semaphore, #tpu.memory_space<semaphore_mem>>)
    %dma_wait3A_662 = arith.constant 1 : i32
    %dma_wait3A_663 = arith.constant 0 : i32
    %dma_wait3A_664 = arith.constant 0 : i32
    %dma_wait3A_665 = tpu.memref_slice %arg6[%dma_wait3A_662, %dma_wait3A_663, %dma_wait3A_664] : memref<6x16x1024xf32, #tpu.memory_space<vmem>> -> memref<1x16x1024xf32, #tpu.memory_space<vmem>>
    %dma_wait3A_666 = tpu.memref_squeeze %dma_wait3A_665 : memref<1x16x1024xf32, #tpu.memory_space<vmem>> -> memref<16x1024xf32, #tpu.memory_space<vmem>>
    %dma_wait3A_667 = arith.constant 208 : i32
    %dma_wait3A_668 = tpu.memref_slice %arg5[%dma_wait3A_667] : memref<512xi32, #tpu.memory_space<vmem>> -> memref<16xi32, #tpu.memory_space<vmem>>
    %dma_wait3A_669 = arith.constant 0 : i32
    %dma_wait3A_670 = arith.constant 0 : i32
    %dma_wait3A_671 = tpu.memref_slice %arg3[%dma_wait3A_669, %dma_wait3A_670] : memref<4096x1024xf32, #tpu.memory_space<hbm>> -> memref<4096x1024xf32, #tpu.memory_space<hbm>>
    tpu.wait_indirect_dma semaphore(%arg8 : memref<!tpu.dma_semaphore, #tpu.memory_space<semaphore_mem>>) src(%dma_wait3A_671 : memref<4096x1024xf32, #tpu.memory_space<hbm>>) dst(%dma_wait3A_666 : memref<16x1024xf32, #tpu.memory_space<vmem>>)
    %add3A_672 = arith.constant 208 : i32
    %add3A_673 = arith.addi %mul3A_2, %add3A_672 : i32
    %dma_start3A_674 = arith.constant 1 : i32
    %dma_start3A_675 = arith.constant 0 : i32
    %dma_start3A_676 = arith.constant 0 : i32
    %dma_start3A_677 = tpu.memref_slice %arg6[%dma_start3A_674, %dma_start3A_675, %dma_start3A_676] : memref<6x16x1024xf32, #tpu.memory_space<vmem>> -> memref<1x16x1024xf32, #tpu.memory_space<vmem>>
    %dma_start3A_678 = tpu.memref_squeeze %dma_start3A_677 : memref<1x16x1024xf32, #tpu.memory_space<vmem>> -> memref<16x1024xf32, #tpu.memory_space<vmem>>
    %dma_start3A_679 = arith.constant 0 : i32
    %dma_start3A_680 = tpu.memref_slice %arg4[%add3A_673, %dma_start3A_679] : memref<16384x1024xf32, #tpu.memory_space<hbm>> -> memref<16x1024xf32, #tpu.memory_space<hbm>>
    %dma_start3A_681 = arith.constant 0 : i32
    %dma_start3A_682 = tpu.memref_slice %arg4[%add3A_673, %dma_start3A_681] : memref<16384x1024xf32, #tpu.memory_space<hbm>> -> memref<16x1024xf32, #tpu.memory_space<hbm>>
    %dma_start3A_683 = arith.constant 0 : i32
    %dma_start3A_684 = arith.constant 0 : i32
    %dma_start3A_685 = tpu.memref_slice %arg6[%dma_start3A_674, %dma_start3A_683, %dma_start3A_684] : memref<6x16x1024xf32, #tpu.memory_space<vmem>> -> memref<1x16x1024xf32, #tpu.memory_space<vmem>>
    %dma_start3A_686 = tpu.memref_squeeze %dma_start3A_685 : memref<1x16x1024xf32, #tpu.memory_space<vmem>> -> memref<16x1024xf32, #tpu.memory_space<vmem>>
    tpu.enqueue_dma source(%dma_start3A_686 : memref<16x1024xf32, #tpu.memory_space<vmem>>) target(%dma_start3A_682 : memref<16x1024xf32, #tpu.memory_space<hbm>>) target_semaphore(%arg14 : memref<!tpu.dma_semaphore, #tpu.memory_space<semaphore_mem>>)
    %dma_wait3A_687 = arith.constant 0 : i32
    %dma_wait3A_688 = arith.constant 0 : i32
    %dma_wait3A_689 = arith.constant 0 : i32
    %dma_wait3A_690 = tpu.memref_slice %arg6[%dma_wait3A_687, %dma_wait3A_688, %dma_wait3A_689] : memref<6x16x1024xf32, #tpu.memory_space<vmem>> -> memref<1x16x1024xf32, #tpu.memory_space<vmem>>
    %dma_wait3A_691 = tpu.memref_squeeze %dma_wait3A_690 : memref<1x16x1024xf32, #tpu.memory_space<vmem>> -> memref<16x1024xf32, #tpu.memory_space<vmem>>
    %dma_wait3A_692 = arith.constant 0 : i32
    %dma_wait3A_693 = tpu.memref_slice %arg4[%add3A_625, %dma_wait3A_692] : memref<16384x1024xf32, #tpu.memory_space<hbm>> -> memref<16x1024xf32, #tpu.memory_space<hbm>>
    %dma_wait3A_694 = arith.constant 0 : i32
    %dma_wait3A_695 = tpu.memref_slice %arg4[%add3A_625, %dma_wait3A_694] : memref<16384x1024xf32, #tpu.memory_space<hbm>> -> memref<16x1024xf32, #tpu.memory_space<hbm>>
    %dma_wait3A_696 = arith.constant 0 : i32
    %dma_wait3A_697 = arith.constant 0 : i32
    %dma_wait3A_698 = tpu.memref_slice %arg6[%dma_wait3A_687, %dma_wait3A_696, %dma_wait3A_697] : memref<6x16x1024xf32, #tpu.memory_space<vmem>> -> memref<1x16x1024xf32, #tpu.memory_space<vmem>>
    %dma_wait3A_699 = tpu.memref_squeeze %dma_wait3A_698 : memref<1x16x1024xf32, #tpu.memory_space<vmem>> -> memref<16x1024xf32, #tpu.memory_space<vmem>>
    tpu.wait_dma2 semaphore(%arg13 : memref<!tpu.dma_semaphore, #tpu.memory_space<semaphore_mem>>) src(%dma_wait3A_699 : memref<16x1024xf32, #tpu.memory_space<vmem>>) dst(%dma_wait3A_695 : memref<16x1024xf32, #tpu.memory_space<hbm>>)
    %dma_start3A_700 = arith.constant 0 : i32
    %dma_start3A_701 = arith.constant 0 : i32
    %dma_start3A_702 = arith.constant 0 : i32
    %dma_start3A_703 = tpu.memref_slice %arg6[%dma_start3A_700, %dma_start3A_701, %dma_start3A_702] : memref<6x16x1024xf32, #tpu.memory_space<vmem>> -> memref<1x16x1024xf32, #tpu.memory_space<vmem>>
    %dma_start3A_704 = tpu.memref_squeeze %dma_start3A_703 : memref<1x16x1024xf32, #tpu.memory_space<vmem>> -> memref<16x1024xf32, #tpu.memory_space<vmem>>
    %dma_start3A_705 = arith.constant 288 : i32
    %dma_start3A_706 = tpu.memref_slice %arg5[%dma_start3A_705] : memref<512xi32, #tpu.memory_space<vmem>> -> memref<16xi32, #tpu.memory_space<vmem>>
    %dma_start3A_707 = arith.constant 0 : i32
    %dma_start3A_708 = arith.constant 0 : i32
    %dma_start3A_709 = tpu.memref_slice %arg3[%dma_start3A_707, %dma_start3A_708] : memref<4096x1024xf32, #tpu.memory_space<hbm>> -> memref<4096x1024xf32, #tpu.memory_space<hbm>>
    tpu.enqueue_indirect_dma source(%dma_start3A_709 : memref<4096x1024xf32, #tpu.memory_space<hbm>>) target(%dma_start3A_704 : memref<16x1024xf32, #tpu.memory_space<vmem>>) offsets(%dma_start3A_706 : memref<16xi32, #tpu.memory_space<vmem>>) semaphore(%arg7 : memref<!tpu.dma_semaphore, #tpu.memory_space<semaphore_mem>>)
    %dma_wait3A_710 = arith.constant 2 : i32
    %dma_wait3A_711 = arith.constant 0 : i32
    %dma_wait3A_712 = arith.constant 0 : i32
    %dma_wait3A_713 = tpu.memref_slice %arg6[%dma_wait3A_710, %dma_wait3A_711, %dma_wait3A_712] : memref<6x16x1024xf32, #tpu.memory_space<vmem>> -> memref<1x16x1024xf32, #tpu.memory_space<vmem>>
    %dma_wait3A_714 = tpu.memref_squeeze %dma_wait3A_713 : memref<1x16x1024xf32, #tpu.memory_space<vmem>> -> memref<16x1024xf32, #tpu.memory_space<vmem>>
    %dma_wait3A_715 = arith.constant 224 : i32
    %dma_wait3A_716 = tpu.memref_slice %arg5[%dma_wait3A_715] : memref<512xi32, #tpu.memory_space<vmem>> -> memref<16xi32, #tpu.memory_space<vmem>>
    %dma_wait3A_717 = arith.constant 0 : i32
    %dma_wait3A_718 = arith.constant 0 : i32
    %dma_wait3A_719 = tpu.memref_slice %arg3[%dma_wait3A_717, %dma_wait3A_718] : memref<4096x1024xf32, #tpu.memory_space<hbm>> -> memref<4096x1024xf32, #tpu.memory_space<hbm>>
    tpu.wait_indirect_dma semaphore(%arg9 : memref<!tpu.dma_semaphore, #tpu.memory_space<semaphore_mem>>) src(%dma_wait3A_719 : memref<4096x1024xf32, #tpu.memory_space<hbm>>) dst(%dma_wait3A_714 : memref<16x1024xf32, #tpu.memory_space<vmem>>)
    %add3A_720 = arith.constant 224 : i32
    %add3A_721 = arith.addi %mul3A_2, %add3A_720 : i32
    %dma_start3A_722 = arith.constant 2 : i32
    %dma_start3A_723 = arith.constant 0 : i32
    %dma_start3A_724 = arith.constant 0 : i32
    %dma_start3A_725 = tpu.memref_slice %arg6[%dma_start3A_722, %dma_start3A_723, %dma_start3A_724] : memref<6x16x1024xf32, #tpu.memory_space<vmem>> -> memref<1x16x1024xf32, #tpu.memory_space<vmem>>
    %dma_start3A_726 = tpu.memref_squeeze %dma_start3A_725 : memref<1x16x1024xf32, #tpu.memory_space<vmem>> -> memref<16x1024xf32, #tpu.memory_space<vmem>>
    %dma_start3A_727 = arith.constant 0 : i32
    %dma_start3A_728 = tpu.memref_slice %arg4[%add3A_721, %dma_start3A_727] : memref<16384x1024xf32, #tpu.memory_space<hbm>> -> memref<16x1024xf32, #tpu.memory_space<hbm>>
    %dma_start3A_729 = arith.constant 0 : i32
    %dma_start3A_730 = tpu.memref_slice %arg4[%add3A_721, %dma_start3A_729] : memref<16384x1024xf32, #tpu.memory_space<hbm>> -> memref<16x1024xf32, #tpu.memory_space<hbm>>
    %dma_start3A_731 = arith.constant 0 : i32
    %dma_start3A_732 = arith.constant 0 : i32
    %dma_start3A_733 = tpu.memref_slice %arg6[%dma_start3A_722, %dma_start3A_731, %dma_start3A_732] : memref<6x16x1024xf32, #tpu.memory_space<vmem>> -> memref<1x16x1024xf32, #tpu.memory_space<vmem>>
    %dma_start3A_734 = tpu.memref_squeeze %dma_start3A_733 : memref<1x16x1024xf32, #tpu.memory_space<vmem>> -> memref<16x1024xf32, #tpu.memory_space<vmem>>
    tpu.enqueue_dma source(%dma_start3A_734 : memref<16x1024xf32, #tpu.memory_space<vmem>>) target(%dma_start3A_730 : memref<16x1024xf32, #tpu.memory_space<hbm>>) target_semaphore(%arg15 : memref<!tpu.dma_semaphore, #tpu.memory_space<semaphore_mem>>)
    %dma_wait3A_735 = arith.constant 1 : i32
    %dma_wait3A_736 = arith.constant 0 : i32
    %dma_wait3A_737 = arith.constant 0 : i32
    %dma_wait3A_738 = tpu.memref_slice %arg6[%dma_wait3A_735, %dma_wait3A_736, %dma_wait3A_737] : memref<6x16x1024xf32, #tpu.memory_space<vmem>> -> memref<1x16x1024xf32, #tpu.memory_space<vmem>>
    %dma_wait3A_739 = tpu.memref_squeeze %dma_wait3A_738 : memref<1x16x1024xf32, #tpu.memory_space<vmem>> -> memref<16x1024xf32, #tpu.memory_space<vmem>>
    %dma_wait3A_740 = arith.constant 0 : i32
    %dma_wait3A_741 = tpu.memref_slice %arg4[%add3A_673, %dma_wait3A_740] : memref<16384x1024xf32, #tpu.memory_space<hbm>> -> memref<16x1024xf32, #tpu.memory_space<hbm>>
    %dma_wait3A_742 = arith.constant 0 : i32
    %dma_wait3A_743 = tpu.memref_slice %arg4[%add3A_673, %dma_wait3A_742] : memref<16384x1024xf32, #tpu.memory_space<hbm>> -> memref<16x1024xf32, #tpu.memory_space<hbm>>
    %dma_wait3A_744 = arith.constant 0 : i32
    %dma_wait3A_745 = arith.constant 0 : i32
    %dma_wait3A_746 = tpu.memref_slice %arg6[%dma_wait3A_735, %dma_wait3A_744, %dma_wait3A_745] : memref<6x16x1024xf32, #tpu.memory_space<vmem>> -> memref<1x16x1024xf32, #tpu.memory_space<vmem>>
    %dma_wait3A_747 = tpu.memref_squeeze %dma_wait3A_746 : memref<1x16x1024xf32, #tpu.memory_space<vmem>> -> memref<16x1024xf32, #tpu.memory_space<vmem>>
    tpu.wait_dma2 semaphore(%arg14 : memref<!tpu.dma_semaphore, #tpu.memory_space<semaphore_mem>>) src(%dma_wait3A_747 : memref<16x1024xf32, #tpu.memory_space<vmem>>) dst(%dma_wait3A_743 : memref<16x1024xf32, #tpu.memory_space<hbm>>)
    %dma_start3A_748 = arith.constant 1 : i32
    %dma_start3A_749 = arith.constant 0 : i32
    %dma_start3A_750 = arith.constant 0 : i32
    %dma_start3A_751 = tpu.memref_slice %arg6[%dma_start3A_748, %dma_start3A_749, %dma_start3A_750] : memref<6x16x1024xf32, #tpu.memory_space<vmem>> -> memref<1x16x1024xf32, #tpu.memory_space<vmem>>
    %dma_start3A_752 = tpu.memref_squeeze %dma_start3A_751 : memref<1x16x1024xf32, #tpu.memory_space<vmem>> -> memref<16x1024xf32, #tpu.memory_space<vmem>>
    %dma_start3A_753 = arith.constant 304 : i32
    %dma_start3A_754 = tpu.memref_slice %arg5[%dma_start3A_753] : memref<512xi32, #tpu.memory_space<vmem>> -> memref<16xi32, #tpu.memory_space<vmem>>
    %dma_start3A_755 = arith.constant 0 : i32
    %dma_start3A_756 = arith.constant 0 : i32
    %dma_start3A_757 = tpu.memref_slice %arg3[%dma_start3A_755, %dma_start3A_756] : memref<4096x1024xf32, #tpu.memory_space<hbm>> -> memref<4096x1024xf32, #tpu.memory_space<hbm>>
    tpu.enqueue_indirect_dma source(%dma_start3A_757 : memref<4096x1024xf32, #tpu.memory_space<hbm>>) target(%dma_start3A_752 : memref<16x1024xf32, #tpu.memory_space<vmem>>) offsets(%dma_start3A_754 : memref<16xi32, #tpu.memory_space<vmem>>) semaphore(%arg8 : memref<!tpu.dma_semaphore, #tpu.memory_space<semaphore_mem>>)
    %dma_wait3A_758 = arith.constant 3 : i32
    %dma_wait3A_759 = arith.constant 0 : i32
    %dma_wait3A_760 = arith.constant 0 : i32
    %dma_wait3A_761 = tpu.memref_slice %arg6[%dma_wait3A_758, %dma_wait3A_759, %dma_wait3A_760] : memref<6x16x1024xf32, #tpu.memory_space<vmem>> -> memref<1x16x1024xf32, #tpu.memory_space<vmem>>
    %dma_wait3A_762 = tpu.memref_squeeze %dma_wait3A_761 : memref<1x16x1024xf32, #tpu.memory_space<vmem>> -> memref<16x1024xf32, #tpu.memory_space<vmem>>
    %dma_wait3A_763 = arith.constant 240 : i32
    %dma_wait3A_764 = tpu.memref_slice %arg5[%dma_wait3A_763] : memref<512xi32, #tpu.memory_space<vmem>> -> memref<16xi32, #tpu.memory_space<vmem>>
    %dma_wait3A_765 = arith.constant 0 : i32
    %dma_wait3A_766 = arith.constant 0 : i32
    %dma_wait3A_767 = tpu.memref_slice %arg3[%dma_wait3A_765, %dma_wait3A_766] : memref<4096x1024xf32, #tpu.memory_space<hbm>> -> memref<4096x1024xf32, #tpu.memory_space<hbm>>
    tpu.wait_indirect_dma semaphore(%arg10 : memref<!tpu.dma_semaphore, #tpu.memory_space<semaphore_mem>>) src(%dma_wait3A_767 : memref<4096x1024xf32, #tpu.memory_space<hbm>>) dst(%dma_wait3A_762 : memref<16x1024xf32, #tpu.memory_space<vmem>>)
    %add3A_768 = arith.constant 240 : i32
    %add3A_769 = arith.addi %mul3A_2, %add3A_768 : i32
    %dma_start3A_770 = arith.constant 3 : i32
    %dma_start3A_771 = arith.constant 0 : i32
    %dma_start3A_772 = arith.constant 0 : i32
    %dma_start3A_773 = tpu.memref_slice %arg6[%dma_start3A_770, %dma_start3A_771, %dma_start3A_772] : memref<6x16x1024xf32, #tpu.memory_space<vmem>> -> memref<1x16x1024xf32, #tpu.memory_space<vmem>>
    %dma_start3A_774 = tpu.memref_squeeze %dma_start3A_773 : memref<1x16x1024xf32, #tpu.memory_space<vmem>> -> memref<16x1024xf32, #tpu.memory_space<vmem>>
    %dma_start3A_775 = arith.constant 0 : i32
    %dma_start3A_776 = tpu.memref_slice %arg4[%add3A_769, %dma_start3A_775] : memref<16384x1024xf32, #tpu.memory_space<hbm>> -> memref<16x1024xf32, #tpu.memory_space<hbm>>
    %dma_start3A_777 = arith.constant 0 : i32
    %dma_start3A_778 = tpu.memref_slice %arg4[%add3A_769, %dma_start3A_777] : memref<16384x1024xf32, #tpu.memory_space<hbm>> -> memref<16x1024xf32, #tpu.memory_space<hbm>>
    %dma_start3A_779 = arith.constant 0 : i32
    %dma_start3A_780 = arith.constant 0 : i32
    %dma_start3A_781 = tpu.memref_slice %arg6[%dma_start3A_770, %dma_start3A_779, %dma_start3A_780] : memref<6x16x1024xf32, #tpu.memory_space<vmem>> -> memref<1x16x1024xf32, #tpu.memory_space<vmem>>
    %dma_start3A_782 = tpu.memref_squeeze %dma_start3A_781 : memref<1x16x1024xf32, #tpu.memory_space<vmem>> -> memref<16x1024xf32, #tpu.memory_space<vmem>>
    tpu.enqueue_dma source(%dma_start3A_782 : memref<16x1024xf32, #tpu.memory_space<vmem>>) target(%dma_start3A_778 : memref<16x1024xf32, #tpu.memory_space<hbm>>) target_semaphore(%arg16 : memref<!tpu.dma_semaphore, #tpu.memory_space<semaphore_mem>>)
    %dma_wait3A_783 = arith.constant 2 : i32
    %dma_wait3A_784 = arith.constant 0 : i32
    %dma_wait3A_785 = arith.constant 0 : i32
    %dma_wait3A_786 = tpu.memref_slice %arg6[%dma_wait3A_783, %dma_wait3A_784, %dma_wait3A_785] : memref<6x16x1024xf32, #tpu.memory_space<vmem>> -> memref<1x16x1024xf32, #tpu.memory_space<vmem>>
    %dma_wait3A_787 = tpu.memref_squeeze %dma_wait3A_786 : memref<1x16x1024xf32, #tpu.memory_space<vmem>> -> memref<16x1024xf32, #tpu.memory_space<vmem>>
    %dma_wait3A_788 = arith.constant 0 : i32
    %dma_wait3A_789 = tpu.memref_slice %arg4[%add3A_721, %dma_wait3A_788] : memref<16384x1024xf32, #tpu.memory_space<hbm>> -> memref<16x1024xf32, #tpu.memory_space<hbm>>
    %dma_wait3A_790 = arith.constant 0 : i32
    %dma_wait3A_791 = tpu.memref_slice %arg4[%add3A_721, %dma_wait3A_790] : memref<16384x1024xf32, #tpu.memory_space<hbm>> -> memref<16x1024xf32, #tpu.memory_space<hbm>>
    %dma_wait3A_792 = arith.constant 0 : i32
    %dma_wait3A_793 = arith.constant 0 : i32
    %dma_wait3A_794 = tpu.memref_slice %arg6[%dma_wait3A_783, %dma_wait3A_792, %dma_wait3A_793] : memref<6x16x1024xf32, #tpu.memory_space<vmem>> -> memref<1x16x1024xf32, #tpu.memory_space<vmem>>
    %dma_wait3A_795 = tpu.memref_squeeze %dma_wait3A_794 : memref<1x16x1024xf32, #tpu.memory_space<vmem>> -> memref<16x1024xf32, #tpu.memory_space<vmem>>
    tpu.wait_dma2 semaphore(%arg15 : memref<!tpu.dma_semaphore, #tpu.memory_space<semaphore_mem>>) src(%dma_wait3A_795 : memref<16x1024xf32, #tpu.memory_space<vmem>>) dst(%dma_wait3A_791 : memref<16x1024xf32, #tpu.memory_space<hbm>>)
    %dma_start3A_796 = arith.constant 2 : i32
    %dma_start3A_797 = arith.constant 0 : i32
    %dma_start3A_798 = arith.constant 0 : i32
    %dma_start3A_799 = tpu.memref_slice %arg6[%dma_start3A_796, %dma_start3A_797, %dma_start3A_798] : memref<6x16x1024xf32, #tpu.memory_space<vmem>> -> memref<1x16x1024xf32, #tpu.memory_space<vmem>>
    %dma_start3A_800 = tpu.memref_squeeze %dma_start3A_799 : memref<1x16x1024xf32, #tpu.memory_space<vmem>> -> memref<16x1024xf32, #tpu.memory_space<vmem>>
    %dma_start3A_801 = arith.constant 320 : i32
    %dma_start3A_802 = tpu.memref_slice %arg5[%dma_start3A_801] : memref<512xi32, #tpu.memory_space<vmem>> -> memref<16xi32, #tpu.memory_space<vmem>>
    %dma_start3A_803 = arith.constant 0 : i32
    %dma_start3A_804 = arith.constant 0 : i32
    %dma_start3A_805 = tpu.memref_slice %arg3[%dma_start3A_803, %dma_start3A_804] : memref<4096x1024xf32, #tpu.memory_space<hbm>> -> memref<4096x1024xf32, #tpu.memory_space<hbm>>
    tpu.enqueue_indirect_dma source(%dma_start3A_805 : memref<4096x1024xf32, #tpu.memory_space<hbm>>) target(%dma_start3A_800 : memref<16x1024xf32, #tpu.memory_space<vmem>>) offsets(%dma_start3A_802 : memref<16xi32, #tpu.memory_space<vmem>>) semaphore(%arg9 : memref<!tpu.dma_semaphore, #tpu.memory_space<semaphore_mem>>)
    %dma_wait3A_806 = arith.constant 4 : i32
    %dma_wait3A_807 = arith.constant 0 : i32
    %dma_wait3A_808 = arith.constant 0 : i32
    %dma_wait3A_809 = tpu.memref_slice %arg6[%dma_wait3A_806, %dma_wait3A_807, %dma_wait3A_808] : memref<6x16x1024xf32, #tpu.memory_space<vmem>> -> memref<1x16x1024xf32, #tpu.memory_space<vmem>>
    %dma_wait3A_810 = tpu.memref_squeeze %dma_wait3A_809 : memref<1x16x1024xf32, #tpu.memory_space<vmem>> -> memref<16x1024xf32, #tpu.memory_space<vmem>>
    %dma_wait3A_811 = arith.constant 256 : i32
    %dma_wait3A_812 = tpu.memref_slice %arg5[%dma_wait3A_811] : memref<512xi32, #tpu.memory_space<vmem>> -> memref<16xi32, #tpu.memory_space<vmem>>
    %dma_wait3A_813 = arith.constant 0 : i32
    %dma_wait3A_814 = arith.constant 0 : i32
    %dma_wait3A_815 = tpu.memref_slice %arg3[%dma_wait3A_813, %dma_wait3A_814] : memref<4096x1024xf32, #tpu.memory_space<hbm>> -> memref<4096x1024xf32, #tpu.memory_space<hbm>>
    tpu.wait_indirect_dma semaphore(%arg11 : memref<!tpu.dma_semaphore, #tpu.memory_space<semaphore_mem>>) src(%dma_wait3A_815 : memref<4096x1024xf32, #tpu.memory_space<hbm>>) dst(%dma_wait3A_810 : memref<16x1024xf32, #tpu.memory_space<vmem>>)
    %add3A_816 = arith.constant 256 : i32
    %add3A_817 = arith.addi %mul3A_2, %add3A_816 : i32
    %dma_start3A_818 = arith.constant 4 : i32
    %dma_start3A_819 = arith.constant 0 : i32
    %dma_start3A_820 = arith.constant 0 : i32
    %dma_start3A_821 = tpu.memref_slice %arg6[%dma_start3A_818, %dma_start3A_819, %dma_start3A_820] : memref<6x16x1024xf32, #tpu.memory_space<vmem>> -> memref<1x16x1024xf32, #tpu.memory_space<vmem>>
    %dma_start3A_822 = tpu.memref_squeeze %dma_start3A_821 : memref<1x16x1024xf32, #tpu.memory_space<vmem>> -> memref<16x1024xf32, #tpu.memory_space<vmem>>
    %dma_start3A_823 = arith.constant 0 : i32
    %dma_start3A_824 = tpu.memref_slice %arg4[%add3A_817, %dma_start3A_823] : memref<16384x1024xf32, #tpu.memory_space<hbm>> -> memref<16x1024xf32, #tpu.memory_space<hbm>>
    %dma_start3A_825 = arith.constant 0 : i32
    %dma_start3A_826 = tpu.memref_slice %arg4[%add3A_817, %dma_start3A_825] : memref<16384x1024xf32, #tpu.memory_space<hbm>> -> memref<16x1024xf32, #tpu.memory_space<hbm>>
    %dma_start3A_827 = arith.constant 0 : i32
    %dma_start3A_828 = arith.constant 0 : i32
    %dma_start3A_829 = tpu.memref_slice %arg6[%dma_start3A_818, %dma_start3A_827, %dma_start3A_828] : memref<6x16x1024xf32, #tpu.memory_space<vmem>> -> memref<1x16x1024xf32, #tpu.memory_space<vmem>>
    %dma_start3A_830 = tpu.memref_squeeze %dma_start3A_829 : memref<1x16x1024xf32, #tpu.memory_space<vmem>> -> memref<16x1024xf32, #tpu.memory_space<vmem>>
    tpu.enqueue_dma source(%dma_start3A_830 : memref<16x1024xf32, #tpu.memory_space<vmem>>) target(%dma_start3A_826 : memref<16x1024xf32, #tpu.memory_space<hbm>>) target_semaphore(%arg17 : memref<!tpu.dma_semaphore, #tpu.memory_space<semaphore_mem>>)
    %dma_wait3A_831 = arith.constant 3 : i32
    %dma_wait3A_832 = arith.constant 0 : i32
    %dma_wait3A_833 = arith.constant 0 : i32
    %dma_wait3A_834 = tpu.memref_slice %arg6[%dma_wait3A_831, %dma_wait3A_832, %dma_wait3A_833] : memref<6x16x1024xf32, #tpu.memory_space<vmem>> -> memref<1x16x1024xf32, #tpu.memory_space<vmem>>
    %dma_wait3A_835 = tpu.memref_squeeze %dma_wait3A_834 : memref<1x16x1024xf32, #tpu.memory_space<vmem>> -> memref<16x1024xf32, #tpu.memory_space<vmem>>
    %dma_wait3A_836 = arith.constant 0 : i32
    %dma_wait3A_837 = tpu.memref_slice %arg4[%add3A_769, %dma_wait3A_836] : memref<16384x1024xf32, #tpu.memory_space<hbm>> -> memref<16x1024xf32, #tpu.memory_space<hbm>>
    %dma_wait3A_838 = arith.constant 0 : i32
    %dma_wait3A_839 = tpu.memref_slice %arg4[%add3A_769, %dma_wait3A_838] : memref<16384x1024xf32, #tpu.memory_space<hbm>> -> memref<16x1024xf32, #tpu.memory_space<hbm>>
    %dma_wait3A_840 = arith.constant 0 : i32
    %dma_wait3A_841 = arith.constant 0 : i32
    %dma_wait3A_842 = tpu.memref_slice %arg6[%dma_wait3A_831, %dma_wait3A_840, %dma_wait3A_841] : memref<6x16x1024xf32, #tpu.memory_space<vmem>> -> memref<1x16x1024xf32, #tpu.memory_space<vmem>>
    %dma_wait3A_843 = tpu.memref_squeeze %dma_wait3A_842 : memref<1x16x1024xf32, #tpu.memory_space<vmem>> -> memref<16x1024xf32, #tpu.memory_space<vmem>>
    tpu.wait_dma2 semaphore(%arg16 : memref<!tpu.dma_semaphore, #tpu.memory_space<semaphore_mem>>) src(%dma_wait3A_843 : memref<16x1024xf32, #tpu.memory_space<vmem>>) dst(%dma_wait3A_839 : memref<16x1024xf32, #tpu.memory_space<hbm>>)
    %dma_start3A_844 = arith.constant 3 : i32
    %dma_start3A_845 = arith.constant 0 : i32
    %dma_start3A_846 = arith.constant 0 : i32
    %dma_start3A_847 = tpu.memref_slice %arg6[%dma_start3A_844, %dma_start3A_845, %dma_start3A_846] : memref<6x16x1024xf32, #tpu.memory_space<vmem>> -> memref<1x16x1024xf32, #tpu.memory_space<vmem>>
    %dma_start3A_848 = tpu.memref_squeeze %dma_start3A_847 : memref<1x16x1024xf32, #tpu.memory_space<vmem>> -> memref<16x1024xf32, #tpu.memory_space<vmem>>
    %dma_start3A_849 = arith.constant 336 : i32
    %dma_start3A_850 = tpu.memref_slice %arg5[%dma_start3A_849] : memref<512xi32, #tpu.memory_space<vmem>> -> memref<16xi32, #tpu.memory_space<vmem>>
    %dma_start3A_851 = arith.constant 0 : i32
    %dma_start3A_852 = arith.constant 0 : i32
    %dma_start3A_853 = tpu.memref_slice %arg3[%dma_start3A_851, %dma_start3A_852] : memref<4096x1024xf32, #tpu.memory_space<hbm>> -> memref<4096x1024xf32, #tpu.memory_space<hbm>>
    tpu.enqueue_indirect_dma source(%dma_start3A_853 : memref<4096x1024xf32, #tpu.memory_space<hbm>>) target(%dma_start3A_848 : memref<16x1024xf32, #tpu.memory_space<vmem>>) offsets(%dma_start3A_850 : memref<16xi32, #tpu.memory_space<vmem>>) semaphore(%arg10 : memref<!tpu.dma_semaphore, #tpu.memory_space<semaphore_mem>>)
    %dma_wait3A_854 = arith.constant 5 : i32
    %dma_wait3A_855 = arith.constant 0 : i32
    %dma_wait3A_856 = arith.constant 0 : i32
    %dma_wait3A_857 = tpu.memref_slice %arg6[%dma_wait3A_854, %dma_wait3A_855, %dma_wait3A_856] : memref<6x16x1024xf32, #tpu.memory_space<vmem>> -> memref<1x16x1024xf32, #tpu.memory_space<vmem>>
    %dma_wait3A_858 = tpu.memref_squeeze %dma_wait3A_857 : memref<1x16x1024xf32, #tpu.memory_space<vmem>> -> memref<16x1024xf32, #tpu.memory_space<vmem>>
    %dma_wait3A_859 = arith.constant 272 : i32
    %dma_wait3A_860 = tpu.memref_slice %arg5[%dma_wait3A_859] : memref<512xi32, #tpu.memory_space<vmem>> -> memref<16xi32, #tpu.memory_space<vmem>>
    %dma_wait3A_861 = arith.constant 0 : i32
    %dma_wait3A_862 = arith.constant 0 : i32
    %dma_wait3A_863 = tpu.memref_slice %arg3[%dma_wait3A_861, %dma_wait3A_862] : memref<4096x1024xf32, #tpu.memory_space<hbm>> -> memref<4096x1024xf32, #tpu.memory_space<hbm>>
    tpu.wait_indirect_dma semaphore(%arg12 : memref<!tpu.dma_semaphore, #tpu.memory_space<semaphore_mem>>) src(%dma_wait3A_863 : memref<4096x1024xf32, #tpu.memory_space<hbm>>) dst(%dma_wait3A_858 : memref<16x1024xf32, #tpu.memory_space<vmem>>)
    %add3A_864 = arith.constant 272 : i32
    %add3A_865 = arith.addi %mul3A_2, %add3A_864 : i32
    %dma_start3A_866 = arith.constant 5 : i32
    %dma_start3A_867 = arith.constant 0 : i32
    %dma_start3A_868 = arith.constant 0 : i32
    %dma_start3A_869 = tpu.memref_slice %arg6[%dma_start3A_866, %dma_start3A_867, %dma_start3A_868] : memref<6x16x1024xf32, #tpu.memory_space<vmem>> -> memref<1x16x1024xf32, #tpu.memory_space<vmem>>
    %dma_start3A_870 = tpu.memref_squeeze %dma_start3A_869 : memref<1x16x1024xf32, #tpu.memory_space<vmem>> -> memref<16x1024xf32, #tpu.memory_space<vmem>>
    %dma_start3A_871 = arith.constant 0 : i32
    %dma_start3A_872 = tpu.memref_slice %arg4[%add3A_865, %dma_start3A_871] : memref<16384x1024xf32, #tpu.memory_space<hbm>> -> memref<16x1024xf32, #tpu.memory_space<hbm>>
    %dma_start3A_873 = arith.constant 0 : i32
    %dma_start3A_874 = tpu.memref_slice %arg4[%add3A_865, %dma_start3A_873] : memref<16384x1024xf32, #tpu.memory_space<hbm>> -> memref<16x1024xf32, #tpu.memory_space<hbm>>
    %dma_start3A_875 = arith.constant 0 : i32
    %dma_start3A_876 = arith.constant 0 : i32
    %dma_start3A_877 = tpu.memref_slice %arg6[%dma_start3A_866, %dma_start3A_875, %dma_start3A_876] : memref<6x16x1024xf32, #tpu.memory_space<vmem>> -> memref<1x16x1024xf32, #tpu.memory_space<vmem>>
    %dma_start3A_878 = tpu.memref_squeeze %dma_start3A_877 : memref<1x16x1024xf32, #tpu.memory_space<vmem>> -> memref<16x1024xf32, #tpu.memory_space<vmem>>
    tpu.enqueue_dma source(%dma_start3A_878 : memref<16x1024xf32, #tpu.memory_space<vmem>>) target(%dma_start3A_874 : memref<16x1024xf32, #tpu.memory_space<hbm>>) target_semaphore(%arg18 : memref<!tpu.dma_semaphore, #tpu.memory_space<semaphore_mem>>)
    %dma_wait3A_879 = arith.constant 4 : i32
    %dma_wait3A_880 = arith.constant 0 : i32
    %dma_wait3A_881 = arith.constant 0 : i32
    %dma_wait3A_882 = tpu.memref_slice %arg6[%dma_wait3A_879, %dma_wait3A_880, %dma_wait3A_881] : memref<6x16x1024xf32, #tpu.memory_space<vmem>> -> memref<1x16x1024xf32, #tpu.memory_space<vmem>>
    %dma_wait3A_883 = tpu.memref_squeeze %dma_wait3A_882 : memref<1x16x1024xf32, #tpu.memory_space<vmem>> -> memref<16x1024xf32, #tpu.memory_space<vmem>>
    %dma_wait3A_884 = arith.constant 0 : i32
    %dma_wait3A_885 = tpu.memref_slice %arg4[%add3A_817, %dma_wait3A_884] : memref<16384x1024xf32, #tpu.memory_space<hbm>> -> memref<16x1024xf32, #tpu.memory_space<hbm>>
    %dma_wait3A_886 = arith.constant 0 : i32
    %dma_wait3A_887 = tpu.memref_slice %arg4[%add3A_817, %dma_wait3A_886] : memref<16384x1024xf32, #tpu.memory_space<hbm>> -> memref<16x1024xf32, #tpu.memory_space<hbm>>
    %dma_wait3A_888 = arith.constant 0 : i32
    %dma_wait3A_889 = arith.constant 0 : i32
    %dma_wait3A_890 = tpu.memref_slice %arg6[%dma_wait3A_879, %dma_wait3A_888, %dma_wait3A_889] : memref<6x16x1024xf32, #tpu.memory_space<vmem>> -> memref<1x16x1024xf32, #tpu.memory_space<vmem>>
    %dma_wait3A_891 = tpu.memref_squeeze %dma_wait3A_890 : memref<1x16x1024xf32, #tpu.memory_space<vmem>> -> memref<16x1024xf32, #tpu.memory_space<vmem>>
    tpu.wait_dma2 semaphore(%arg17 : memref<!tpu.dma_semaphore, #tpu.memory_space<semaphore_mem>>) src(%dma_wait3A_891 : memref<16x1024xf32, #tpu.memory_space<vmem>>) dst(%dma_wait3A_887 : memref<16x1024xf32, #tpu.memory_space<hbm>>)
    %dma_start3A_892 = arith.constant 4 : i32
    %dma_start3A_893 = arith.constant 0 : i32
    %dma_start3A_894 = arith.constant 0 : i32
    %dma_start3A_895 = tpu.memref_slice %arg6[%dma_start3A_892, %dma_start3A_893, %dma_start3A_894] : memref<6x16x1024xf32, #tpu.memory_space<vmem>> -> memref<1x16x1024xf32, #tpu.memory_space<vmem>>
    %dma_start3A_896 = tpu.memref_squeeze %dma_start3A_895 : memref<1x16x1024xf32, #tpu.memory_space<vmem>> -> memref<16x1024xf32, #tpu.memory_space<vmem>>
    %dma_start3A_897 = arith.constant 352 : i32
    %dma_start3A_898 = tpu.memref_slice %arg5[%dma_start3A_897] : memref<512xi32, #tpu.memory_space<vmem>> -> memref<16xi32, #tpu.memory_space<vmem>>
    %dma_start3A_899 = arith.constant 0 : i32
    %dma_start3A_900 = arith.constant 0 : i32
    %dma_start3A_901 = tpu.memref_slice %arg3[%dma_start3A_899, %dma_start3A_900] : memref<4096x1024xf32, #tpu.memory_space<hbm>> -> memref<4096x1024xf32, #tpu.memory_space<hbm>>
    tpu.enqueue_indirect_dma source(%dma_start3A_901 : memref<4096x1024xf32, #tpu.memory_space<hbm>>) target(%dma_start3A_896 : memref<16x1024xf32, #tpu.memory_space<vmem>>) offsets(%dma_start3A_898 : memref<16xi32, #tpu.memory_space<vmem>>) semaphore(%arg11 : memref<!tpu.dma_semaphore, #tpu.memory_space<semaphore_mem>>)
    %dma_wait3A_902 = arith.constant 0 : i32
    %dma_wait3A_903 = arith.constant 0 : i32
    %dma_wait3A_904 = arith.constant 0 : i32
    %dma_wait3A_905 = tpu.memref_slice %arg6[%dma_wait3A_902, %dma_wait3A_903, %dma_wait3A_904] : memref<6x16x1024xf32, #tpu.memory_space<vmem>> -> memref<1x16x1024xf32, #tpu.memory_space<vmem>>
    %dma_wait3A_906 = tpu.memref_squeeze %dma_wait3A_905 : memref<1x16x1024xf32, #tpu.memory_space<vmem>> -> memref<16x1024xf32, #tpu.memory_space<vmem>>
    %dma_wait3A_907 = arith.constant 288 : i32
    %dma_wait3A_908 = tpu.memref_slice %arg5[%dma_wait3A_907] : memref<512xi32, #tpu.memory_space<vmem>> -> memref<16xi32, #tpu.memory_space<vmem>>
    %dma_wait3A_909 = arith.constant 0 : i32
    %dma_wait3A_910 = arith.constant 0 : i32
    %dma_wait3A_911 = tpu.memref_slice %arg3[%dma_wait3A_909, %dma_wait3A_910] : memref<4096x1024xf32, #tpu.memory_space<hbm>> -> memref<4096x1024xf32, #tpu.memory_space<hbm>>
    tpu.wait_indirect_dma semaphore(%arg7 : memref<!tpu.dma_semaphore, #tpu.memory_space<semaphore_mem>>) src(%dma_wait3A_911 : memref<4096x1024xf32, #tpu.memory_space<hbm>>) dst(%dma_wait3A_906 : memref<16x1024xf32, #tpu.memory_space<vmem>>)
    %add3A_912 = arith.constant 288 : i32
    %add3A_913 = arith.addi %mul3A_2, %add3A_912 : i32
    %dma_start3A_914 = arith.constant 0 : i32
    %dma_start3A_915 = arith.constant 0 : i32
    %dma_start3A_916 = arith.constant 0 : i32
    %dma_start3A_917 = tpu.memref_slice %arg6[%dma_start3A_914, %dma_start3A_915, %dma_start3A_916] : memref<6x16x1024xf32, #tpu.memory_space<vmem>> -> memref<1x16x1024xf32, #tpu.memory_space<vmem>>
    %dma_start3A_918 = tpu.memref_squeeze %dma_start3A_917 : memref<1x16x1024xf32, #tpu.memory_space<vmem>> -> memref<16x1024xf32, #tpu.memory_space<vmem>>
    %dma_start3A_919 = arith.constant 0 : i32
    %dma_start3A_920 = tpu.memref_slice %arg4[%add3A_913, %dma_start3A_919] : memref<16384x1024xf32, #tpu.memory_space<hbm>> -> memref<16x1024xf32, #tpu.memory_space<hbm>>
    %dma_start3A_921 = arith.constant 0 : i32
    %dma_start3A_922 = tpu.memref_slice %arg4[%add3A_913, %dma_start3A_921] : memref<16384x1024xf32, #tpu.memory_space<hbm>> -> memref<16x1024xf32, #tpu.memory_space<hbm>>
    %dma_start3A_923 = arith.constant 0 : i32
    %dma_start3A_924 = arith.constant 0 : i32
    %dma_start3A_925 = tpu.memref_slice %arg6[%dma_start3A_914, %dma_start3A_923, %dma_start3A_924] : memref<6x16x1024xf32, #tpu.memory_space<vmem>> -> memref<1x16x1024xf32, #tpu.memory_space<vmem>>
    %dma_start3A_926 = tpu.memref_squeeze %dma_start3A_925 : memref<1x16x1024xf32, #tpu.memory_space<vmem>> -> memref<16x1024xf32, #tpu.memory_space<vmem>>
    tpu.enqueue_dma source(%dma_start3A_926 : memref<16x1024xf32, #tpu.memory_space<vmem>>) target(%dma_start3A_922 : memref<16x1024xf32, #tpu.memory_space<hbm>>) target_semaphore(%arg13 : memref<!tpu.dma_semaphore, #tpu.memory_space<semaphore_mem>>)
    %dma_wait3A_927 = arith.constant 5 : i32
    %dma_wait3A_928 = arith.constant 0 : i32
    %dma_wait3A_929 = arith.constant 0 : i32
    %dma_wait3A_930 = tpu.memref_slice %arg6[%dma_wait3A_927, %dma_wait3A_928, %dma_wait3A_929] : memref<6x16x1024xf32, #tpu.memory_space<vmem>> -> memref<1x16x1024xf32, #tpu.memory_space<vmem>>
    %dma_wait3A_931 = tpu.memref_squeeze %dma_wait3A_930 : memref<1x16x1024xf32, #tpu.memory_space<vmem>> -> memref<16x1024xf32, #tpu.memory_space<vmem>>
    %dma_wait3A_932 = arith.constant 0 : i32
    %dma_wait3A_933 = tpu.memref_slice %arg4[%add3A_865, %dma_wait3A_932] : memref<16384x1024xf32, #tpu.memory_space<hbm>> -> memref<16x1024xf32, #tpu.memory_space<hbm>>
    %dma_wait3A_934 = arith.constant 0 : i32
    %dma_wait3A_935 = tpu.memref_slice %arg4[%add3A_865, %dma_wait3A_934] : memref<16384x1024xf32, #tpu.memory_space<hbm>> -> memref<16x1024xf32, #tpu.memory_space<hbm>>
    %dma_wait3A_936 = arith.constant 0 : i32
    %dma_wait3A_937 = arith.constant 0 : i32
    %dma_wait3A_938 = tpu.memref_slice %arg6[%dma_wait3A_927, %dma_wait3A_936, %dma_wait3A_937] : memref<6x16x1024xf32, #tpu.memory_space<vmem>> -> memref<1x16x1024xf32, #tpu.memory_space<vmem>>
    %dma_wait3A_939 = tpu.memref_squeeze %dma_wait3A_938 : memref<1x16x1024xf32, #tpu.memory_space<vmem>> -> memref<16x1024xf32, #tpu.memory_space<vmem>>
    tpu.wait_dma2 semaphore(%arg18 : memref<!tpu.dma_semaphore, #tpu.memory_space<semaphore_mem>>) src(%dma_wait3A_939 : memref<16x1024xf32, #tpu.memory_space<vmem>>) dst(%dma_wait3A_935 : memref<16x1024xf32, #tpu.memory_space<hbm>>)
    %dma_start3A_940 = arith.constant 5 : i32
    %dma_start3A_941 = arith.constant 0 : i32
    %dma_start3A_942 = arith.constant 0 : i32
    %dma_start3A_943 = tpu.memref_slice %arg6[%dma_start3A_940, %dma_start3A_941, %dma_start3A_942] : memref<6x16x1024xf32, #tpu.memory_space<vmem>> -> memref<1x16x1024xf32, #tpu.memory_space<vmem>>
    %dma_start3A_944 = tpu.memref_squeeze %dma_start3A_943 : memref<1x16x1024xf32, #tpu.memory_space<vmem>> -> memref<16x1024xf32, #tpu.memory_space<vmem>>
    %dma_start3A_945 = arith.constant 368 : i32
    %dma_start3A_946 = tpu.memref_slice %arg5[%dma_start3A_945] : memref<512xi32, #tpu.memory_space<vmem>> -> memref<16xi32, #tpu.memory_space<vmem>>
    %dma_start3A_947 = arith.constant 0 : i32
    %dma_start3A_948 = arith.constant 0 : i32
    %dma_start3A_949 = tpu.memref_slice %arg3[%dma_start3A_947, %dma_start3A_948] : memref<4096x1024xf32, #tpu.memory_space<hbm>> -> memref<4096x1024xf32, #tpu.memory_space<hbm>>
    tpu.enqueue_indirect_dma source(%dma_start3A_949 : memref<4096x1024xf32, #tpu.memory_space<hbm>>) target(%dma_start3A_944 : memref<16x1024xf32, #tpu.memory_space<vmem>>) offsets(%dma_start3A_946 : memref<16xi32, #tpu.memory_space<vmem>>) semaphore(%arg12 : memref<!tpu.dma_semaphore, #tpu.memory_space<semaphore_mem>>)
    %dma_wait3A_950 = arith.constant 1 : i32
    %dma_wait3A_951 = arith.constant 0 : i32
    %dma_wait3A_952 = arith.constant 0 : i32
    %dma_wait3A_953 = tpu.memref_slice %arg6[%dma_wait3A_950, %dma_wait3A_951, %dma_wait3A_952] : memref<6x16x1024xf32, #tpu.memory_space<vmem>> -> memref<1x16x1024xf32, #tpu.memory_space<vmem>>
    %dma_wait3A_954 = tpu.memref_squeeze %dma_wait3A_953 : memref<1x16x1024xf32, #tpu.memory_space<vmem>> -> memref<16x1024xf32, #tpu.memory_space<vmem>>
    %dma_wait3A_955 = arith.constant 304 : i32
    %dma_wait3A_956 = tpu.memref_slice %arg5[%dma_wait3A_955] : memref<512xi32, #tpu.memory_space<vmem>> -> memref<16xi32, #tpu.memory_space<vmem>>
    %dma_wait3A_957 = arith.constant 0 : i32
    %dma_wait3A_958 = arith.constant 0 : i32
    %dma_wait3A_959 = tpu.memref_slice %arg3[%dma_wait3A_957, %dma_wait3A_958] : memref<4096x1024xf32, #tpu.memory_space<hbm>> -> memref<4096x1024xf32, #tpu.memory_space<hbm>>
    tpu.wait_indirect_dma semaphore(%arg8 : memref<!tpu.dma_semaphore, #tpu.memory_space<semaphore_mem>>) src(%dma_wait3A_959 : memref<4096x1024xf32, #tpu.memory_space<hbm>>) dst(%dma_wait3A_954 : memref<16x1024xf32, #tpu.memory_space<vmem>>)
    %add3A_960 = arith.constant 304 : i32
    %add3A_961 = arith.addi %mul3A_2, %add3A_960 : i32
    %dma_start3A_962 = arith.constant 1 : i32
    %dma_start3A_963 = arith.constant 0 : i32
    %dma_start3A_964 = arith.constant 0 : i32
    %dma_start3A_965 = tpu.memref_slice %arg6[%dma_start3A_962, %dma_start3A_963, %dma_start3A_964] : memref<6x16x1024xf32, #tpu.memory_space<vmem>> -> memref<1x16x1024xf32, #tpu.memory_space<vmem>>
    %dma_start3A_966 = tpu.memref_squeeze %dma_start3A_965 : memref<1x16x1024xf32, #tpu.memory_space<vmem>> -> memref<16x1024xf32, #tpu.memory_space<vmem>>
    %dma_start3A_967 = arith.constant 0 : i32
    %dma_start3A_968 = tpu.memref_slice %arg4[%add3A_961, %dma_start3A_967] : memref<16384x1024xf32, #tpu.memory_space<hbm>> -> memref<16x1024xf32, #tpu.memory_space<hbm>>
    %dma_start3A_969 = arith.constant 0 : i32
    %dma_start3A_970 = tpu.memref_slice %arg4[%add3A_961, %dma_start3A_969] : memref<16384x1024xf32, #tpu.memory_space<hbm>> -> memref<16x1024xf32, #tpu.memory_space<hbm>>
    %dma_start3A_971 = arith.constant 0 : i32
    %dma_start3A_972 = arith.constant 0 : i32
    %dma_start3A_973 = tpu.memref_slice %arg6[%dma_start3A_962, %dma_start3A_971, %dma_start3A_972] : memref<6x16x1024xf32, #tpu.memory_space<vmem>> -> memref<1x16x1024xf32, #tpu.memory_space<vmem>>
    %dma_start3A_974 = tpu.memref_squeeze %dma_start3A_973 : memref<1x16x1024xf32, #tpu.memory_space<vmem>> -> memref<16x1024xf32, #tpu.memory_space<vmem>>
    tpu.enqueue_dma source(%dma_start3A_974 : memref<16x1024xf32, #tpu.memory_space<vmem>>) target(%dma_start3A_970 : memref<16x1024xf32, #tpu.memory_space<hbm>>) target_semaphore(%arg14 : memref<!tpu.dma_semaphore, #tpu.memory_space<semaphore_mem>>)
    %dma_wait3A_975 = arith.constant 0 : i32
    %dma_wait3A_976 = arith.constant 0 : i32
    %dma_wait3A_977 = arith.constant 0 : i32
    %dma_wait3A_978 = tpu.memref_slice %arg6[%dma_wait3A_975, %dma_wait3A_976, %dma_wait3A_977] : memref<6x16x1024xf32, #tpu.memory_space<vmem>> -> memref<1x16x1024xf32, #tpu.memory_space<vmem>>
    %dma_wait3A_979 = tpu.memref_squeeze %dma_wait3A_978 : memref<1x16x1024xf32, #tpu.memory_space<vmem>> -> memref<16x1024xf32, #tpu.memory_space<vmem>>
    %dma_wait3A_980 = arith.constant 0 : i32
    %dma_wait3A_981 = tpu.memref_slice %arg4[%add3A_913, %dma_wait3A_980] : memref<16384x1024xf32, #tpu.memory_space<hbm>> -> memref<16x1024xf32, #tpu.memory_space<hbm>>
    %dma_wait3A_982 = arith.constant 0 : i32
    %dma_wait3A_983 = tpu.memref_slice %arg4[%add3A_913, %dma_wait3A_982] : memref<16384x1024xf32, #tpu.memory_space<hbm>> -> memref<16x1024xf32, #tpu.memory_space<hbm>>
    %dma_wait3A_984 = arith.constant 0 : i32
    %dma_wait3A_985 = arith.constant 0 : i32
    %dma_wait3A_986 = tpu.memref_slice %arg6[%dma_wait3A_975, %dma_wait3A_984, %dma_wait3A_985] : memref<6x16x1024xf32, #tpu.memory_space<vmem>> -> memref<1x16x1024xf32, #tpu.memory_space<vmem>>
    %dma_wait3A_987 = tpu.memref_squeeze %dma_wait3A_986 : memref<1x16x1024xf32, #tpu.memory_space<vmem>> -> memref<16x1024xf32, #tpu.memory_space<vmem>>
    tpu.wait_dma2 semaphore(%arg13 : memref<!tpu.dma_semaphore, #tpu.memory_space<semaphore_mem>>) src(%dma_wait3A_987 : memref<16x1024xf32, #tpu.memory_space<vmem>>) dst(%dma_wait3A_983 : memref<16x1024xf32, #tpu.memory_space<hbm>>)
    %dma_start3A_988 = arith.constant 0 : i32
    %dma_start3A_989 = arith.constant 0 : i32
    %dma_start3A_990 = arith.constant 0 : i32
    %dma_start3A_991 = tpu.memref_slice %arg6[%dma_start3A_988, %dma_start3A_989, %dma_start3A_990] : memref<6x16x1024xf32, #tpu.memory_space<vmem>> -> memref<1x16x1024xf32, #tpu.memory_space<vmem>>
    %dma_start3A_992 = tpu.memref_squeeze %dma_start3A_991 : memref<1x16x1024xf32, #tpu.memory_space<vmem>> -> memref<16x1024xf32, #tpu.memory_space<vmem>>
    %dma_start3A_993 = arith.constant 384 : i32
    %dma_start3A_994 = tpu.memref_slice %arg5[%dma_start3A_993] : memref<512xi32, #tpu.memory_space<vmem>> -> memref<16xi32, #tpu.memory_space<vmem>>
    %dma_start3A_995 = arith.constant 0 : i32
    %dma_start3A_996 = arith.constant 0 : i32
    %dma_start3A_997 = tpu.memref_slice %arg3[%dma_start3A_995, %dma_start3A_996] : memref<4096x1024xf32, #tpu.memory_space<hbm>> -> memref<4096x1024xf32, #tpu.memory_space<hbm>>
    tpu.enqueue_indirect_dma source(%dma_start3A_997 : memref<4096x1024xf32, #tpu.memory_space<hbm>>) target(%dma_start3A_992 : memref<16x1024xf32, #tpu.memory_space<vmem>>) offsets(%dma_start3A_994 : memref<16xi32, #tpu.memory_space<vmem>>) semaphore(%arg7 : memref<!tpu.dma_semaphore, #tpu.memory_space<semaphore_mem>>)
    %dma_wait3A_998 = arith.constant 2 : i32
    %dma_wait3A_999 = arith.constant 0 : i32
    %dma_wait3A_1000 = arith.constant 0 : i32
    %dma_wait3A_1001 = tpu.memref_slice %arg6[%dma_wait3A_998, %dma_wait3A_999, %dma_wait3A_1000] : memref<6x16x1024xf32, #tpu.memory_space<vmem>> -> memref<1x16x1024xf32, #tpu.memory_space<vmem>>
    %dma_wait3A_1002 = tpu.memref_squeeze %dma_wait3A_1001 : memref<1x16x1024xf32, #tpu.memory_space<vmem>> -> memref<16x1024xf32, #tpu.memory_space<vmem>>
    %dma_wait3A_1003 = arith.constant 320 : i32
    %dma_wait3A_1004 = tpu.memref_slice %arg5[%dma_wait3A_1003] : memref<512xi32, #tpu.memory_space<vmem>> -> memref<16xi32, #tpu.memory_space<vmem>>
    %dma_wait3A_1005 = arith.constant 0 : i32
    %dma_wait3A_1006 = arith.constant 0 : i32
    %dma_wait3A_1007 = tpu.memref_slice %arg3[%dma_wait3A_1005, %dma_wait3A_1006] : memref<4096x1024xf32, #tpu.memory_space<hbm>> -> memref<4096x1024xf32, #tpu.memory_space<hbm>>
    tpu.wait_indirect_dma semaphore(%arg9 : memref<!tpu.dma_semaphore, #tpu.memory_space<semaphore_mem>>) src(%dma_wait3A_1007 : memref<4096x1024xf32, #tpu.memory_space<hbm>>) dst(%dma_wait3A_1002 : memref<16x1024xf32, #tpu.memory_space<vmem>>)
    %add3A_1008 = arith.constant 320 : i32
    %add3A_1009 = arith.addi %mul3A_2, %add3A_1008 : i32
    %dma_start3A_1010 = arith.constant 2 : i32
    %dma_start3A_1011 = arith.constant 0 : i32
    %dma_start3A_1012 = arith.constant 0 : i32
    %dma_start3A_1013 = tpu.memref_slice %arg6[%dma_start3A_1010, %dma_start3A_1011, %dma_start3A_1012] : memref<6x16x1024xf32, #tpu.memory_space<vmem>> -> memref<1x16x1024xf32, #tpu.memory_space<vmem>>
    %dma_start3A_1014 = tpu.memref_squeeze %dma_start3A_1013 : memref<1x16x1024xf32, #tpu.memory_space<vmem>> -> memref<16x1024xf32, #tpu.memory_space<vmem>>
    %dma_start3A_1015 = arith.constant 0 : i32
    %dma_start3A_1016 = tpu.memref_slice %arg4[%add3A_1009, %dma_start3A_1015] : memref<16384x1024xf32, #tpu.memory_space<hbm>> -> memref<16x1024xf32, #tpu.memory_space<hbm>>
    %dma_start3A_1017 = arith.constant 0 : i32
    %dma_start3A_1018 = tpu.memref_slice %arg4[%add3A_1009, %dma_start3A_1017] : memref<16384x1024xf32, #tpu.memory_space<hbm>> -> memref<16x1024xf32, #tpu.memory_space<hbm>>
    %dma_start3A_1019 = arith.constant 0 : i32
    %dma_start3A_1020 = arith.constant 0 : i32
    %dma_start3A_1021 = tpu.memref_slice %arg6[%dma_start3A_1010, %dma_start3A_1019, %dma_start3A_1020] : memref<6x16x1024xf32, #tpu.memory_space<vmem>> -> memref<1x16x1024xf32, #tpu.memory_space<vmem>>
    %dma_start3A_1022 = tpu.memref_squeeze %dma_start3A_1021 : memref<1x16x1024xf32, #tpu.memory_space<vmem>> -> memref<16x1024xf32, #tpu.memory_space<vmem>>
    tpu.enqueue_dma source(%dma_start3A_1022 : memref<16x1024xf32, #tpu.memory_space<vmem>>) target(%dma_start3A_1018 : memref<16x1024xf32, #tpu.memory_space<hbm>>) target_semaphore(%arg15 : memref<!tpu.dma_semaphore, #tpu.memory_space<semaphore_mem>>)
    %dma_wait3A_1023 = arith.constant 1 : i32
    %dma_wait3A_1024 = arith.constant 0 : i32
    %dma_wait3A_1025 = arith.constant 0 : i32
    %dma_wait3A_1026 = tpu.memref_slice %arg6[%dma_wait3A_1023, %dma_wait3A_1024, %dma_wait3A_1025] : memref<6x16x1024xf32, #tpu.memory_space<vmem>> -> memref<1x16x1024xf32, #tpu.memory_space<vmem>>
    %dma_wait3A_1027 = tpu.memref_squeeze %dma_wait3A_1026 : memref<1x16x1024xf32, #tpu.memory_space<vmem>> -> memref<16x1024xf32, #tpu.memory_space<vmem>>
    %dma_wait3A_1028 = arith.constant 0 : i32
    %dma_wait3A_1029 = tpu.memref_slice %arg4[%add3A_961, %dma_wait3A_1028] : memref<16384x1024xf32, #tpu.memory_space<hbm>> -> memref<16x1024xf32, #tpu.memory_space<hbm>>
    %dma_wait3A_1030 = arith.constant 0 : i32
    %dma_wait3A_1031 = tpu.memref_slice %arg4[%add3A_961, %dma_wait3A_1030] : memref<16384x1024xf32, #tpu.memory_space<hbm>> -> memref<16x1024xf32, #tpu.memory_space<hbm>>
    %dma_wait3A_1032 = arith.constant 0 : i32
    %dma_wait3A_1033 = arith.constant 0 : i32
    %dma_wait3A_1034 = tpu.memref_slice %arg6[%dma_wait3A_1023, %dma_wait3A_1032, %dma_wait3A_1033] : memref<6x16x1024xf32, #tpu.memory_space<vmem>> -> memref<1x16x1024xf32, #tpu.memory_space<vmem>>
    %dma_wait3A_1035 = tpu.memref_squeeze %dma_wait3A_1034 : memref<1x16x1024xf32, #tpu.memory_space<vmem>> -> memref<16x1024xf32, #tpu.memory_space<vmem>>
    tpu.wait_dma2 semaphore(%arg14 : memref<!tpu.dma_semaphore, #tpu.memory_space<semaphore_mem>>) src(%dma_wait3A_1035 : memref<16x1024xf32, #tpu.memory_space<vmem>>) dst(%dma_wait3A_1031 : memref<16x1024xf32, #tpu.memory_space<hbm>>)
    %dma_start3A_1036 = arith.constant 1 : i32
    %dma_start3A_1037 = arith.constant 0 : i32
    %dma_start3A_1038 = arith.constant 0 : i32
    %dma_start3A_1039 = tpu.memref_slice %arg6[%dma_start3A_1036, %dma_start3A_1037, %dma_start3A_1038] : memref<6x16x1024xf32, #tpu.memory_space<vmem>> -> memref<1x16x1024xf32, #tpu.memory_space<vmem>>
    %dma_start3A_1040 = tpu.memref_squeeze %dma_start3A_1039 : memref<1x16x1024xf32, #tpu.memory_space<vmem>> -> memref<16x1024xf32, #tpu.memory_space<vmem>>
    %dma_start3A_1041 = arith.constant 400 : i32
    %dma_start3A_1042 = tpu.memref_slice %arg5[%dma_start3A_1041] : memref<512xi32, #tpu.memory_space<vmem>> -> memref<16xi32, #tpu.memory_space<vmem>>
    %dma_start3A_1043 = arith.constant 0 : i32
    %dma_start3A_1044 = arith.constant 0 : i32
    %dma_start3A_1045 = tpu.memref_slice %arg3[%dma_start3A_1043, %dma_start3A_1044] : memref<4096x1024xf32, #tpu.memory_space<hbm>> -> memref<4096x1024xf32, #tpu.memory_space<hbm>>
    tpu.enqueue_indirect_dma source(%dma_start3A_1045 : memref<4096x1024xf32, #tpu.memory_space<hbm>>) target(%dma_start3A_1040 : memref<16x1024xf32, #tpu.memory_space<vmem>>) offsets(%dma_start3A_1042 : memref<16xi32, #tpu.memory_space<vmem>>) semaphore(%arg8 : memref<!tpu.dma_semaphore, #tpu.memory_space<semaphore_mem>>)
    %dma_wait3A_1046 = arith.constant 3 : i32
    %dma_wait3A_1047 = arith.constant 0 : i32
    %dma_wait3A_1048 = arith.constant 0 : i32
    %dma_wait3A_1049 = tpu.memref_slice %arg6[%dma_wait3A_1046, %dma_wait3A_1047, %dma_wait3A_1048] : memref<6x16x1024xf32, #tpu.memory_space<vmem>> -> memref<1x16x1024xf32, #tpu.memory_space<vmem>>
    %dma_wait3A_1050 = tpu.memref_squeeze %dma_wait3A_1049 : memref<1x16x1024xf32, #tpu.memory_space<vmem>> -> memref<16x1024xf32, #tpu.memory_space<vmem>>
    %dma_wait3A_1051 = arith.constant 336 : i32
    %dma_wait3A_1052 = tpu.memref_slice %arg5[%dma_wait3A_1051] : memref<512xi32, #tpu.memory_space<vmem>> -> memref<16xi32, #tpu.memory_space<vmem>>
    %dma_wait3A_1053 = arith.constant 0 : i32
    %dma_wait3A_1054 = arith.constant 0 : i32
    %dma_wait3A_1055 = tpu.memref_slice %arg3[%dma_wait3A_1053, %dma_wait3A_1054] : memref<4096x1024xf32, #tpu.memory_space<hbm>> -> memref<4096x1024xf32, #tpu.memory_space<hbm>>
    tpu.wait_indirect_dma semaphore(%arg10 : memref<!tpu.dma_semaphore, #tpu.memory_space<semaphore_mem>>) src(%dma_wait3A_1055 : memref<4096x1024xf32, #tpu.memory_space<hbm>>) dst(%dma_wait3A_1050 : memref<16x1024xf32, #tpu.memory_space<vmem>>)
    %add3A_1056 = arith.constant 336 : i32
    %add3A_1057 = arith.addi %mul3A_2, %add3A_1056 : i32
    %dma_start3A_1058 = arith.constant 3 : i32
    %dma_start3A_1059 = arith.constant 0 : i32
    %dma_start3A_1060 = arith.constant 0 : i32
    %dma_start3A_1061 = tpu.memref_slice %arg6[%dma_start3A_1058, %dma_start3A_1059, %dma_start3A_1060] : memref<6x16x1024xf32, #tpu.memory_space<vmem>> -> memref<1x16x1024xf32, #tpu.memory_space<vmem>>
    %dma_start3A_1062 = tpu.memref_squeeze %dma_start3A_1061 : memref<1x16x1024xf32, #tpu.memory_space<vmem>> -> memref<16x1024xf32, #tpu.memory_space<vmem>>
    %dma_start3A_1063 = arith.constant 0 : i32
    %dma_start3A_1064 = tpu.memref_slice %arg4[%add3A_1057, %dma_start3A_1063] : memref<16384x1024xf32, #tpu.memory_space<hbm>> -> memref<16x1024xf32, #tpu.memory_space<hbm>>
    %dma_start3A_1065 = arith.constant 0 : i32
    %dma_start3A_1066 = tpu.memref_slice %arg4[%add3A_1057, %dma_start3A_1065] : memref<16384x1024xf32, #tpu.memory_space<hbm>> -> memref<16x1024xf32, #tpu.memory_space<hbm>>
    %dma_start3A_1067 = arith.constant 0 : i32
    %dma_start3A_1068 = arith.constant 0 : i32
    %dma_start3A_1069 = tpu.memref_slice %arg6[%dma_start3A_1058, %dma_start3A_1067, %dma_start3A_1068] : memref<6x16x1024xf32, #tpu.memory_space<vmem>> -> memref<1x16x1024xf32, #tpu.memory_space<vmem>>
    %dma_start3A_1070 = tpu.memref_squeeze %dma_start3A_1069 : memref<1x16x1024xf32, #tpu.memory_space<vmem>> -> memref<16x1024xf32, #tpu.memory_space<vmem>>
    tpu.enqueue_dma source(%dma_start3A_1070 : memref<16x1024xf32, #tpu.memory_space<vmem>>) target(%dma_start3A_1066 : memref<16x1024xf32, #tpu.memory_space<hbm>>) target_semaphore(%arg16 : memref<!tpu.dma_semaphore, #tpu.memory_space<semaphore_mem>>)
    %dma_wait3A_1071 = arith.constant 2 : i32
    %dma_wait3A_1072 = arith.constant 0 : i32
    %dma_wait3A_1073 = arith.constant 0 : i32
    %dma_wait3A_1074 = tpu.memref_slice %arg6[%dma_wait3A_1071, %dma_wait3A_1072, %dma_wait3A_1073] : memref<6x16x1024xf32, #tpu.memory_space<vmem>> -> memref<1x16x1024xf32, #tpu.memory_space<vmem>>
    %dma_wait3A_1075 = tpu.memref_squeeze %dma_wait3A_1074 : memref<1x16x1024xf32, #tpu.memory_space<vmem>> -> memref<16x1024xf32, #tpu.memory_space<vmem>>
    %dma_wait3A_1076 = arith.constant 0 : i32
    %dma_wait3A_1077 = tpu.memref_slice %arg4[%add3A_1009, %dma_wait3A_1076] : memref<16384x1024xf32, #tpu.memory_space<hbm>> -> memref<16x1024xf32, #tpu.memory_space<hbm>>
    %dma_wait3A_1078 = arith.constant 0 : i32
    %dma_wait3A_1079 = tpu.memref_slice %arg4[%add3A_1009, %dma_wait3A_1078] : memref<16384x1024xf32, #tpu.memory_space<hbm>> -> memref<16x1024xf32, #tpu.memory_space<hbm>>
    %dma_wait3A_1080 = arith.constant 0 : i32
    %dma_wait3A_1081 = arith.constant 0 : i32
    %dma_wait3A_1082 = tpu.memref_slice %arg6[%dma_wait3A_1071, %dma_wait3A_1080, %dma_wait3A_1081] : memref<6x16x1024xf32, #tpu.memory_space<vmem>> -> memref<1x16x1024xf32, #tpu.memory_space<vmem>>
    %dma_wait3A_1083 = tpu.memref_squeeze %dma_wait3A_1082 : memref<1x16x1024xf32, #tpu.memory_space<vmem>> -> memref<16x1024xf32, #tpu.memory_space<vmem>>
    tpu.wait_dma2 semaphore(%arg15 : memref<!tpu.dma_semaphore, #tpu.memory_space<semaphore_mem>>) src(%dma_wait3A_1083 : memref<16x1024xf32, #tpu.memory_space<vmem>>) dst(%dma_wait3A_1079 : memref<16x1024xf32, #tpu.memory_space<hbm>>)
    %dma_start3A_1084 = arith.constant 2 : i32
    %dma_start3A_1085 = arith.constant 0 : i32
    %dma_start3A_1086 = arith.constant 0 : i32
    %dma_start3A_1087 = tpu.memref_slice %arg6[%dma_start3A_1084, %dma_start3A_1085, %dma_start3A_1086] : memref<6x16x1024xf32, #tpu.memory_space<vmem>> -> memref<1x16x1024xf32, #tpu.memory_space<vmem>>
    %dma_start3A_1088 = tpu.memref_squeeze %dma_start3A_1087 : memref<1x16x1024xf32, #tpu.memory_space<vmem>> -> memref<16x1024xf32, #tpu.memory_space<vmem>>
    %dma_start3A_1089 = arith.constant 416 : i32
    %dma_start3A_1090 = tpu.memref_slice %arg5[%dma_start3A_1089] : memref<512xi32, #tpu.memory_space<vmem>> -> memref<16xi32, #tpu.memory_space<vmem>>
    %dma_start3A_1091 = arith.constant 0 : i32
    %dma_start3A_1092 = arith.constant 0 : i32
    %dma_start3A_1093 = tpu.memref_slice %arg3[%dma_start3A_1091, %dma_start3A_1092] : memref<4096x1024xf32, #tpu.memory_space<hbm>> -> memref<4096x1024xf32, #tpu.memory_space<hbm>>
    tpu.enqueue_indirect_dma source(%dma_start3A_1093 : memref<4096x1024xf32, #tpu.memory_space<hbm>>) target(%dma_start3A_1088 : memref<16x1024xf32, #tpu.memory_space<vmem>>) offsets(%dma_start3A_1090 : memref<16xi32, #tpu.memory_space<vmem>>) semaphore(%arg9 : memref<!tpu.dma_semaphore, #tpu.memory_space<semaphore_mem>>)
    %dma_wait3A_1094 = arith.constant 4 : i32
    %dma_wait3A_1095 = arith.constant 0 : i32
    %dma_wait3A_1096 = arith.constant 0 : i32
    %dma_wait3A_1097 = tpu.memref_slice %arg6[%dma_wait3A_1094, %dma_wait3A_1095, %dma_wait3A_1096] : memref<6x16x1024xf32, #tpu.memory_space<vmem>> -> memref<1x16x1024xf32, #tpu.memory_space<vmem>>
    %dma_wait3A_1098 = tpu.memref_squeeze %dma_wait3A_1097 : memref<1x16x1024xf32, #tpu.memory_space<vmem>> -> memref<16x1024xf32, #tpu.memory_space<vmem>>
    %dma_wait3A_1099 = arith.constant 352 : i32
    %dma_wait3A_1100 = tpu.memref_slice %arg5[%dma_wait3A_1099] : memref<512xi32, #tpu.memory_space<vmem>> -> memref<16xi32, #tpu.memory_space<vmem>>
    %dma_wait3A_1101 = arith.constant 0 : i32
    %dma_wait3A_1102 = arith.constant 0 : i32
    %dma_wait3A_1103 = tpu.memref_slice %arg3[%dma_wait3A_1101, %dma_wait3A_1102] : memref<4096x1024xf32, #tpu.memory_space<hbm>> -> memref<4096x1024xf32, #tpu.memory_space<hbm>>
    tpu.wait_indirect_dma semaphore(%arg11 : memref<!tpu.dma_semaphore, #tpu.memory_space<semaphore_mem>>) src(%dma_wait3A_1103 : memref<4096x1024xf32, #tpu.memory_space<hbm>>) dst(%dma_wait3A_1098 : memref<16x1024xf32, #tpu.memory_space<vmem>>)
    %add3A_1104 = arith.constant 352 : i32
    %add3A_1105 = arith.addi %mul3A_2, %add3A_1104 : i32
    %dma_start3A_1106 = arith.constant 4 : i32
    %dma_start3A_1107 = arith.constant 0 : i32
    %dma_start3A_1108 = arith.constant 0 : i32
    %dma_start3A_1109 = tpu.memref_slice %arg6[%dma_start3A_1106, %dma_start3A_1107, %dma_start3A_1108] : memref<6x16x1024xf32, #tpu.memory_space<vmem>> -> memref<1x16x1024xf32, #tpu.memory_space<vmem>>
    %dma_start3A_1110 = tpu.memref_squeeze %dma_start3A_1109 : memref<1x16x1024xf32, #tpu.memory_space<vmem>> -> memref<16x1024xf32, #tpu.memory_space<vmem>>
    %dma_start3A_1111 = arith.constant 0 : i32
    %dma_start3A_1112 = tpu.memref_slice %arg4[%add3A_1105, %dma_start3A_1111] : memref<16384x1024xf32, #tpu.memory_space<hbm>> -> memref<16x1024xf32, #tpu.memory_space<hbm>>
    %dma_start3A_1113 = arith.constant 0 : i32
    %dma_start3A_1114 = tpu.memref_slice %arg4[%add3A_1105, %dma_start3A_1113] : memref<16384x1024xf32, #tpu.memory_space<hbm>> -> memref<16x1024xf32, #tpu.memory_space<hbm>>
    %dma_start3A_1115 = arith.constant 0 : i32
    %dma_start3A_1116 = arith.constant 0 : i32
    %dma_start3A_1117 = tpu.memref_slice %arg6[%dma_start3A_1106, %dma_start3A_1115, %dma_start3A_1116] : memref<6x16x1024xf32, #tpu.memory_space<vmem>> -> memref<1x16x1024xf32, #tpu.memory_space<vmem>>
    %dma_start3A_1118 = tpu.memref_squeeze %dma_start3A_1117 : memref<1x16x1024xf32, #tpu.memory_space<vmem>> -> memref<16x1024xf32, #tpu.memory_space<vmem>>
    tpu.enqueue_dma source(%dma_start3A_1118 : memref<16x1024xf32, #tpu.memory_space<vmem>>) target(%dma_start3A_1114 : memref<16x1024xf32, #tpu.memory_space<hbm>>) target_semaphore(%arg17 : memref<!tpu.dma_semaphore, #tpu.memory_space<semaphore_mem>>)
    %dma_wait3A_1119 = arith.constant 3 : i32
    %dma_wait3A_1120 = arith.constant 0 : i32
    %dma_wait3A_1121 = arith.constant 0 : i32
    %dma_wait3A_1122 = tpu.memref_slice %arg6[%dma_wait3A_1119, %dma_wait3A_1120, %dma_wait3A_1121] : memref<6x16x1024xf32, #tpu.memory_space<vmem>> -> memref<1x16x1024xf32, #tpu.memory_space<vmem>>
    %dma_wait3A_1123 = tpu.memref_squeeze %dma_wait3A_1122 : memref<1x16x1024xf32, #tpu.memory_space<vmem>> -> memref<16x1024xf32, #tpu.memory_space<vmem>>
    %dma_wait3A_1124 = arith.constant 0 : i32
    %dma_wait3A_1125 = tpu.memref_slice %arg4[%add3A_1057, %dma_wait3A_1124] : memref<16384x1024xf32, #tpu.memory_space<hbm>> -> memref<16x1024xf32, #tpu.memory_space<hbm>>
    %dma_wait3A_1126 = arith.constant 0 : i32
    %dma_wait3A_1127 = tpu.memref_slice %arg4[%add3A_1057, %dma_wait3A_1126] : memref<16384x1024xf32, #tpu.memory_space<hbm>> -> memref<16x1024xf32, #tpu.memory_space<hbm>>
    %dma_wait3A_1128 = arith.constant 0 : i32
    %dma_wait3A_1129 = arith.constant 0 : i32
    %dma_wait3A_1130 = tpu.memref_slice %arg6[%dma_wait3A_1119, %dma_wait3A_1128, %dma_wait3A_1129] : memref<6x16x1024xf32, #tpu.memory_space<vmem>> -> memref<1x16x1024xf32, #tpu.memory_space<vmem>>
    %dma_wait3A_1131 = tpu.memref_squeeze %dma_wait3A_1130 : memref<1x16x1024xf32, #tpu.memory_space<vmem>> -> memref<16x1024xf32, #tpu.memory_space<vmem>>
    tpu.wait_dma2 semaphore(%arg16 : memref<!tpu.dma_semaphore, #tpu.memory_space<semaphore_mem>>) src(%dma_wait3A_1131 : memref<16x1024xf32, #tpu.memory_space<vmem>>) dst(%dma_wait3A_1127 : memref<16x1024xf32, #tpu.memory_space<hbm>>)
    %dma_start3A_1132 = arith.constant 3 : i32
    %dma_start3A_1133 = arith.constant 0 : i32
    %dma_start3A_1134 = arith.constant 0 : i32
    %dma_start3A_1135 = tpu.memref_slice %arg6[%dma_start3A_1132, %dma_start3A_1133, %dma_start3A_1134] : memref<6x16x1024xf32, #tpu.memory_space<vmem>> -> memref<1x16x1024xf32, #tpu.memory_space<vmem>>
    %dma_start3A_1136 = tpu.memref_squeeze %dma_start3A_1135 : memref<1x16x1024xf32, #tpu.memory_space<vmem>> -> memref<16x1024xf32, #tpu.memory_space<vmem>>
    %dma_start3A_1137 = arith.constant 432 : i32
    %dma_start3A_1138 = tpu.memref_slice %arg5[%dma_start3A_1137] : memref<512xi32, #tpu.memory_space<vmem>> -> memref<16xi32, #tpu.memory_space<vmem>>
    %dma_start3A_1139 = arith.constant 0 : i32
    %dma_start3A_1140 = arith.constant 0 : i32
    %dma_start3A_1141 = tpu.memref_slice %arg3[%dma_start3A_1139, %dma_start3A_1140] : memref<4096x1024xf32, #tpu.memory_space<hbm>> -> memref<4096x1024xf32, #tpu.memory_space<hbm>>
    tpu.enqueue_indirect_dma source(%dma_start3A_1141 : memref<4096x1024xf32, #tpu.memory_space<hbm>>) target(%dma_start3A_1136 : memref<16x1024xf32, #tpu.memory_space<vmem>>) offsets(%dma_start3A_1138 : memref<16xi32, #tpu.memory_space<vmem>>) semaphore(%arg10 : memref<!tpu.dma_semaphore, #tpu.memory_space<semaphore_mem>>)
    %dma_wait3A_1142 = arith.constant 5 : i32
    %dma_wait3A_1143 = arith.constant 0 : i32
    %dma_wait3A_1144 = arith.constant 0 : i32
    %dma_wait3A_1145 = tpu.memref_slice %arg6[%dma_wait3A_1142, %dma_wait3A_1143, %dma_wait3A_1144] : memref<6x16x1024xf32, #tpu.memory_space<vmem>> -> memref<1x16x1024xf32, #tpu.memory_space<vmem>>
    %dma_wait3A_1146 = tpu.memref_squeeze %dma_wait3A_1145 : memref<1x16x1024xf32, #tpu.memory_space<vmem>> -> memref<16x1024xf32, #tpu.memory_space<vmem>>
    %dma_wait3A_1147 = arith.constant 368 : i32
    %dma_wait3A_1148 = tpu.memref_slice %arg5[%dma_wait3A_1147] : memref<512xi32, #tpu.memory_space<vmem>> -> memref<16xi32, #tpu.memory_space<vmem>>
    %dma_wait3A_1149 = arith.constant 0 : i32
    %dma_wait3A_1150 = arith.constant 0 : i32
    %dma_wait3A_1151 = tpu.memref_slice %arg3[%dma_wait3A_1149, %dma_wait3A_1150] : memref<4096x1024xf32, #tpu.memory_space<hbm>> -> memref<4096x1024xf32, #tpu.memory_space<hbm>>
    tpu.wait_indirect_dma semaphore(%arg12 : memref<!tpu.dma_semaphore, #tpu.memory_space<semaphore_mem>>) src(%dma_wait3A_1151 : memref<4096x1024xf32, #tpu.memory_space<hbm>>) dst(%dma_wait3A_1146 : memref<16x1024xf32, #tpu.memory_space<vmem>>)
    %add3A_1152 = arith.constant 368 : i32
    %add3A_1153 = arith.addi %mul3A_2, %add3A_1152 : i32
    %dma_start3A_1154 = arith.constant 5 : i32
    %dma_start3A_1155 = arith.constant 0 : i32
    %dma_start3A_1156 = arith.constant 0 : i32
    %dma_start3A_1157 = tpu.memref_slice %arg6[%dma_start3A_1154, %dma_start3A_1155, %dma_start3A_1156] : memref<6x16x1024xf32, #tpu.memory_space<vmem>> -> memref<1x16x1024xf32, #tpu.memory_space<vmem>>
    %dma_start3A_1158 = tpu.memref_squeeze %dma_start3A_1157 : memref<1x16x1024xf32, #tpu.memory_space<vmem>> -> memref<16x1024xf32, #tpu.memory_space<vmem>>
    %dma_start3A_1159 = arith.constant 0 : i32
    %dma_start3A_1160 = tpu.memref_slice %arg4[%add3A_1153, %dma_start3A_1159] : memref<16384x1024xf32, #tpu.memory_space<hbm>> -> memref<16x1024xf32, #tpu.memory_space<hbm>>
    %dma_start3A_1161 = arith.constant 0 : i32
    %dma_start3A_1162 = tpu.memref_slice %arg4[%add3A_1153, %dma_start3A_1161] : memref<16384x1024xf32, #tpu.memory_space<hbm>> -> memref<16x1024xf32, #tpu.memory_space<hbm>>
    %dma_start3A_1163 = arith.constant 0 : i32
    %dma_start3A_1164 = arith.constant 0 : i32
    %dma_start3A_1165 = tpu.memref_slice %arg6[%dma_start3A_1154, %dma_start3A_1163, %dma_start3A_1164] : memref<6x16x1024xf32, #tpu.memory_space<vmem>> -> memref<1x16x1024xf32, #tpu.memory_space<vmem>>
    %dma_start3A_1166 = tpu.memref_squeeze %dma_start3A_1165 : memref<1x16x1024xf32, #tpu.memory_space<vmem>> -> memref<16x1024xf32, #tpu.memory_space<vmem>>
    tpu.enqueue_dma source(%dma_start3A_1166 : memref<16x1024xf32, #tpu.memory_space<vmem>>) target(%dma_start3A_1162 : memref<16x1024xf32, #tpu.memory_space<hbm>>) target_semaphore(%arg18 : memref<!tpu.dma_semaphore, #tpu.memory_space<semaphore_mem>>)
    %dma_wait3A_1167 = arith.constant 4 : i32
    %dma_wait3A_1168 = arith.constant 0 : i32
    %dma_wait3A_1169 = arith.constant 0 : i32
    %dma_wait3A_1170 = tpu.memref_slice %arg6[%dma_wait3A_1167, %dma_wait3A_1168, %dma_wait3A_1169] : memref<6x16x1024xf32, #tpu.memory_space<vmem>> -> memref<1x16x1024xf32, #tpu.memory_space<vmem>>
    %dma_wait3A_1171 = tpu.memref_squeeze %dma_wait3A_1170 : memref<1x16x1024xf32, #tpu.memory_space<vmem>> -> memref<16x1024xf32, #tpu.memory_space<vmem>>
    %dma_wait3A_1172 = arith.constant 0 : i32
    %dma_wait3A_1173 = tpu.memref_slice %arg4[%add3A_1105, %dma_wait3A_1172] : memref<16384x1024xf32, #tpu.memory_space<hbm>> -> memref<16x1024xf32, #tpu.memory_space<hbm>>
    %dma_wait3A_1174 = arith.constant 0 : i32
    %dma_wait3A_1175 = tpu.memref_slice %arg4[%add3A_1105, %dma_wait3A_1174] : memref<16384x1024xf32, #tpu.memory_space<hbm>> -> memref<16x1024xf32, #tpu.memory_space<hbm>>
    %dma_wait3A_1176 = arith.constant 0 : i32
    %dma_wait3A_1177 = arith.constant 0 : i32
    %dma_wait3A_1178 = tpu.memref_slice %arg6[%dma_wait3A_1167, %dma_wait3A_1176, %dma_wait3A_1177] : memref<6x16x1024xf32, #tpu.memory_space<vmem>> -> memref<1x16x1024xf32, #tpu.memory_space<vmem>>
    %dma_wait3A_1179 = tpu.memref_squeeze %dma_wait3A_1178 : memref<1x16x1024xf32, #tpu.memory_space<vmem>> -> memref<16x1024xf32, #tpu.memory_space<vmem>>
    tpu.wait_dma2 semaphore(%arg17 : memref<!tpu.dma_semaphore, #tpu.memory_space<semaphore_mem>>) src(%dma_wait3A_1179 : memref<16x1024xf32, #tpu.memory_space<vmem>>) dst(%dma_wait3A_1175 : memref<16x1024xf32, #tpu.memory_space<hbm>>)
    %dma_start3A_1180 = arith.constant 4 : i32
    %dma_start3A_1181 = arith.constant 0 : i32
    %dma_start3A_1182 = arith.constant 0 : i32
    %dma_start3A_1183 = tpu.memref_slice %arg6[%dma_start3A_1180, %dma_start3A_1181, %dma_start3A_1182] : memref<6x16x1024xf32, #tpu.memory_space<vmem>> -> memref<1x16x1024xf32, #tpu.memory_space<vmem>>
    %dma_start3A_1184 = tpu.memref_squeeze %dma_start3A_1183 : memref<1x16x1024xf32, #tpu.memory_space<vmem>> -> memref<16x1024xf32, #tpu.memory_space<vmem>>
    %dma_start3A_1185 = arith.constant 448 : i32
    %dma_start3A_1186 = tpu.memref_slice %arg5[%dma_start3A_1185] : memref<512xi32, #tpu.memory_space<vmem>> -> memref<16xi32, #tpu.memory_space<vmem>>
    %dma_start3A_1187 = arith.constant 0 : i32
    %dma_start3A_1188 = arith.constant 0 : i32
    %dma_start3A_1189 = tpu.memref_slice %arg3[%dma_start3A_1187, %dma_start3A_1188] : memref<4096x1024xf32, #tpu.memory_space<hbm>> -> memref<4096x1024xf32, #tpu.memory_space<hbm>>
    tpu.enqueue_indirect_dma source(%dma_start3A_1189 : memref<4096x1024xf32, #tpu.memory_space<hbm>>) target(%dma_start3A_1184 : memref<16x1024xf32, #tpu.memory_space<vmem>>) offsets(%dma_start3A_1186 : memref<16xi32, #tpu.memory_space<vmem>>) semaphore(%arg11 : memref<!tpu.dma_semaphore, #tpu.memory_space<semaphore_mem>>)
    %dma_wait3A_1190 = arith.constant 0 : i32
    %dma_wait3A_1191 = arith.constant 0 : i32
    %dma_wait3A_1192 = arith.constant 0 : i32
    %dma_wait3A_1193 = tpu.memref_slice %arg6[%dma_wait3A_1190, %dma_wait3A_1191, %dma_wait3A_1192] : memref<6x16x1024xf32, #tpu.memory_space<vmem>> -> memref<1x16x1024xf32, #tpu.memory_space<vmem>>
    %dma_wait3A_1194 = tpu.memref_squeeze %dma_wait3A_1193 : memref<1x16x1024xf32, #tpu.memory_space<vmem>> -> memref<16x1024xf32, #tpu.memory_space<vmem>>
    %dma_wait3A_1195 = arith.constant 384 : i32
    %dma_wait3A_1196 = tpu.memref_slice %arg5[%dma_wait3A_1195] : memref<512xi32, #tpu.memory_space<vmem>> -> memref<16xi32, #tpu.memory_space<vmem>>
    %dma_wait3A_1197 = arith.constant 0 : i32
    %dma_wait3A_1198 = arith.constant 0 : i32
    %dma_wait3A_1199 = tpu.memref_slice %arg3[%dma_wait3A_1197, %dma_wait3A_1198] : memref<4096x1024xf32, #tpu.memory_space<hbm>> -> memref<4096x1024xf32, #tpu.memory_space<hbm>>
    tpu.wait_indirect_dma semaphore(%arg7 : memref<!tpu.dma_semaphore, #tpu.memory_space<semaphore_mem>>) src(%dma_wait3A_1199 : memref<4096x1024xf32, #tpu.memory_space<hbm>>) dst(%dma_wait3A_1194 : memref<16x1024xf32, #tpu.memory_space<vmem>>)
    %add3A_1200 = arith.constant 384 : i32
    %add3A_1201 = arith.addi %mul3A_2, %add3A_1200 : i32
    %dma_start3A_1202 = arith.constant 0 : i32
    %dma_start3A_1203 = arith.constant 0 : i32
    %dma_start3A_1204 = arith.constant 0 : i32
    %dma_start3A_1205 = tpu.memref_slice %arg6[%dma_start3A_1202, %dma_start3A_1203, %dma_start3A_1204] : memref<6x16x1024xf32, #tpu.memory_space<vmem>> -> memref<1x16x1024xf32, #tpu.memory_space<vmem>>
    %dma_start3A_1206 = tpu.memref_squeeze %dma_start3A_1205 : memref<1x16x1024xf32, #tpu.memory_space<vmem>> -> memref<16x1024xf32, #tpu.memory_space<vmem>>
    %dma_start3A_1207 = arith.constant 0 : i32
    %dma_start3A_1208 = tpu.memref_slice %arg4[%add3A_1201, %dma_start3A_1207] : memref<16384x1024xf32, #tpu.memory_space<hbm>> -> memref<16x1024xf32, #tpu.memory_space<hbm>>
    %dma_start3A_1209 = arith.constant 0 : i32
    %dma_start3A_1210 = tpu.memref_slice %arg4[%add3A_1201, %dma_start3A_1209] : memref<16384x1024xf32, #tpu.memory_space<hbm>> -> memref<16x1024xf32, #tpu.memory_space<hbm>>
    %dma_start3A_1211 = arith.constant 0 : i32
    %dma_start3A_1212 = arith.constant 0 : i32
    %dma_start3A_1213 = tpu.memref_slice %arg6[%dma_start3A_1202, %dma_start3A_1211, %dma_start3A_1212] : memref<6x16x1024xf32, #tpu.memory_space<vmem>> -> memref<1x16x1024xf32, #tpu.memory_space<vmem>>
    %dma_start3A_1214 = tpu.memref_squeeze %dma_start3A_1213 : memref<1x16x1024xf32, #tpu.memory_space<vmem>> -> memref<16x1024xf32, #tpu.memory_space<vmem>>
    tpu.enqueue_dma source(%dma_start3A_1214 : memref<16x1024xf32, #tpu.memory_space<vmem>>) target(%dma_start3A_1210 : memref<16x1024xf32, #tpu.memory_space<hbm>>) target_semaphore(%arg13 : memref<!tpu.dma_semaphore, #tpu.memory_space<semaphore_mem>>)
    %dma_wait3A_1215 = arith.constant 5 : i32
    %dma_wait3A_1216 = arith.constant 0 : i32
    %dma_wait3A_1217 = arith.constant 0 : i32
    %dma_wait3A_1218 = tpu.memref_slice %arg6[%dma_wait3A_1215, %dma_wait3A_1216, %dma_wait3A_1217] : memref<6x16x1024xf32, #tpu.memory_space<vmem>> -> memref<1x16x1024xf32, #tpu.memory_space<vmem>>
    %dma_wait3A_1219 = tpu.memref_squeeze %dma_wait3A_1218 : memref<1x16x1024xf32, #tpu.memory_space<vmem>> -> memref<16x1024xf32, #tpu.memory_space<vmem>>
    %dma_wait3A_1220 = arith.constant 0 : i32
    %dma_wait3A_1221 = tpu.memref_slice %arg4[%add3A_1153, %dma_wait3A_1220] : memref<16384x1024xf32, #tpu.memory_space<hbm>> -> memref<16x1024xf32, #tpu.memory_space<hbm>>
    %dma_wait3A_1222 = arith.constant 0 : i32
    %dma_wait3A_1223 = tpu.memref_slice %arg4[%add3A_1153, %dma_wait3A_1222] : memref<16384x1024xf32, #tpu.memory_space<hbm>> -> memref<16x1024xf32, #tpu.memory_space<hbm>>
    %dma_wait3A_1224 = arith.constant 0 : i32
    %dma_wait3A_1225 = arith.constant 0 : i32
    %dma_wait3A_1226 = tpu.memref_slice %arg6[%dma_wait3A_1215, %dma_wait3A_1224, %dma_wait3A_1225] : memref<6x16x1024xf32, #tpu.memory_space<vmem>> -> memref<1x16x1024xf32, #tpu.memory_space<vmem>>
    %dma_wait3A_1227 = tpu.memref_squeeze %dma_wait3A_1226 : memref<1x16x1024xf32, #tpu.memory_space<vmem>> -> memref<16x1024xf32, #tpu.memory_space<vmem>>
    tpu.wait_dma2 semaphore(%arg18 : memref<!tpu.dma_semaphore, #tpu.memory_space<semaphore_mem>>) src(%dma_wait3A_1227 : memref<16x1024xf32, #tpu.memory_space<vmem>>) dst(%dma_wait3A_1223 : memref<16x1024xf32, #tpu.memory_space<hbm>>)
    %dma_start3A_1228 = arith.constant 5 : i32
    %dma_start3A_1229 = arith.constant 0 : i32
    %dma_start3A_1230 = arith.constant 0 : i32
    %dma_start3A_1231 = tpu.memref_slice %arg6[%dma_start3A_1228, %dma_start3A_1229, %dma_start3A_1230] : memref<6x16x1024xf32, #tpu.memory_space<vmem>> -> memref<1x16x1024xf32, #tpu.memory_space<vmem>>
    %dma_start3A_1232 = tpu.memref_squeeze %dma_start3A_1231 : memref<1x16x1024xf32, #tpu.memory_space<vmem>> -> memref<16x1024xf32, #tpu.memory_space<vmem>>
    %dma_start3A_1233 = arith.constant 464 : i32
    %dma_start3A_1234 = tpu.memref_slice %arg5[%dma_start3A_1233] : memref<512xi32, #tpu.memory_space<vmem>> -> memref<16xi32, #tpu.memory_space<vmem>>
    %dma_start3A_1235 = arith.constant 0 : i32
    %dma_start3A_1236 = arith.constant 0 : i32
    %dma_start3A_1237 = tpu.memref_slice %arg3[%dma_start3A_1235, %dma_start3A_1236] : memref<4096x1024xf32, #tpu.memory_space<hbm>> -> memref<4096x1024xf32, #tpu.memory_space<hbm>>
    tpu.enqueue_indirect_dma source(%dma_start3A_1237 : memref<4096x1024xf32, #tpu.memory_space<hbm>>) target(%dma_start3A_1232 : memref<16x1024xf32, #tpu.memory_space<vmem>>) offsets(%dma_start3A_1234 : memref<16xi32, #tpu.memory_space<vmem>>) semaphore(%arg12 : memref<!tpu.dma_semaphore, #tpu.memory_space<semaphore_mem>>)
    %dma_wait3A_1238 = arith.constant 1 : i32
    %dma_wait3A_1239 = arith.constant 0 : i32
    %dma_wait3A_1240 = arith.constant 0 : i32
    %dma_wait3A_1241 = tpu.memref_slice %arg6[%dma_wait3A_1238, %dma_wait3A_1239, %dma_wait3A_1240] : memref<6x16x1024xf32, #tpu.memory_space<vmem>> -> memref<1x16x1024xf32, #tpu.memory_space<vmem>>
    %dma_wait3A_1242 = tpu.memref_squeeze %dma_wait3A_1241 : memref<1x16x1024xf32, #tpu.memory_space<vmem>> -> memref<16x1024xf32, #tpu.memory_space<vmem>>
    %dma_wait3A_1243 = arith.constant 400 : i32
    %dma_wait3A_1244 = tpu.memref_slice %arg5[%dma_wait3A_1243] : memref<512xi32, #tpu.memory_space<vmem>> -> memref<16xi32, #tpu.memory_space<vmem>>
    %dma_wait3A_1245 = arith.constant 0 : i32
    %dma_wait3A_1246 = arith.constant 0 : i32
    %dma_wait3A_1247 = tpu.memref_slice %arg3[%dma_wait3A_1245, %dma_wait3A_1246] : memref<4096x1024xf32, #tpu.memory_space<hbm>> -> memref<4096x1024xf32, #tpu.memory_space<hbm>>
    tpu.wait_indirect_dma semaphore(%arg8 : memref<!tpu.dma_semaphore, #tpu.memory_space<semaphore_mem>>) src(%dma_wait3A_1247 : memref<4096x1024xf32, #tpu.memory_space<hbm>>) dst(%dma_wait3A_1242 : memref<16x1024xf32, #tpu.memory_space<vmem>>)
    %add3A_1248 = arith.constant 400 : i32
    %add3A_1249 = arith.addi %mul3A_2, %add3A_1248 : i32
    %dma_start3A_1250 = arith.constant 1 : i32
    %dma_start3A_1251 = arith.constant 0 : i32
    %dma_start3A_1252 = arith.constant 0 : i32
    %dma_start3A_1253 = tpu.memref_slice %arg6[%dma_start3A_1250, %dma_start3A_1251, %dma_start3A_1252] : memref<6x16x1024xf32, #tpu.memory_space<vmem>> -> memref<1x16x1024xf32, #tpu.memory_space<vmem>>
    %dma_start3A_1254 = tpu.memref_squeeze %dma_start3A_1253 : memref<1x16x1024xf32, #tpu.memory_space<vmem>> -> memref<16x1024xf32, #tpu.memory_space<vmem>>
    %dma_start3A_1255 = arith.constant 0 : i32
    %dma_start3A_1256 = tpu.memref_slice %arg4[%add3A_1249, %dma_start3A_1255] : memref<16384x1024xf32, #tpu.memory_space<hbm>> -> memref<16x1024xf32, #tpu.memory_space<hbm>>
    %dma_start3A_1257 = arith.constant 0 : i32
    %dma_start3A_1258 = tpu.memref_slice %arg4[%add3A_1249, %dma_start3A_1257] : memref<16384x1024xf32, #tpu.memory_space<hbm>> -> memref<16x1024xf32, #tpu.memory_space<hbm>>
    %dma_start3A_1259 = arith.constant 0 : i32
    %dma_start3A_1260 = arith.constant 0 : i32
    %dma_start3A_1261 = tpu.memref_slice %arg6[%dma_start3A_1250, %dma_start3A_1259, %dma_start3A_1260] : memref<6x16x1024xf32, #tpu.memory_space<vmem>> -> memref<1x16x1024xf32, #tpu.memory_space<vmem>>
    %dma_start3A_1262 = tpu.memref_squeeze %dma_start3A_1261 : memref<1x16x1024xf32, #tpu.memory_space<vmem>> -> memref<16x1024xf32, #tpu.memory_space<vmem>>
    tpu.enqueue_dma source(%dma_start3A_1262 : memref<16x1024xf32, #tpu.memory_space<vmem>>) target(%dma_start3A_1258 : memref<16x1024xf32, #tpu.memory_space<hbm>>) target_semaphore(%arg14 : memref<!tpu.dma_semaphore, #tpu.memory_space<semaphore_mem>>)
    %dma_wait3A_1263 = arith.constant 0 : i32
    %dma_wait3A_1264 = arith.constant 0 : i32
    %dma_wait3A_1265 = arith.constant 0 : i32
    %dma_wait3A_1266 = tpu.memref_slice %arg6[%dma_wait3A_1263, %dma_wait3A_1264, %dma_wait3A_1265] : memref<6x16x1024xf32, #tpu.memory_space<vmem>> -> memref<1x16x1024xf32, #tpu.memory_space<vmem>>
    %dma_wait3A_1267 = tpu.memref_squeeze %dma_wait3A_1266 : memref<1x16x1024xf32, #tpu.memory_space<vmem>> -> memref<16x1024xf32, #tpu.memory_space<vmem>>
    %dma_wait3A_1268 = arith.constant 0 : i32
    %dma_wait3A_1269 = tpu.memref_slice %arg4[%add3A_1201, %dma_wait3A_1268] : memref<16384x1024xf32, #tpu.memory_space<hbm>> -> memref<16x1024xf32, #tpu.memory_space<hbm>>
    %dma_wait3A_1270 = arith.constant 0 : i32
    %dma_wait3A_1271 = tpu.memref_slice %arg4[%add3A_1201, %dma_wait3A_1270] : memref<16384x1024xf32, #tpu.memory_space<hbm>> -> memref<16x1024xf32, #tpu.memory_space<hbm>>
    %dma_wait3A_1272 = arith.constant 0 : i32
    %dma_wait3A_1273 = arith.constant 0 : i32
    %dma_wait3A_1274 = tpu.memref_slice %arg6[%dma_wait3A_1263, %dma_wait3A_1272, %dma_wait3A_1273] : memref<6x16x1024xf32, #tpu.memory_space<vmem>> -> memref<1x16x1024xf32, #tpu.memory_space<vmem>>
    %dma_wait3A_1275 = tpu.memref_squeeze %dma_wait3A_1274 : memref<1x16x1024xf32, #tpu.memory_space<vmem>> -> memref<16x1024xf32, #tpu.memory_space<vmem>>
    tpu.wait_dma2 semaphore(%arg13 : memref<!tpu.dma_semaphore, #tpu.memory_space<semaphore_mem>>) src(%dma_wait3A_1275 : memref<16x1024xf32, #tpu.memory_space<vmem>>) dst(%dma_wait3A_1271 : memref<16x1024xf32, #tpu.memory_space<hbm>>)
    %dma_start3A_1276 = arith.constant 0 : i32
    %dma_start3A_1277 = arith.constant 0 : i32
    %dma_start3A_1278 = arith.constant 0 : i32
    %dma_start3A_1279 = tpu.memref_slice %arg6[%dma_start3A_1276, %dma_start3A_1277, %dma_start3A_1278] : memref<6x16x1024xf32, #tpu.memory_space<vmem>> -> memref<1x16x1024xf32, #tpu.memory_space<vmem>>
    %dma_start3A_1280 = tpu.memref_squeeze %dma_start3A_1279 : memref<1x16x1024xf32, #tpu.memory_space<vmem>> -> memref<16x1024xf32, #tpu.memory_space<vmem>>
    %dma_start3A_1281 = arith.constant 480 : i32
    %dma_start3A_1282 = tpu.memref_slice %arg5[%dma_start3A_1281] : memref<512xi32, #tpu.memory_space<vmem>> -> memref<16xi32, #tpu.memory_space<vmem>>
    %dma_start3A_1283 = arith.constant 0 : i32
    %dma_start3A_1284 = arith.constant 0 : i32
    %dma_start3A_1285 = tpu.memref_slice %arg3[%dma_start3A_1283, %dma_start3A_1284] : memref<4096x1024xf32, #tpu.memory_space<hbm>> -> memref<4096x1024xf32, #tpu.memory_space<hbm>>
    tpu.enqueue_indirect_dma source(%dma_start3A_1285 : memref<4096x1024xf32, #tpu.memory_space<hbm>>) target(%dma_start3A_1280 : memref<16x1024xf32, #tpu.memory_space<vmem>>) offsets(%dma_start3A_1282 : memref<16xi32, #tpu.memory_space<vmem>>) semaphore(%arg7 : memref<!tpu.dma_semaphore, #tpu.memory_space<semaphore_mem>>)
    %dma_wait3A_1286 = arith.constant 2 : i32
    %dma_wait3A_1287 = arith.constant 0 : i32
    %dma_wait3A_1288 = arith.constant 0 : i32
    %dma_wait3A_1289 = tpu.memref_slice %arg6[%dma_wait3A_1286, %dma_wait3A_1287, %dma_wait3A_1288] : memref<6x16x1024xf32, #tpu.memory_space<vmem>> -> memref<1x16x1024xf32, #tpu.memory_space<vmem>>
    %dma_wait3A_1290 = tpu.memref_squeeze %dma_wait3A_1289 : memref<1x16x1024xf32, #tpu.memory_space<vmem>> -> memref<16x1024xf32, #tpu.memory_space<vmem>>
    %dma_wait3A_1291 = arith.constant 416 : i32
    %dma_wait3A_1292 = tpu.memref_slice %arg5[%dma_wait3A_1291] : memref<512xi32, #tpu.memory_space<vmem>> -> memref<16xi32, #tpu.memory_space<vmem>>
    %dma_wait3A_1293 = arith.constant 0 : i32
    %dma_wait3A_1294 = arith.constant 0 : i32
    %dma_wait3A_1295 = tpu.memref_slice %arg3[%dma_wait3A_1293, %dma_wait3A_1294] : memref<4096x1024xf32, #tpu.memory_space<hbm>> -> memref<4096x1024xf32, #tpu.memory_space<hbm>>
    tpu.wait_indirect_dma semaphore(%arg9 : memref<!tpu.dma_semaphore, #tpu.memory_space<semaphore_mem>>) src(%dma_wait3A_1295 : memref<4096x1024xf32, #tpu.memory_space<hbm>>) dst(%dma_wait3A_1290 : memref<16x1024xf32, #tpu.memory_space<vmem>>)
    %add3A_1296 = arith.constant 416 : i32
    %add3A_1297 = arith.addi %mul3A_2, %add3A_1296 : i32
    %dma_start3A_1298 = arith.constant 2 : i32
    %dma_start3A_1299 = arith.constant 0 : i32
    %dma_start3A_1300 = arith.constant 0 : i32
    %dma_start3A_1301 = tpu.memref_slice %arg6[%dma_start3A_1298, %dma_start3A_1299, %dma_start3A_1300] : memref<6x16x1024xf32, #tpu.memory_space<vmem>> -> memref<1x16x1024xf32, #tpu.memory_space<vmem>>
    %dma_start3A_1302 = tpu.memref_squeeze %dma_start3A_1301 : memref<1x16x1024xf32, #tpu.memory_space<vmem>> -> memref<16x1024xf32, #tpu.memory_space<vmem>>
    %dma_start3A_1303 = arith.constant 0 : i32
    %dma_start3A_1304 = tpu.memref_slice %arg4[%add3A_1297, %dma_start3A_1303] : memref<16384x1024xf32, #tpu.memory_space<hbm>> -> memref<16x1024xf32, #tpu.memory_space<hbm>>
    %dma_start3A_1305 = arith.constant 0 : i32
    %dma_start3A_1306 = tpu.memref_slice %arg4[%add3A_1297, %dma_start3A_1305] : memref<16384x1024xf32, #tpu.memory_space<hbm>> -> memref<16x1024xf32, #tpu.memory_space<hbm>>
    %dma_start3A_1307 = arith.constant 0 : i32
    %dma_start3A_1308 = arith.constant 0 : i32
    %dma_start3A_1309 = tpu.memref_slice %arg6[%dma_start3A_1298, %dma_start3A_1307, %dma_start3A_1308] : memref<6x16x1024xf32, #tpu.memory_space<vmem>> -> memref<1x16x1024xf32, #tpu.memory_space<vmem>>
    %dma_start3A_1310 = tpu.memref_squeeze %dma_start3A_1309 : memref<1x16x1024xf32, #tpu.memory_space<vmem>> -> memref<16x1024xf32, #tpu.memory_space<vmem>>
    tpu.enqueue_dma source(%dma_start3A_1310 : memref<16x1024xf32, #tpu.memory_space<vmem>>) target(%dma_start3A_1306 : memref<16x1024xf32, #tpu.memory_space<hbm>>) target_semaphore(%arg15 : memref<!tpu.dma_semaphore, #tpu.memory_space<semaphore_mem>>)
    %dma_wait3A_1311 = arith.constant 1 : i32
    %dma_wait3A_1312 = arith.constant 0 : i32
    %dma_wait3A_1313 = arith.constant 0 : i32
    %dma_wait3A_1314 = tpu.memref_slice %arg6[%dma_wait3A_1311, %dma_wait3A_1312, %dma_wait3A_1313] : memref<6x16x1024xf32, #tpu.memory_space<vmem>> -> memref<1x16x1024xf32, #tpu.memory_space<vmem>>
    %dma_wait3A_1315 = tpu.memref_squeeze %dma_wait3A_1314 : memref<1x16x1024xf32, #tpu.memory_space<vmem>> -> memref<16x1024xf32, #tpu.memory_space<vmem>>
    %dma_wait3A_1316 = arith.constant 0 : i32
    %dma_wait3A_1317 = tpu.memref_slice %arg4[%add3A_1249, %dma_wait3A_1316] : memref<16384x1024xf32, #tpu.memory_space<hbm>> -> memref<16x1024xf32, #tpu.memory_space<hbm>>
    %dma_wait3A_1318 = arith.constant 0 : i32
    %dma_wait3A_1319 = tpu.memref_slice %arg4[%add3A_1249, %dma_wait3A_1318] : memref<16384x1024xf32, #tpu.memory_space<hbm>> -> memref<16x1024xf32, #tpu.memory_space<hbm>>
    %dma_wait3A_1320 = arith.constant 0 : i32
    %dma_wait3A_1321 = arith.constant 0 : i32
    %dma_wait3A_1322 = tpu.memref_slice %arg6[%dma_wait3A_1311, %dma_wait3A_1320, %dma_wait3A_1321] : memref<6x16x1024xf32, #tpu.memory_space<vmem>> -> memref<1x16x1024xf32, #tpu.memory_space<vmem>>
    %dma_wait3A_1323 = tpu.memref_squeeze %dma_wait3A_1322 : memref<1x16x1024xf32, #tpu.memory_space<vmem>> -> memref<16x1024xf32, #tpu.memory_space<vmem>>
    tpu.wait_dma2 semaphore(%arg14 : memref<!tpu.dma_semaphore, #tpu.memory_space<semaphore_mem>>) src(%dma_wait3A_1323 : memref<16x1024xf32, #tpu.memory_space<vmem>>) dst(%dma_wait3A_1319 : memref<16x1024xf32, #tpu.memory_space<hbm>>)
    %dma_start3A_1324 = arith.constant 1 : i32
    %dma_start3A_1325 = arith.constant 0 : i32
    %dma_start3A_1326 = arith.constant 0 : i32
    %dma_start3A_1327 = tpu.memref_slice %arg6[%dma_start3A_1324, %dma_start3A_1325, %dma_start3A_1326] : memref<6x16x1024xf32, #tpu.memory_space<vmem>> -> memref<1x16x1024xf32, #tpu.memory_space<vmem>>
    %dma_start3A_1328 = tpu.memref_squeeze %dma_start3A_1327 : memref<1x16x1024xf32, #tpu.memory_space<vmem>> -> memref<16x1024xf32, #tpu.memory_space<vmem>>
    %dma_start3A_1329 = arith.constant 496 : i32
    %dma_start3A_1330 = tpu.memref_slice %arg5[%dma_start3A_1329] : memref<512xi32, #tpu.memory_space<vmem>> -> memref<16xi32, #tpu.memory_space<vmem>>
    %dma_start3A_1331 = arith.constant 0 : i32
    %dma_start3A_1332 = arith.constant 0 : i32
    %dma_start3A_1333 = tpu.memref_slice %arg3[%dma_start3A_1331, %dma_start3A_1332] : memref<4096x1024xf32, #tpu.memory_space<hbm>> -> memref<4096x1024xf32, #tpu.memory_space<hbm>>
    tpu.enqueue_indirect_dma source(%dma_start3A_1333 : memref<4096x1024xf32, #tpu.memory_space<hbm>>) target(%dma_start3A_1328 : memref<16x1024xf32, #tpu.memory_space<vmem>>) offsets(%dma_start3A_1330 : memref<16xi32, #tpu.memory_space<vmem>>) semaphore(%arg8 : memref<!tpu.dma_semaphore, #tpu.memory_space<semaphore_mem>>)
    %dma_wait3A_1334 = arith.constant 3 : i32
    %dma_wait3A_1335 = arith.constant 0 : i32
    %dma_wait3A_1336 = arith.constant 0 : i32
    %dma_wait3A_1337 = tpu.memref_slice %arg6[%dma_wait3A_1334, %dma_wait3A_1335, %dma_wait3A_1336] : memref<6x16x1024xf32, #tpu.memory_space<vmem>> -> memref<1x16x1024xf32, #tpu.memory_space<vmem>>
    %dma_wait3A_1338 = tpu.memref_squeeze %dma_wait3A_1337 : memref<1x16x1024xf32, #tpu.memory_space<vmem>> -> memref<16x1024xf32, #tpu.memory_space<vmem>>
    %dma_wait3A_1339 = arith.constant 432 : i32
    %dma_wait3A_1340 = tpu.memref_slice %arg5[%dma_wait3A_1339] : memref<512xi32, #tpu.memory_space<vmem>> -> memref<16xi32, #tpu.memory_space<vmem>>
    %dma_wait3A_1341 = arith.constant 0 : i32
    %dma_wait3A_1342 = arith.constant 0 : i32
    %dma_wait3A_1343 = tpu.memref_slice %arg3[%dma_wait3A_1341, %dma_wait3A_1342] : memref<4096x1024xf32, #tpu.memory_space<hbm>> -> memref<4096x1024xf32, #tpu.memory_space<hbm>>
    tpu.wait_indirect_dma semaphore(%arg10 : memref<!tpu.dma_semaphore, #tpu.memory_space<semaphore_mem>>) src(%dma_wait3A_1343 : memref<4096x1024xf32, #tpu.memory_space<hbm>>) dst(%dma_wait3A_1338 : memref<16x1024xf32, #tpu.memory_space<vmem>>)
    %add3A_1344 = arith.constant 432 : i32
    %add3A_1345 = arith.addi %mul3A_2, %add3A_1344 : i32
    %dma_start3A_1346 = arith.constant 3 : i32
    %dma_start3A_1347 = arith.constant 0 : i32
    %dma_start3A_1348 = arith.constant 0 : i32
    %dma_start3A_1349 = tpu.memref_slice %arg6[%dma_start3A_1346, %dma_start3A_1347, %dma_start3A_1348] : memref<6x16x1024xf32, #tpu.memory_space<vmem>> -> memref<1x16x1024xf32, #tpu.memory_space<vmem>>
    %dma_start3A_1350 = tpu.memref_squeeze %dma_start3A_1349 : memref<1x16x1024xf32, #tpu.memory_space<vmem>> -> memref<16x1024xf32, #tpu.memory_space<vmem>>
    %dma_start3A_1351 = arith.constant 0 : i32
    %dma_start3A_1352 = tpu.memref_slice %arg4[%add3A_1345, %dma_start3A_1351] : memref<16384x1024xf32, #tpu.memory_space<hbm>> -> memref<16x1024xf32, #tpu.memory_space<hbm>>
    %dma_start3A_1353 = arith.constant 0 : i32
    %dma_start3A_1354 = tpu.memref_slice %arg4[%add3A_1345, %dma_start3A_1353] : memref<16384x1024xf32, #tpu.memory_space<hbm>> -> memref<16x1024xf32, #tpu.memory_space<hbm>>
    %dma_start3A_1355 = arith.constant 0 : i32
    %dma_start3A_1356 = arith.constant 0 : i32
    %dma_start3A_1357 = tpu.memref_slice %arg6[%dma_start3A_1346, %dma_start3A_1355, %dma_start3A_1356] : memref<6x16x1024xf32, #tpu.memory_space<vmem>> -> memref<1x16x1024xf32, #tpu.memory_space<vmem>>
    %dma_start3A_1358 = tpu.memref_squeeze %dma_start3A_1357 : memref<1x16x1024xf32, #tpu.memory_space<vmem>> -> memref<16x1024xf32, #tpu.memory_space<vmem>>
    tpu.enqueue_dma source(%dma_start3A_1358 : memref<16x1024xf32, #tpu.memory_space<vmem>>) target(%dma_start3A_1354 : memref<16x1024xf32, #tpu.memory_space<hbm>>) target_semaphore(%arg16 : memref<!tpu.dma_semaphore, #tpu.memory_space<semaphore_mem>>)
    %dma_wait3A_1359 = arith.constant 4 : i32
    %dma_wait3A_1360 = arith.constant 0 : i32
    %dma_wait3A_1361 = arith.constant 0 : i32
    %dma_wait3A_1362 = tpu.memref_slice %arg6[%dma_wait3A_1359, %dma_wait3A_1360, %dma_wait3A_1361] : memref<6x16x1024xf32, #tpu.memory_space<vmem>> -> memref<1x16x1024xf32, #tpu.memory_space<vmem>>
    %dma_wait3A_1363 = tpu.memref_squeeze %dma_wait3A_1362 : memref<1x16x1024xf32, #tpu.memory_space<vmem>> -> memref<16x1024xf32, #tpu.memory_space<vmem>>
    %dma_wait3A_1364 = arith.constant 448 : i32
    %dma_wait3A_1365 = tpu.memref_slice %arg5[%dma_wait3A_1364] : memref<512xi32, #tpu.memory_space<vmem>> -> memref<16xi32, #tpu.memory_space<vmem>>
    %dma_wait3A_1366 = arith.constant 0 : i32
    %dma_wait3A_1367 = arith.constant 0 : i32
    %dma_wait3A_1368 = tpu.memref_slice %arg3[%dma_wait3A_1366, %dma_wait3A_1367] : memref<4096x1024xf32, #tpu.memory_space<hbm>> -> memref<4096x1024xf32, #tpu.memory_space<hbm>>
    tpu.wait_indirect_dma semaphore(%arg11 : memref<!tpu.dma_semaphore, #tpu.memory_space<semaphore_mem>>) src(%dma_wait3A_1368 : memref<4096x1024xf32, #tpu.memory_space<hbm>>) dst(%dma_wait3A_1363 : memref<16x1024xf32, #tpu.memory_space<vmem>>)
    %add3A_1369 = arith.constant 448 : i32
    %add3A_1370 = arith.addi %mul3A_2, %add3A_1369 : i32
    %dma_start3A_1371 = arith.constant 4 : i32
    %dma_start3A_1372 = arith.constant 0 : i32
    %dma_start3A_1373 = arith.constant 0 : i32
    %dma_start3A_1374 = tpu.memref_slice %arg6[%dma_start3A_1371, %dma_start3A_1372, %dma_start3A_1373] : memref<6x16x1024xf32, #tpu.memory_space<vmem>> -> memref<1x16x1024xf32, #tpu.memory_space<vmem>>
    %dma_start3A_1375 = tpu.memref_squeeze %dma_start3A_1374 : memref<1x16x1024xf32, #tpu.memory_space<vmem>> -> memref<16x1024xf32, #tpu.memory_space<vmem>>
    %dma_start3A_1376 = arith.constant 0 : i32
    %dma_start3A_1377 = tpu.memref_slice %arg4[%add3A_1370, %dma_start3A_1376] : memref<16384x1024xf32, #tpu.memory_space<hbm>> -> memref<16x1024xf32, #tpu.memory_space<hbm>>
    %dma_start3A_1378 = arith.constant 0 : i32
    %dma_start3A_1379 = tpu.memref_slice %arg4[%add3A_1370, %dma_start3A_1378] : memref<16384x1024xf32, #tpu.memory_space<hbm>> -> memref<16x1024xf32, #tpu.memory_space<hbm>>
    %dma_start3A_1380 = arith.constant 0 : i32
    %dma_start3A_1381 = arith.constant 0 : i32
    %dma_start3A_1382 = tpu.memref_slice %arg6[%dma_start3A_1371, %dma_start3A_1380, %dma_start3A_1381] : memref<6x16x1024xf32, #tpu.memory_space<vmem>> -> memref<1x16x1024xf32, #tpu.memory_space<vmem>>
    %dma_start3A_1383 = tpu.memref_squeeze %dma_start3A_1382 : memref<1x16x1024xf32, #tpu.memory_space<vmem>> -> memref<16x1024xf32, #tpu.memory_space<vmem>>
    tpu.enqueue_dma source(%dma_start3A_1383 : memref<16x1024xf32, #tpu.memory_space<vmem>>) target(%dma_start3A_1379 : memref<16x1024xf32, #tpu.memory_space<hbm>>) target_semaphore(%arg17 : memref<!tpu.dma_semaphore, #tpu.memory_space<semaphore_mem>>)
    %dma_wait3A_1384 = arith.constant 5 : i32
    %dma_wait3A_1385 = arith.constant 0 : i32
    %dma_wait3A_1386 = arith.constant 0 : i32
    %dma_wait3A_1387 = tpu.memref_slice %arg6[%dma_wait3A_1384, %dma_wait3A_1385, %dma_wait3A_1386] : memref<6x16x1024xf32, #tpu.memory_space<vmem>> -> memref<1x16x1024xf32, #tpu.memory_space<vmem>>
    %dma_wait3A_1388 = tpu.memref_squeeze %dma_wait3A_1387 : memref<1x16x1024xf32, #tpu.memory_space<vmem>> -> memref<16x1024xf32, #tpu.memory_space<vmem>>
    %dma_wait3A_1389 = arith.constant 464 : i32
    %dma_wait3A_1390 = tpu.memref_slice %arg5[%dma_wait3A_1389] : memref<512xi32, #tpu.memory_space<vmem>> -> memref<16xi32, #tpu.memory_space<vmem>>
    %dma_wait3A_1391 = arith.constant 0 : i32
    %dma_wait3A_1392 = arith.constant 0 : i32
    %dma_wait3A_1393 = tpu.memref_slice %arg3[%dma_wait3A_1391, %dma_wait3A_1392] : memref<4096x1024xf32, #tpu.memory_space<hbm>> -> memref<4096x1024xf32, #tpu.memory_space<hbm>>
    tpu.wait_indirect_dma semaphore(%arg12 : memref<!tpu.dma_semaphore, #tpu.memory_space<semaphore_mem>>) src(%dma_wait3A_1393 : memref<4096x1024xf32, #tpu.memory_space<hbm>>) dst(%dma_wait3A_1388 : memref<16x1024xf32, #tpu.memory_space<vmem>>)
    %add3A_1394 = arith.constant 464 : i32
    %add3A_1395 = arith.addi %mul3A_2, %add3A_1394 : i32
    %dma_start3A_1396 = arith.constant 5 : i32
    %dma_start3A_1397 = arith.constant 0 : i32
    %dma_start3A_1398 = arith.constant 0 : i32
    %dma_start3A_1399 = tpu.memref_slice %arg6[%dma_start3A_1396, %dma_start3A_1397, %dma_start3A_1398] : memref<6x16x1024xf32, #tpu.memory_space<vmem>> -> memref<1x16x1024xf32, #tpu.memory_space<vmem>>
    %dma_start3A_1400 = tpu.memref_squeeze %dma_start3A_1399 : memref<1x16x1024xf32, #tpu.memory_space<vmem>> -> memref<16x1024xf32, #tpu.memory_space<vmem>>
    %dma_start3A_1401 = arith.constant 0 : i32
    %dma_start3A_1402 = tpu.memref_slice %arg4[%add3A_1395, %dma_start3A_1401] : memref<16384x1024xf32, #tpu.memory_space<hbm>> -> memref<16x1024xf32, #tpu.memory_space<hbm>>
    %dma_start3A_1403 = arith.constant 0 : i32
    %dma_start3A_1404 = tpu.memref_slice %arg4[%add3A_1395, %dma_start3A_1403] : memref<16384x1024xf32, #tpu.memory_space<hbm>> -> memref<16x1024xf32, #tpu.memory_space<hbm>>
    %dma_start3A_1405 = arith.constant 0 : i32
    %dma_start3A_1406 = arith.constant 0 : i32
    %dma_start3A_1407 = tpu.memref_slice %arg6[%dma_start3A_1396, %dma_start3A_1405, %dma_start3A_1406] : memref<6x16x1024xf32, #tpu.memory_space<vmem>> -> memref<1x16x1024xf32, #tpu.memory_space<vmem>>
    %dma_start3A_1408 = tpu.memref_squeeze %dma_start3A_1407 : memref<1x16x1024xf32, #tpu.memory_space<vmem>> -> memref<16x1024xf32, #tpu.memory_space<vmem>>
    tpu.enqueue_dma source(%dma_start3A_1408 : memref<16x1024xf32, #tpu.memory_space<vmem>>) target(%dma_start3A_1404 : memref<16x1024xf32, #tpu.memory_space<hbm>>) target_semaphore(%arg18 : memref<!tpu.dma_semaphore, #tpu.memory_space<semaphore_mem>>)
    %dma_wait3A_1409 = arith.constant 0 : i32
    %dma_wait3A_1410 = arith.constant 0 : i32
    %dma_wait3A_1411 = arith.constant 0 : i32
    %dma_wait3A_1412 = tpu.memref_slice %arg6[%dma_wait3A_1409, %dma_wait3A_1410, %dma_wait3A_1411] : memref<6x16x1024xf32, #tpu.memory_space<vmem>> -> memref<1x16x1024xf32, #tpu.memory_space<vmem>>
    %dma_wait3A_1413 = tpu.memref_squeeze %dma_wait3A_1412 : memref<1x16x1024xf32, #tpu.memory_space<vmem>> -> memref<16x1024xf32, #tpu.memory_space<vmem>>
    %dma_wait3A_1414 = arith.constant 480 : i32
    %dma_wait3A_1415 = tpu.memref_slice %arg5[%dma_wait3A_1414] : memref<512xi32, #tpu.memory_space<vmem>> -> memref<16xi32, #tpu.memory_space<vmem>>
    %dma_wait3A_1416 = arith.constant 0 : i32
    %dma_wait3A_1417 = arith.constant 0 : i32
    %dma_wait3A_1418 = tpu.memref_slice %arg3[%dma_wait3A_1416, %dma_wait3A_1417] : memref<4096x1024xf32, #tpu.memory_space<hbm>> -> memref<4096x1024xf32, #tpu.memory_space<hbm>>
    tpu.wait_indirect_dma semaphore(%arg7 : memref<!tpu.dma_semaphore, #tpu.memory_space<semaphore_mem>>) src(%dma_wait3A_1418 : memref<4096x1024xf32, #tpu.memory_space<hbm>>) dst(%dma_wait3A_1413 : memref<16x1024xf32, #tpu.memory_space<vmem>>)
    %add3A_1419 = arith.constant 480 : i32
    %add3A_1420 = arith.addi %mul3A_2, %add3A_1419 : i32
    %dma_start3A_1421 = arith.constant 0 : i32
    %dma_start3A_1422 = arith.constant 0 : i32
    %dma_start3A_1423 = arith.constant 0 : i32
    %dma_start3A_1424 = tpu.memref_slice %arg6[%dma_start3A_1421, %dma_start3A_1422, %dma_start3A_1423] : memref<6x16x1024xf32, #tpu.memory_space<vmem>> -> memref<1x16x1024xf32, #tpu.memory_space<vmem>>
    %dma_start3A_1425 = tpu.memref_squeeze %dma_start3A_1424 : memref<1x16x1024xf32, #tpu.memory_space<vmem>> -> memref<16x1024xf32, #tpu.memory_space<vmem>>
    %dma_start3A_1426 = arith.constant 0 : i32
    %dma_start3A_1427 = tpu.memref_slice %arg4[%add3A_1420, %dma_start3A_1426] : memref<16384x1024xf32, #tpu.memory_space<hbm>> -> memref<16x1024xf32, #tpu.memory_space<hbm>>
    %dma_start3A_1428 = arith.constant 0 : i32
    %dma_start3A_1429 = tpu.memref_slice %arg4[%add3A_1420, %dma_start3A_1428] : memref<16384x1024xf32, #tpu.memory_space<hbm>> -> memref<16x1024xf32, #tpu.memory_space<hbm>>
    %dma_start3A_1430 = arith.constant 0 : i32
    %dma_start3A_1431 = arith.constant 0 : i32
    %dma_start3A_1432 = tpu.memref_slice %arg6[%dma_start3A_1421, %dma_start3A_1430, %dma_start3A_1431] : memref<6x16x1024xf32, #tpu.memory_space<vmem>> -> memref<1x16x1024xf32, #tpu.memory_space<vmem>>
    %dma_start3A_1433 = tpu.memref_squeeze %dma_start3A_1432 : memref<1x16x1024xf32, #tpu.memory_space<vmem>> -> memref<16x1024xf32, #tpu.memory_space<vmem>>
    tpu.enqueue_dma source(%dma_start3A_1433 : memref<16x1024xf32, #tpu.memory_space<vmem>>) target(%dma_start3A_1429 : memref<16x1024xf32, #tpu.memory_space<hbm>>) target_semaphore(%arg13 : memref<!tpu.dma_semaphore, #tpu.memory_space<semaphore_mem>>)
    %dma_wait3A_1434 = arith.constant 1 : i32
    %dma_wait3A_1435 = arith.constant 0 : i32
    %dma_wait3A_1436 = arith.constant 0 : i32
    %dma_wait3A_1437 = tpu.memref_slice %arg6[%dma_wait3A_1434, %dma_wait3A_1435, %dma_wait3A_1436] : memref<6x16x1024xf32, #tpu.memory_space<vmem>> -> memref<1x16x1024xf32, #tpu.memory_space<vmem>>
    %dma_wait3A_1438 = tpu.memref_squeeze %dma_wait3A_1437 : memref<1x16x1024xf32, #tpu.memory_space<vmem>> -> memref<16x1024xf32, #tpu.memory_space<vmem>>
    %dma_wait3A_1439 = arith.constant 496 : i32
    %dma_wait3A_1440 = tpu.memref_slice %arg5[%dma_wait3A_1439] : memref<512xi32, #tpu.memory_space<vmem>> -> memref<16xi32, #tpu.memory_space<vmem>>
    %dma_wait3A_1441 = arith.constant 0 : i32
    %dma_wait3A_1442 = arith.constant 0 : i32
    %dma_wait3A_1443 = tpu.memref_slice %arg3[%dma_wait3A_1441, %dma_wait3A_1442] : memref<4096x1024xf32, #tpu.memory_space<hbm>> -> memref<4096x1024xf32, #tpu.memory_space<hbm>>
    tpu.wait_indirect_dma semaphore(%arg8 : memref<!tpu.dma_semaphore, #tpu.memory_space<semaphore_mem>>) src(%dma_wait3A_1443 : memref<4096x1024xf32, #tpu.memory_space<hbm>>) dst(%dma_wait3A_1438 : memref<16x1024xf32, #tpu.memory_space<vmem>>)
    %add3A_1444 = arith.constant 496 : i32
    %add3A_1445 = arith.addi %mul3A_2, %add3A_1444 : i32
    %dma_start3A_1446 = arith.constant 1 : i32
    %dma_start3A_1447 = arith.constant 0 : i32
    %dma_start3A_1448 = arith.constant 0 : i32
    %dma_start3A_1449 = tpu.memref_slice %arg6[%dma_start3A_1446, %dma_start3A_1447, %dma_start3A_1448] : memref<6x16x1024xf32, #tpu.memory_space<vmem>> -> memref<1x16x1024xf32, #tpu.memory_space<vmem>>
    %dma_start3A_1450 = tpu.memref_squeeze %dma_start3A_1449 : memref<1x16x1024xf32, #tpu.memory_space<vmem>> -> memref<16x1024xf32, #tpu.memory_space<vmem>>
    %dma_start3A_1451 = arith.constant 0 : i32
    %dma_start3A_1452 = tpu.memref_slice %arg4[%add3A_1445, %dma_start3A_1451] : memref<16384x1024xf32, #tpu.memory_space<hbm>> -> memref<16x1024xf32, #tpu.memory_space<hbm>>
    %dma_start3A_1453 = arith.constant 0 : i32
    %dma_start3A_1454 = tpu.memref_slice %arg4[%add3A_1445, %dma_start3A_1453] : memref<16384x1024xf32, #tpu.memory_space<hbm>> -> memref<16x1024xf32, #tpu.memory_space<hbm>>
    %dma_start3A_1455 = arith.constant 0 : i32
    %dma_start3A_1456 = arith.constant 0 : i32
    %dma_start3A_1457 = tpu.memref_slice %arg6[%dma_start3A_1446, %dma_start3A_1455, %dma_start3A_1456] : memref<6x16x1024xf32, #tpu.memory_space<vmem>> -> memref<1x16x1024xf32, #tpu.memory_space<vmem>>
    %dma_start3A_1458 = tpu.memref_squeeze %dma_start3A_1457 : memref<1x16x1024xf32, #tpu.memory_space<vmem>> -> memref<16x1024xf32, #tpu.memory_space<vmem>>
    tpu.enqueue_dma source(%dma_start3A_1458 : memref<16x1024xf32, #tpu.memory_space<vmem>>) target(%dma_start3A_1454 : memref<16x1024xf32, #tpu.memory_space<hbm>>) target_semaphore(%arg14 : memref<!tpu.dma_semaphore, #tpu.memory_space<semaphore_mem>>)
    %dma_wait3A_1459 = arith.constant 2 : i32
    %dma_wait3A_1460 = arith.constant 0 : i32
    %dma_wait3A_1461 = arith.constant 0 : i32
    %dma_wait3A_1462 = tpu.memref_slice %arg6[%dma_wait3A_1459, %dma_wait3A_1460, %dma_wait3A_1461] : memref<6x16x1024xf32, #tpu.memory_space<vmem>> -> memref<1x16x1024xf32, #tpu.memory_space<vmem>>
    %dma_wait3A_1463 = tpu.memref_squeeze %dma_wait3A_1462 : memref<1x16x1024xf32, #tpu.memory_space<vmem>> -> memref<16x1024xf32, #tpu.memory_space<vmem>>
    %dma_wait3A_1464 = arith.constant 0 : i32
    %dma_wait3A_1465 = tpu.memref_slice %arg4[%add3A_1297, %dma_wait3A_1464] : memref<16384x1024xf32, #tpu.memory_space<hbm>> -> memref<16x1024xf32, #tpu.memory_space<hbm>>
    %dma_wait3A_1466 = arith.constant 0 : i32
    %dma_wait3A_1467 = tpu.memref_slice %arg4[%add3A_1297, %dma_wait3A_1466] : memref<16384x1024xf32, #tpu.memory_space<hbm>> -> memref<16x1024xf32, #tpu.memory_space<hbm>>
    %dma_wait3A_1468 = arith.constant 0 : i32
    %dma_wait3A_1469 = arith.constant 0 : i32
    %dma_wait3A_1470 = tpu.memref_slice %arg6[%dma_wait3A_1459, %dma_wait3A_1468, %dma_wait3A_1469] : memref<6x16x1024xf32, #tpu.memory_space<vmem>> -> memref<1x16x1024xf32, #tpu.memory_space<vmem>>
    %dma_wait3A_1471 = tpu.memref_squeeze %dma_wait3A_1470 : memref<1x16x1024xf32, #tpu.memory_space<vmem>> -> memref<16x1024xf32, #tpu.memory_space<vmem>>
    tpu.wait_dma2 semaphore(%arg15 : memref<!tpu.dma_semaphore, #tpu.memory_space<semaphore_mem>>) src(%dma_wait3A_1471 : memref<16x1024xf32, #tpu.memory_space<vmem>>) dst(%dma_wait3A_1467 : memref<16x1024xf32, #tpu.memory_space<hbm>>)
    %dma_wait3A_1472 = arith.constant 3 : i32
    %dma_wait3A_1473 = arith.constant 0 : i32
    %dma_wait3A_1474 = arith.constant 0 : i32
    %dma_wait3A_1475 = tpu.memref_slice %arg6[%dma_wait3A_1472, %dma_wait3A_1473, %dma_wait3A_1474] : memref<6x16x1024xf32, #tpu.memory_space<vmem>> -> memref<1x16x1024xf32, #tpu.memory_space<vmem>>
    %dma_wait3A_1476 = tpu.memref_squeeze %dma_wait3A_1475 : memref<1x16x1024xf32, #tpu.memory_space<vmem>> -> memref<16x1024xf32, #tpu.memory_space<vmem>>
    %dma_wait3A_1477 = arith.constant 0 : i32
    %dma_wait3A_1478 = tpu.memref_slice %arg4[%add3A_1345, %dma_wait3A_1477] : memref<16384x1024xf32, #tpu.memory_space<hbm>> -> memref<16x1024xf32, #tpu.memory_space<hbm>>
    %dma_wait3A_1479 = arith.constant 0 : i32
    %dma_wait3A_1480 = tpu.memref_slice %arg4[%add3A_1345, %dma_wait3A_1479] : memref<16384x1024xf32, #tpu.memory_space<hbm>> -> memref<16x1024xf32, #tpu.memory_space<hbm>>
    %dma_wait3A_1481 = arith.constant 0 : i32
    %dma_wait3A_1482 = arith.constant 0 : i32
    %dma_wait3A_1483 = tpu.memref_slice %arg6[%dma_wait3A_1472, %dma_wait3A_1481, %dma_wait3A_1482] : memref<6x16x1024xf32, #tpu.memory_space<vmem>> -> memref<1x16x1024xf32, #tpu.memory_space<vmem>>
    %dma_wait3A_1484 = tpu.memref_squeeze %dma_wait3A_1483 : memref<1x16x1024xf32, #tpu.memory_space<vmem>> -> memref<16x1024xf32, #tpu.memory_space<vmem>>
    tpu.wait_dma2 semaphore(%arg16 : memref<!tpu.dma_semaphore, #tpu.memory_space<semaphore_mem>>) src(%dma_wait3A_1484 : memref<16x1024xf32, #tpu.memory_space<vmem>>) dst(%dma_wait3A_1480 : memref<16x1024xf32, #tpu.memory_space<hbm>>)
    %dma_wait3A_1485 = arith.constant 4 : i32
    %dma_wait3A_1486 = arith.constant 0 : i32
    %dma_wait3A_1487 = arith.constant 0 : i32
    %dma_wait3A_1488 = tpu.memref_slice %arg6[%dma_wait3A_1485, %dma_wait3A_1486, %dma_wait3A_1487] : memref<6x16x1024xf32, #tpu.memory_space<vmem>> -> memref<1x16x1024xf32, #tpu.memory_space<vmem>>
    %dma_wait3A_1489 = tpu.memref_squeeze %dma_wait3A_1488 : memref<1x16x1024xf32, #tpu.memory_space<vmem>> -> memref<16x1024xf32, #tpu.memory_space<vmem>>
    %dma_wait3A_1490 = arith.constant 0 : i32
    %dma_wait3A_1491 = tpu.memref_slice %arg4[%add3A_1370, %dma_wait3A_1490] : memref<16384x1024xf32, #tpu.memory_space<hbm>> -> memref<16x1024xf32, #tpu.memory_space<hbm>>
    %dma_wait3A_1492 = arith.constant 0 : i32
    %dma_wait3A_1493 = tpu.memref_slice %arg4[%add3A_1370, %dma_wait3A_1492] : memref<16384x1024xf32, #tpu.memory_space<hbm>> -> memref<16x1024xf32, #tpu.memory_space<hbm>>
    %dma_wait3A_1494 = arith.constant 0 : i32
    %dma_wait3A_1495 = arith.constant 0 : i32
    %dma_wait3A_1496 = tpu.memref_slice %arg6[%dma_wait3A_1485, %dma_wait3A_1494, %dma_wait3A_1495] : memref<6x16x1024xf32, #tpu.memory_space<vmem>> -> memref<1x16x1024xf32, #tpu.memory_space<vmem>>
    %dma_wait3A_1497 = tpu.memref_squeeze %dma_wait3A_1496 : memref<1x16x1024xf32, #tpu.memory_space<vmem>> -> memref<16x1024xf32, #tpu.memory_space<vmem>>
    tpu.wait_dma2 semaphore(%arg17 : memref<!tpu.dma_semaphore, #tpu.memory_space<semaphore_mem>>) src(%dma_wait3A_1497 : memref<16x1024xf32, #tpu.memory_space<vmem>>) dst(%dma_wait3A_1493 : memref<16x1024xf32, #tpu.memory_space<hbm>>)
    %dma_wait3A_1498 = arith.constant 5 : i32
    %dma_wait3A_1499 = arith.constant 0 : i32
    %dma_wait3A_1500 = arith.constant 0 : i32
    %dma_wait3A_1501 = tpu.memref_slice %arg6[%dma_wait3A_1498, %dma_wait3A_1499, %dma_wait3A_1500] : memref<6x16x1024xf32, #tpu.memory_space<vmem>> -> memref<1x16x1024xf32, #tpu.memory_space<vmem>>
    %dma_wait3A_1502 = tpu.memref_squeeze %dma_wait3A_1501 : memref<1x16x1024xf32, #tpu.memory_space<vmem>> -> memref<16x1024xf32, #tpu.memory_space<vmem>>
    %dma_wait3A_1503 = arith.constant 0 : i32
    %dma_wait3A_1504 = tpu.memref_slice %arg4[%add3A_1395, %dma_wait3A_1503] : memref<16384x1024xf32, #tpu.memory_space<hbm>> -> memref<16x1024xf32, #tpu.memory_space<hbm>>
    %dma_wait3A_1505 = arith.constant 0 : i32
    %dma_wait3A_1506 = tpu.memref_slice %arg4[%add3A_1395, %dma_wait3A_1505] : memref<16384x1024xf32, #tpu.memory_space<hbm>> -> memref<16x1024xf32, #tpu.memory_space<hbm>>
    %dma_wait3A_1507 = arith.constant 0 : i32
    %dma_wait3A_1508 = arith.constant 0 : i32
    %dma_wait3A_1509 = tpu.memref_slice %arg6[%dma_wait3A_1498, %dma_wait3A_1507, %dma_wait3A_1508] : memref<6x16x1024xf32, #tpu.memory_space<vmem>> -> memref<1x16x1024xf32, #tpu.memory_space<vmem>>
    %dma_wait3A_1510 = tpu.memref_squeeze %dma_wait3A_1509 : memref<1x16x1024xf32, #tpu.memory_space<vmem>> -> memref<16x1024xf32, #tpu.memory_space<vmem>>
    tpu.wait_dma2 semaphore(%arg18 : memref<!tpu.dma_semaphore, #tpu.memory_space<semaphore_mem>>) src(%dma_wait3A_1510 : memref<16x1024xf32, #tpu.memory_space<vmem>>) dst(%dma_wait3A_1506 : memref<16x1024xf32, #tpu.memory_space<hbm>>)
    %dma_wait3A_1511 = arith.constant 0 : i32
    %dma_wait3A_1512 = arith.constant 0 : i32
    %dma_wait3A_1513 = arith.constant 0 : i32
    %dma_wait3A_1514 = tpu.memref_slice %arg6[%dma_wait3A_1511, %dma_wait3A_1512, %dma_wait3A_1513] : memref<6x16x1024xf32, #tpu.memory_space<vmem>> -> memref<1x16x1024xf32, #tpu.memory_space<vmem>>
    %dma_wait3A_1515 = tpu.memref_squeeze %dma_wait3A_1514 : memref<1x16x1024xf32, #tpu.memory_space<vmem>> -> memref<16x1024xf32, #tpu.memory_space<vmem>>
    %dma_wait3A_1516 = arith.constant 0 : i32
    %dma_wait3A_1517 = tpu.memref_slice %arg4[%add3A_1420, %dma_wait3A_1516] : memref<16384x1024xf32, #tpu.memory_space<hbm>> -> memref<16x1024xf32, #tpu.memory_space<hbm>>
    %dma_wait3A_1518 = arith.constant 0 : i32
    %dma_wait3A_1519 = tpu.memref_slice %arg4[%add3A_1420, %dma_wait3A_1518] : memref<16384x1024xf32, #tpu.memory_space<hbm>> -> memref<16x1024xf32, #tpu.memory_space<hbm>>
    %dma_wait3A_1520 = arith.constant 0 : i32
    %dma_wait3A_1521 = arith.constant 0 : i32
    %dma_wait3A_1522 = tpu.memref_slice %arg6[%dma_wait3A_1511, %dma_wait3A_1520, %dma_wait3A_1521] : memref<6x16x1024xf32, #tpu.memory_space<vmem>> -> memref<1x16x1024xf32, #tpu.memory_space<vmem>>
    %dma_wait3A_1523 = tpu.memref_squeeze %dma_wait3A_1522 : memref<1x16x1024xf32, #tpu.memory_space<vmem>> -> memref<16x1024xf32, #tpu.memory_space<vmem>>
    tpu.wait_dma2 semaphore(%arg13 : memref<!tpu.dma_semaphore, #tpu.memory_space<semaphore_mem>>) src(%dma_wait3A_1523 : memref<16x1024xf32, #tpu.memory_space<vmem>>) dst(%dma_wait3A_1519 : memref<16x1024xf32, #tpu.memory_space<hbm>>)
    %dma_wait3A_1524 = arith.constant 1 : i32
    %dma_wait3A_1525 = arith.constant 0 : i32
    %dma_wait3A_1526 = arith.constant 0 : i32
    %dma_wait3A_1527 = tpu.memref_slice %arg6[%dma_wait3A_1524, %dma_wait3A_1525, %dma_wait3A_1526] : memref<6x16x1024xf32, #tpu.memory_space<vmem>> -> memref<1x16x1024xf32, #tpu.memory_space<vmem>>
    %dma_wait3A_1528 = tpu.memref_squeeze %dma_wait3A_1527 : memref<1x16x1024xf32, #tpu.memory_space<vmem>> -> memref<16x1024xf32, #tpu.memory_space<vmem>>
    %dma_wait3A_1529 = arith.constant 0 : i32
    %dma_wait3A_1530 = tpu.memref_slice %arg4[%add3A_1445, %dma_wait3A_1529] : memref<16384x1024xf32, #tpu.memory_space<hbm>> -> memref<16x1024xf32, #tpu.memory_space<hbm>>
    %dma_wait3A_1531 = arith.constant 0 : i32
    %dma_wait3A_1532 = tpu.memref_slice %arg4[%add3A_1445, %dma_wait3A_1531] : memref<16384x1024xf32, #tpu.memory_space<hbm>> -> memref<16x1024xf32, #tpu.memory_space<hbm>>
    %dma_wait3A_1533 = arith.constant 0 : i32
    %dma_wait3A_1534 = arith.constant 0 : i32
    %dma_wait3A_1535 = tpu.memref_slice %arg6[%dma_wait3A_1524, %dma_wait3A_1533, %dma_wait3A_1534] : memref<6x16x1024xf32, #tpu.memory_space<vmem>> -> memref<1x16x1024xf32, #tpu.memory_space<vmem>>
    %dma_wait3A_1536 = tpu.memref_squeeze %dma_wait3A_1535 : memref<1x16x1024xf32, #tpu.memory_space<vmem>> -> memref<16x1024xf32, #tpu.memory_space<vmem>>
    tpu.wait_dma2 semaphore(%arg14 : memref<!tpu.dma_semaphore, #tpu.memory_space<semaphore_mem>>) src(%dma_wait3A_1536 : memref<16x1024xf32, #tpu.memory_space<vmem>>) dst(%dma_wait3A_1532 : memref<16x1024xf32, #tpu.memory_space<hbm>>)
    return
  }
}

</mosaic_0001>

<sc_bundles>
// kernel: kernel.3.cloned.1.call-start
scs
__scs_entry_jumppad:
0x0: {  	(pc) =	sbr.rel $0x88, $3  }
0x1: {  	(tag) =	ssettag $0x0;
	lr =	simm.s32 $0x1  }
0x2: {  	[smem:$0x3F9F] =	sst lr;
	_ =	strace $0xD0000000  }
0x3: {  	_ = 	snop  }
0x4: {  	_ = 	snop  }
0x5: {  	_ = 	snop  }
0x6: {  	_ = 	snop  }
0x7: {  	_ = 	snop  }
__scs_overlays_trampoline_lowered:
0x8: {  	[smem:$0x3FAE] =	sst s0  }
0x9: {  	[smem:$0x3FAF] =	sst s1  }
0xa: {  	[smem:$0x3FB0] =	sst s2  }
0xb: {  	[smem:$0x3FB1] =	sst s3  }
0xc: {  	[smem:$0x3FB2] =	sst s4  }
0xd: {  	[smem:$0x3FB3] =	sst s5  }
0xe: {  	[smem:$0x3FB4] =	sst s6  }
0xf: {  	[smem:$0x3FB5] =	sst s7  }
0x10: {  	[smem:$0x3FB6] =	sst s8  }
0x11: {  	[smem:$0x3FB7] =	sst s9;
	s0 =	simm.s32 @!p0 $0x0  }
0x12: {  	s1 =	sld [smem:$0x3F9D];
	s0 =	simm.s32 @p0 $0x1  }
0x13: {  	[smem:$0x3FB8] =	sst s0;
	s0 =	simm.s32 @!p1 $0x0  }
0x14: {  	s2 =	sld [smem:$0x3F9C];
	s0 =	simm.s32 @p1 $0x1  }
0x15: {  	[smem:$0x3FB9] =	sst s0;
	s0 =	simm.s32 @!p2 $0x0  }
0x16: {  	s3 =	sld [smem:$0x3FDB];
	s0 =	simm.s32 @p2 $0x1  }
0x17: {  	s4 =	simm.s32 $0x1BF5;
	[smem:$0x3FBB] =	sst s0  }
0x18: {  	s0 =	sld [smem:$0x3F9E];
	_ =	swait.ge [sflag:s4], $0x0  }
0x19: {  	s7 =	sld [smem:$0x3F9F]  }
0x1a: {  	s8 =	sadd.s32 $0xFFFFE003, lr  }
0x1b: {  	s9 =	sadd.s32 $0xFFFFFEF7, lr;
	s5 =	simm.s32 $0xFFFFFFFF;
	p2 =	slt.u32 s8, $0xFFFFF086  }
0x1c: {  	p1 =	slt.u32 s9, $0xF7A;
	s5 =	simm.s32 @!p2 $0x0  }
0x1d: {  	s5 =	simm.s32 @p1 $0x1;
	p0 =	seq.s32 s7, s2  }
0x1e: {  	s7 =	smul.u32 @!p0 $0xF7A, s2;
	p2 =	seq.s32 @!p0 s5, $0x0  }
0x1f: {  	s9 =	smul.u32 $0xF7A, s1;
	s8 =	simm.s32 @!p0 $0x1BF5;
	p2 =	por !p2, p0  }
0x20: {  	[sflag:s8] =	ssyncset.s32 @!p0 $0xFFFFF086;
	s6 =	sadd.s32 @!p0 s3, s7;
	s7 =	simm.s32 @!p0 $0x108  }
0x21: {  	s3 =	sadd.s32 s3, s9;
	s6 =	sadd.s32 @!p0 $0x88, s6;
	s7 =	simm.s32 @p2 $0x1082  }
0x22: {  	[simem:s7], [sflag:s8] =	dma.local @!p0 [hbm:s6], $0xF7A  }
0x23: {  	s9 =	sor.u32 $0xD0000000, s2;
	s6 =	simm.s32 $0x108;
	_ =	swait.ge @!p0 [sflag:s8], $0x0  }
0x24: {  	s3 =	sadd.s32 $0x88, s3;
	s6 =	simm.s32 @!p1 $0x1082;
	[sflag:s4] =	ssyncset.s32 $0xFFFFF086  }
0x25: {  	[simem:s6], [sflag:s4] =	dma.local [hbm:s3], $0xF7A  }
0x26: {  	[smem:$0x3F9F] =	sst s1;
	(tag) =	ssettag s2;
	_ =	strace s9  }
0x27: {  	s1 =	sld [smem:$0x3FAF]  }
0x28: {  	s2 =	sld [smem:$0x3FB0]  }
0x29: {  	s4 =	sld [smem:$0x3FB2]  }
0x2a: {  	p0 =	seq.s32 s5, $0x0;
	s5 =	sld [smem:$0x3FB3]  }
0x2b: {  	s6 =	sld [smem:$0x3FB4]  }
0x2c: {  	s7 =	sld [smem:$0x3FB5]  }
0x2d: {  	s3 =	simm.s32 $0x108;
	s8 =	sld [smem:$0x3FB6]  }
0x2e: {  	s3 =	simm.s32 @!p0 $0x1082;
	s9 =	sld [smem:$0x3FB7]  }
0x2f: {  	lr =	sadd.s32 s0, s3;
	s0 =	sld [smem:$0x3FAE]  }
0x30: {  	s3 =	sld [smem:$0x3FB1]  }
0x31: {  	[smem:$0x3FBA] =	sst s10  }
0x32: {  	s10 =	sld [smem:$0x3FB8];
	_ =	sdelay $0x3  }
0x33: {  	p0 =	seq.s32 s10, $0x1;
	s10 =	sld [smem:$0x3FBA];
	_ =	sdelay $0x3  }
0x34: {  	[smem:$0x3FBA] =	sst s10  }
0x35: {  	s10 =	sld [smem:$0x3FB9];
	_ =	sdelay $0x3  }
0x36: {  	p1 =	seq.s32 s10, $0x1;
	s10 =	sld [smem:$0x3FBA];
	_ =	sdelay $0x3  }
0x37: {  	[smem:$0x3FBA] =	sst s10  }
0x38: {  	s10 =	sld [smem:$0x3FBB]  }
0x39: {  	_ = 	snop;
	(pc) =	sbr.ind lr, $3  }
0x3a: {  	_ = 	snop  }
0x3b: {  	_ = 	snop  }
0x3c: {  	p2 =	seq.s32 s10, $0x1;
	s10 =	sld [smem:$0x3FBA]  }
0x3d: {  	_ =	shalt  }
0x3e: {  	_ =	shalt  }
0x3f: {  	_ =	shalt  }
0x40: {  	_ =	shalt  }
0x41: {  	_ =	shalt  }
0x42: {  	_ =	shalt  }
0x43: {  	_ =	shalt  }
0x44: {  	_ =	shalt  }
0x45: {  	_ =	shalt  }
0x46: {  	_ =	shalt  }
0x47: {  	_ =	shalt  }
0x48: {  	_ =	shalt  }
0x49: {  	_ =	shalt  }
0x4a: {  	_ =	shalt  }
0x4b: {  	_ =	shalt  }
0x4c: {  	_ =	shalt  }
0x4d: {  	_ =	shalt  }
0x4e: {  	_ =	shalt  }
0x4f: {  	_ =	shalt  }
0x50: {  	_ =	shalt  }
0x51: {  	_ =	shalt  }
0x52: {  	_ =	shalt  }
0x53: {  	_ =	shalt  }
0x54: {  	_ =	shalt  }
0x55: {  	_ =	shalt  }
0x56: {  	_ =	shalt  }
0x57: {  	_ =	shalt  }
0x58: {  	_ =	shalt  }
0x59: {  	_ =	shalt  }
0x5a: {  	_ =	shalt  }
0x5b: {  	_ =	shalt  }
0x5c: {  	_ =	shalt  }
0x5d: {  	_ =	shalt  }
0x5e: {  	_ =	shalt  }
0x5f: {  	_ =	shalt  }
0x60: {  	_ =	shalt  }
0x61: {  	_ =	shalt  }
0x62: {  	_ =	shalt  }
0x63: {  	_ =	shalt  }
0x64: {  	_ =	shalt  }
0x65: {  	_ =	shalt  }
0x66: {  	_ =	shalt  }
0x67: {  	_ =	shalt  }
0x68: {  	_ =	shalt  }
0x69: {  	_ =	shalt  }
0x6a: {  	_ =	shalt  }
0x6b: {  	_ =	shalt  }
0x6c: {  	_ =	shalt  }
0x6d: {  	_ =	shalt  }
0x6e: {  	_ =	shalt  }
0x6f: {  	_ =	shalt  }
0x70: {  	_ =	shalt  }
0x71: {  	_ =	shalt  }
0x72: {  	_ =	shalt  }
0x73: {  	_ =	shalt  }
0x74: {  	_ =	shalt  }
0x75: {  	_ =	shalt  }
0x76: {  	_ =	shalt  }
0x77: {  	_ =	shalt  }
0x78: {  	_ =	shalt  }
0x79: {  	_ =	shalt  }
0x7a: {  	_ =	shalt  }
0x7b: {  	_ =	shalt  }
0x7c: {  	_ =	shalt  }
0x7d: {  	_ =	shalt  }
0x7e: {  	_ =	shalt  }
0x7f: {  	_ =	shalt  }
0x80: {  	_ =	shalt  }
0x81: {  	_ =	shalt  }
0x82: {  	_ =	shalt  }
0x83: {  	_ =	shalt  }
0x84: {  	_ =	shalt  }
0x85: {  	_ =	shalt  }
0x86: {  	_ =	shalt  }
0x87: {  	_ =	shalt  }
.Lfunc_end0:
.L_simem_size_0:
called_computation_lowered:
.L_overlay_start_0:
0x88: {  	s2 =	sld [smem:$0x3FD9]  }
0x89: {  	s3 =	sld [smem:$0x3FFE];
	_ =	sdelay $0x1  }
0x8a: {  	s1 =	srdreg.scid  }
0x8b: {  	s0 =	sand.u32 $0x1, s1  }
0x8c: {  	s17 =	sshll.u32 s0, $0xA;
	s2 =	sadd.s32 s3, s2  }
0x8d: {  	s2 =	sadd.s32 s2, s17  }
0x8e: {  	[smem:$0x3FC6] =	sst s2  }
0x8f: {  	_ = 	snop  }
0x90: {  	s2 =	sld [smem:$0x3FC8]  }
0x91: {  	s18 =	sld [smem:$0x3FD0];
	(tm) =	ssettm $0x1  }
0x92: {  	s4 =	sld [smem:$0x3FFB];
	_ =	sdelay $0x3  }
0x93: {  	_ =	strace s4  }
0x94: {  	s4 =	sld [smem:$0x3FFC];
	_ =	sdelay $0x3  }
0x95: {  	_ =	strace s4  }
0x96: {  	s4 =	sld [smem:$0x3FFD];
	_ =	sdelay $0x3  }
0x97: {  	_ =	strace s4  }
0x98: {  	_ =	strace $0x8FFFFFFF  }
0x99: {  	s19 =	sld [smem:$0x3FDB];
	_ =	sdelay $0x1  }
0x9a: {  	s5 =	simm.s32 $_scs_section_size  }
0x9b: {  	s6 =	simm.s32 $_size__tile_overlayer_lowered;
	s7 =	simm.s32 $_tile_overlayer_lowered  }
0x9c: {  	s22 =	simm.s32 $0x1BFF;
	s21 =	sshll.u32 s7, $0x1;
	s4 =	sadd.s32 s5, s19  }
0x9d: {  	s8 =	simm.s32 $0x0;
	s20 =	sshll.u32 s6, $0x1;
	s6 =	sadd.s32 s21, s4  }
0x9e: {  	[timem:s8], [sflag:s22] =	dma.local [hbm:s6], s20  }
0x9f: {  	_ =	swait.ge [sflag:s22], s20  }
0xa0: {  	s5 =	ssub.s32 $0x0, s20;
	[sflag:s22] =	ssyncset.done $0x0  }
0xa1: {  	[sflag:s22] =	ssyncadd.s32 s5;
	_ =	sdelay $0x1  }
0xa2: {  	s23 =	simm.s32 $0x1B8B  }
0xa3: {  	_ =	swait.ge [sflag:s23], $0x1  }
0xa4: {  	[sflag:s23] =	ssyncset.done $0x0  }
0xa5: {  	s25 =	simm.s32 $0x1B8E;
	s24 =	sld [smem:$0x3FFE];
	[sflag:s23] =	ssyncadd.s32 $0xFFFFFFFF  }
0xa6: {  	s26 =	simm.s32 $execute0_lowered;
	[smem:$0x3FD2] =	sst s25  }
0xa7: {  	s6 =	sshll.u32 s26, $0x1;
	_ =	strace $0x80000046;
	[dreg:$0x1] =	wrdreg $0xFFFFFFFF  }
0xa8: {  	s28 =	simm.s32 $_size_execute0_lowered;
	s4 =	sadd.s32 s4, s6;
	[dreg:$0x0] =	wrdreg $0x0  }
0xa9: {  	s6 =	sshll.u32 s28, $0x1;
	[dreg:$0x2] =	wrdreg s4  }
0xaa: {  	[dreg:$0x3] =	wrdreg s6  }
0xab: {  	[dreg:$0x4] =	wrdreg $0xC0  }
0xac: {  	_ =	task [dreg:s8], $0x5FFFF  }
0xad: {  	[dreg:$0x1] =	wrdreg $0xFFFFFFFF  }
0xae: {  	[dreg:$0x0] =	wrdreg $0x60  }
0xaf: {  	[dreg:$0x2] =	wrdreg s24  }
0xb0: {  	[dreg:$0x3] =	wrdreg s2  }
0xb1: {  	[dreg:$0x4] =	wrdreg s18  }
0xb2: {  	[dreg:$0x5] =	wrdreg $0x9  }
0xb3: {  	_ =	task.clear_ibuf [dreg:s8], $0x6FFFF;
	_ =	strace $0x90000046  }
0xb4: {  	s29 =	simm.s32 $0x9;
	_ =	strace $0x80000048  }
0xb5: {  	_ =	swait.ge [sflag:s29], $0x1  }
0xb6: {  	[sflag:s29] =	ssyncadd.s32 $0xFFFFFFFF  }
0xb7: {  	_ =	strace $0x90000048  }
0xb8: {  	_ =	sfence  }
0xb9: {  	s30 =	sld [smem:$0x0];
	_ =	sdelay $0x2  }
0xba: {  	s31 =	sshll.u32 s1, $0xD;
	s1 =	sshrl.u32 s1, $0x2  }
0xbb: {  	s3 =	sand.u32 $0x4000, s31;
	s1 =	sadd.s32 s1, s30  }
0xbc: {  	s0 =	sor.u32 s3, s0;
	s1 =	sshll.u32 s1, $0x11  }
0xbd: {  	s0 =	sor.u32 s1, s0  }
0xbe: {  	s0 =	sadd.s32 $0x8F2B, s0  }
0xbf: {  	[sflag:s0] =	ssyncadd.remote.s32 $0x1  }
0xc0: {  	_ =	sfence.sel $0xFFFF  }
0xc1: {  	[dreg:$0x0] =	wrdreg $0xFFFFFFFF;
	(pc) =	sbr.abs _section_cstart, $3  }
0xc2: {  	[dreg:$0x1] =	wrdreg $0xFFFFFFFF  }
0xc3: {  	_ =	task.clear_ibuf [dreg:s8], $0x2FFFF;
	_ =	strace $0x9FFFFFFF  }
0xc4: {  	(tm) =	ssettm $0x7FFFFFFF  }
0xc5: {  	_ =	shalt  }
tec
execute0_lowered:
.L_overlay_start_1:
0x0: {  	(tag) =	ssettag $0x1  }
0x1: {  	s0 =	srdreg.scid  }
0x2: {  	s1 =	rddreg [dreg:$0x0];
	s3 =	stileid.u32;
	s0 =	sand.u32 $0x1, s0  }
0x3: {  	s2 =	rddreg [dreg:$0x1];
	s3 =	sshll.u32 s3, $0xA;
	s4 =	sshll.u32 s0, $0x9  }
0x4: {  	s5 =	rddreg [dreg:$0x2];
	s4 =	sor.u32 s4, s3  }
0x5: {  	s3 =	simm.s32 $0x0;
	s6 =	sshrl.u32 s4, $0x3;
	s4 =	sshll.u32 s4, $0x7  }
0x6: {  	[smem:$0x7FF] =	sst s3;
	s1 =	sadd.s32 s6, s1;
	s8 =	sadd.s32 s5, s4  }
0x7: {  	_ =	strace $0x80000047;
	s1 =	sadd.s32 $0x400, s1;
	[smem:$0x7FC] =	sst s8  }
0x8: {  	s23 =	sadd.s32 $0x800, s8;
	[dreg:$0x4] =	wrdreg s1  }
0x9: {  	s24 =	sadd.s32 $0x1000, s8;
	[dreg:$0x5] =	wrdreg s23  }
0xa: {  	s25 =	sadd.s32 $0x1800, s8;
	[dreg:$0x6] =	wrdreg s24  }
0xb: {  	s26 =	sadd.s32 $0x2000, s8;
	[dreg:$0x7] =	wrdreg s25  }
0xc: {  	s28 =	sadd.s32 $0x2800, s8;
	[dreg:$0x8] =	wrdreg s26  }
0xd: {  	s30 =	sadd.s32 $0x3000, s8;
	[dreg:$0x9] =	wrdreg s28  }
0xe: {  	s31 =	sadd.s32 $0x3800, s8;
	[dreg:$0xa] =	wrdreg s30  }
0xf: {  	s4 =	sadd.s32 $0x4000, s8;
	[dreg:$0xb] =	wrdreg s31  }
0x10: {  	s5 =	sadd.s32 $0x4800, s8;
	[dreg:$0xc] =	wrdreg s4  }
0x11: {  	s6 =	sadd.s32 $0x5000, s8;
	[dreg:$0xd] =	wrdreg s5  }
0x12: {  	s7 =	sadd.s32 $0x5800, s8;
	[dreg:$0xe] =	wrdreg s6  }
0x13: {  	s9 =	sadd.s32 $0x6000, s8;
	[dreg:$0xf] =	wrdreg s7  }
0x14: {  	s10 =	sadd.s32 $0x6800, s8;
	[dreg:$0x10] =	wrdreg s9  }
0x15: {  	s11 =	sadd.s32 $0x7000, s8;
	[dreg:$0x11] =	wrdreg s10  }
0x16: {  	s12 =	sadd.s32 $0x7800, s8;
	[dreg:$0x12] =	wrdreg s11  }
0x17: {  	s13 =	sadd.s32 $0x8000, s8;
	[dreg:$0x13] =	wrdreg s12  }
0x18: {  	s14 =	sadd.s32 $0x8800, s8;
	[dreg:$0x14] =	wrdreg s13  }
0x19: {  	s15 =	sadd.s32 $0x9000, s8;
	[dreg:$0x15] =	wrdreg s14  }
0x1a: {  	s16 =	sadd.s32 $0x9800, s8;
	[dreg:$0x16] =	wrdreg s15  }
0x1b: {  	s17 =	sadd.s32 $0xA000, s8;
	[dreg:$0x17] =	wrdreg s16  }
0x1c: {  	s18 =	sadd.s32 $0xA800, s8;
	[dreg:$0x18] =	wrdreg s17  }
0x1d: {  	s19 =	sadd.s32 $0xB000, s8;
	[dreg:$0x19] =	wrdreg s18  }
0x1e: {  	s20 =	sadd.s32 $0xB800, s8;
	[dreg:$0x1a] =	wrdreg s19  }
0x1f: {  	s29 =	simm.s32 $0x7;
	s21 =	sadd.s32 $0xC000, s8;
	[dreg:$0x1b] =	wrdreg s20  }
0x20: {  	s0 =	ssub.s32 $0x2, s0;
	s22 =	sadd.s32 $0xC800, s8;
	[dreg:$0x1c] =	wrdreg s21  }
0x21: {  	[dreg:$0x1d] =	wrdreg s22;
	s23 =	sadd.s32 $0xD000, s8;
	s24 =	sshrl.u32 s0, $0x1  }
0x22: {  	s25 =	sadd.s32 $0xD800, s8;
	s26 =	sadd.s32 $0xE000, s8;
	s5 =	sadd.s32 $0x100, s2  }
0x23: {  	s28 =	sadd.s32 $0xE800, s8;
	s6 =	sadd.s32 $0x200, s2;
	s30 =	sadd.s32 $0xF000, s8  }
0x24: {  	s7 =	sadd.s32 $0x300, s2;
	s31 =	sadd.s32 $0xF800, s8;
	[dreg:$0x1e] =	wrdreg s23  }
0x25: {  	s9 =	simm.s32 $0x2;
	s1 =	simm.s32 $0x8;
	[dreg:$0x1f] =	wrdreg s25  }
0x26: {  	s11 =	simm.s32 $0x4;
	s12 =	simm.s32 $0x9;
	[smem:$0x7F9] =	sst s26  }
0x27: {  	s13 =	simm.s32 $0x5;
	s14 =	simm.s32 $0xA;
	[smem:$0x7FA] =	sst s28  }
0x28: {  	v2 =	vlaneseq.u32;
	s15 =	simm.s32 $0x6;
	s16 =	simm.s32 $0xB;
	[smem:$0x7FB] =	sst s30  }
0x29: {  	vm0 =	vmmov $0xffff;
	v1 =	vshrl.u32 v2, $0x3;
	s17 =	simm.s32 $0xC;
	s0 =	ssub.s32 s0, s24;
	[smem:$0x7FD] =	sst s31  }
0x2a: {  	v0 =	vand.u32 $0x7, v2;
	v2 =	vor.u32 $0x8, v2;
	v1 =	vmul.u32 $0x8, v1;
	s26 =	simm.s32 $0x3;
	s4 =	smax.u32 s0, $0x1;
	s0 =	simm.s32 $0x1  }
.LBB2_1:
0x2b: {  	[smem:$0x7F8] =	sst s4  }
0x2c: {  	s19 =	rddreg [dreg:$0x4];
	s28 =	simm.s32 $0xD  }
0x2d: {  	[tilespmem:s3], [sflag:$0xD] =	stream.linear.gather [hbm4b:s19+s3], $0x200, $0x38;
	[tilespmem:$0x18200] =	vst v63  }
0x2e: {  	_ =	swait.ge [sflag:s28], $0x200  }
0x2f: {  	[sflag:s28] =	ssyncset.done $0x0  }
0x30: {  	[sflag:s28] =	ssyncadd.s32 $0xFFFFFE00  }
0x31: {  	v3 =	vld [tilespmem:$0x0];
	_ =	sdelay $0x4  }
0x32: {  	v4 =	vshll.u32 v3, $0x3  }
0x33: {  	v3 =	vand.u32 $0x7, v3;
	v4 =	vand.u32 $0xFFFFFFC0, v4  }
0x34: {  	v3 =	vor.u32 v3, v4  }
0x35: {  	v4 =	vperm.xlane v3, v0;
	_ =	sdelay $0x1  }
0x36: {  	v4 =	vadd.s32 v1, v4;
	_ =	sdelay $0x3  }
0x37: {  	s30 =	simm.s32 $0x200  }
0x38: {  	[tilespmem:s30], [sflag:$0x1] =	stream.indirect_vreg.gather [hbm4b:s2+s3], $0x80, v4, vm0, $0xb8;
	[tilespmem:$0x18200] =	vst v63  }
0x39: {  	s31 =	simm.s32 $0xA00;
	v3 =	vperm.xlane v3, v2  }
0x3a: {  	[tilespmem:s31], [sflag:$0x1] =	stream.indirect_vreg.gather [hbm4b:s5+s3], $0x80, v4, vm0, $0xb8;
	[tilespmem:$0x18200] =	vst v63  }
0x3b: {  	s8 =	simm.s32 $0x1200;
	v3 =	vadd.s32 v1, v3  }
0x3c: {  	[tilespmem:s8], [sflag:$0x1] =	stream.indirect_vreg.gather [hbm4b:s6+s3], $0x80, v4, vm0, $0xb8;
	[tilespmem:$0x18200] =	vst v63  }
0x3d: {  	s10 =	simm.s32 $0x1A00  }
0x3e: {  	[tilespmem:s10], [sflag:$0x1] =	stream.indirect_vreg.gather [hbm4b:s7+s3], $0x80, v4, vm0, $0xb8;
	[tilespmem:$0x18200] =	vst v63  }
0x3f: {  	s18 =	simm.s32 $0x2200  }
0x40: {  	[tilespmem:s18], [sflag:$0x1] =	stream.indirect_vreg.gather [hbm4b:s2+s3], $0x80, v3, vm0, $0xb8;
	[tilespmem:$0x18200] =	vst v63  }
0x41: {  	s19 =	simm.s32 $0x2A00  }
0x42: {  	[tilespmem:s19], [sflag:$0x1] =	stream.indirect_vreg.gather [hbm4b:s5+s3], $0x80, v3, vm0, $0xb8;
	[tilespmem:$0x18200] =	vst v63  }
0x43: {  	s20 =	simm.s32 $0x3200  }
0x44: {  	[tilespmem:s20], [sflag:$0x1] =	stream.indirect_vreg.gather [hbm4b:s6+s3], $0x80, v3, vm0, $0xb8;
	[tilespmem:$0x18200] =	vst v63  }
0x45: {  	s21 =	simm.s32 $0x3A00  }
0x46: {  	[tilespmem:s21], [sflag:$0x1] =	stream.indirect_vreg.gather [hbm4b:s7+s3], $0x80, v3, vm0, $0xb8;
	[tilespmem:$0x18200] =	vst v63  }
0x47: {  	v3 =	vld [tilespmem:$0x10];
	_ =	sdelay $0x4  }
0x48: {  	v33 =	vshll.u32 v3, $0x3  }
0x49: {  	v3 =	vand.u32 $0x7, v3;
	v4 =	vand.u32 $0xFFFFFFC0, v33  }
0x4a: {  	v3 =	vor.u32 v3, v4  }
0x4b: {  	v4 =	vperm.xlane v3, v0;
	_ =	sdelay $0x1  }
0x4c: {  	v4 =	vadd.s32 v1, v4;
	_ =	sdelay $0x3  }
0x4d: {  	s28 =	simm.s32 $0x4200  }
0x4e: {  	[tilespmem:s28], [sflag:$0x2] =	stream.indirect_vreg.gather [hbm4b:s2+s3], $0x80, v4, vm0, $0xb8;
	[tilespmem:$0x18200] =	vst v63  }
0x4f: {  	s30 =	simm.s32 $0x4A00;
	v3 =	vperm.xlane v3, v2  }
0x50: {  	[tilespmem:s30], [sflag:$0x2] =	stream.indirect_vreg.gather [hbm4b:s5+s3], $0x80, v4, vm0, $0xb8;
	[tilespmem:$0x18200] =	vst v63  }
0x51: {  	s31 =	simm.s32 $0x5200;
	v3 =	vadd.s32 v1, v3  }
0x52: {  	[tilespmem:s31], [sflag:$0x2] =	stream.indirect_vreg.gather [hbm4b:s6+s3], $0x80, v4, vm0, $0xb8;
	[tilespmem:$0x18200] =	vst v63  }
0x53: {  	s4 =	simm.s32 $0x5A00  }
0x54: {  	[tilespmem:s4], [sflag:$0x2] =	stream.indirect_vreg.gather [hbm4b:s7+s3], $0x80, v4, vm0, $0xb8;
	[tilespmem:$0x18200] =	vst v63  }
0x55: {  	s10 =	simm.s32 $0x6200  }
0x56: {  	[tilespmem:s10], [sflag:$0x2] =	stream.indirect_vreg.gather [hbm4b:s2+s3], $0x80, v3, vm0, $0xb8;
	[tilespmem:$0x18200] =	vst v63  }
0x57: {  	s18 =	simm.s32 $0x6A00  }
0x58: {  	[tilespmem:s18], [sflag:$0x2] =	stream.indirect_vreg.gather [hbm4b:s5+s3], $0x80, v3, vm0, $0xb8;
	[tilespmem:$0x18200] =	vst v63  }
0x59: {  	s20 =	simm.s32 $0x7200  }
0x5a: {  	[tilespmem:s20], [sflag:$0x2] =	stream.indirect_vreg.gather [hbm4b:s6+s3], $0x80, v3, vm0, $0xb8;
	[tilespmem:$0x18200] =	vst v63  }
0x5b: {  	s28 =	simm.s32 $0x7A00  }
0x5c: {  	[tilespmem:s28], [sflag:$0x2] =	stream.indirect_vreg.gather [hbm4b:s7+s3], $0x80, v3, vm0, $0xb8;
	[tilespmem:$0x18200] =	vst v63  }
0x5d: {  	v3 =	vld [tilespmem:$0x20];
	_ =	sdelay $0x4  }
0x5e: {  	v34 =	vshll.u32 v3, $0x3  }
0x5f: {  	v3 =	vand.u32 $0x7, v3;
	v4 =	vand.u32 $0xFFFFFFC0, v34  }
0x60: {  	v3 =	vor.u32 v3, v4  }
0x61: {  	v4 =	vperm.xlane v3, v0;
	_ =	sdelay $0x1  }
0x62: {  	v4 =	vadd.s32 v1, v4;
	_ =	sdelay $0x3  }
0x63: {  	s10 =	simm.s32 $0x8200  }
0x64: {  	[tilespmem:s10], [sflag:$0x3] =	stream.indirect_vreg.gather [hbm4b:s2+s3], $0x80, v4, vm0, $0xb8;
	[tilespmem:$0x18200] =	vst v63  }
0x65: {  	s30 =	simm.s32 $0x8A00;
	v3 =	vperm.xlane v3, v2  }
0x66: {  	[tilespmem:s30], [sflag:$0x3] =	stream.indirect_vreg.gather [hbm4b:s5+s3], $0x80, v4, vm0, $0xb8;
	[tilespmem:$0x18200] =	vst v63  }
0x67: {  	s31 =	simm.s32 $0x9200;
	v3 =	vadd.s32 v1, v3  }
0x68: {  	[tilespmem:s31], [sflag:$0x3] =	stream.indirect_vreg.gather [hbm4b:s6+s3], $0x80, v4, vm0, $0xb8;
	[tilespmem:$0x18200] =	vst v63  }
0x69: {  	s10 =	simm.s32 $0x9A00  }
0x6a: {  	[tilespmem:s10], [sflag:$0x3] =	stream.indirect_vreg.gather [hbm4b:s7+s3], $0x80, v4, vm0, $0xb8;
	[tilespmem:$0x18200] =	vst v63  }
0x6b: {  	s19 =	simm.s32 $0xA200  }
0x6c: {  	[tilespmem:s19], [sflag:$0x3] =	stream.indirect_vreg.gather [hbm4b:s2+s3], $0x80, v3, vm0, $0xb8;
	[tilespmem:$0x18200] =	vst v63  }
0x6d: {  	s20 =	simm.s32 $0xAA00  }
0x6e: {  	[tilespmem:s20], [sflag:$0x3] =	stream.indirect_vreg.gather [hbm4b:s5+s3], $0x80, v3, vm0, $0xb8;
	[tilespmem:$0x18200] =	vst v63  }
0x6f: {  	s28 =	simm.s32 $0xB200  }
0x70: {  	[tilespmem:s28], [sflag:$0x3] =	stream.indirect_vreg.gather [hbm4b:s6+s3], $0x80, v3, vm0, $0xb8;
	[tilespmem:$0x18200] =	vst v63  }
0x71: {  	s10 =	simm.s32 $0xBA00  }
0x72: {  	[tilespmem:s10], [sflag:$0x3] =	stream.indirect_vreg.gather [hbm4b:s7+s3], $0x80, v3, vm0, $0xb8;
	[tilespmem:$0x18200] =	vst v63  }
0x73: {  	v3 =	vld [tilespmem:$0x30];
	_ =	sdelay $0x4  }
0x74: {  	v35 =	vshll.u32 v3, $0x3  }
0x75: {  	v3 =	vand.u32 $0x7, v3;
	v4 =	vand.u32 $0xFFFFFFC0, v35  }
0x76: {  	v3 =	vor.u32 v3, v4  }
0x77: {  	v4 =	vperm.xlane v3, v0;
	_ =	sdelay $0x1  }
0x78: {  	v4 =	vadd.s32 v1, v4;
	_ =	sdelay $0x3  }
0x79: {  	s19 =	simm.s32 $0xC200  }
0x7a: {  	[tilespmem:s19], [sflag:$0x4] =	stream.indirect_vreg.gather [hbm4b:s2+s3], $0x80, v4, vm0, $0xb8;
	[tilespmem:$0x18200] =	vst v63  }
0x7b: {  	s20 =	simm.s32 $0xCA00;
	v3 =	vperm.xlane v3, v2  }
0x7c: {  	[tilespmem:s20], [sflag:$0x4] =	stream.indirect_vreg.gather [hbm4b:s5+s3], $0x80, v4, vm0, $0xb8;
	[tilespmem:$0x18200] =	vst v63  }
0x7d: {  	s4 =	simm.s32 $0xD200;
	v3 =	vadd.s32 v1, v3  }
0x7e: {  	[tilespmem:s4], [sflag:$0x4] =	stream.indirect_vreg.gather [hbm4b:s6+s3], $0x80, v4, vm0, $0xb8;
	[tilespmem:$0x18200] =	vst v63  }
0x7f: {  	s19 =	simm.s32 $0xDA00  }
0x80: {  	[tilespmem:s19], [sflag:$0x4] =	stream.indirect_vreg.gather [hbm4b:s7+s3], $0x80, v4, vm0, $0xb8;
	[tilespmem:$0x18200] =	vst v63  }
0x81: {  	s20 =	simm.s32 $0xE200  }
0x82: {  	[tilespmem:s20], [sflag:$0x4] =	stream.indirect_vreg.gather [hbm4b:s2+s3], $0x80, v3, vm0, $0xb8;
	[tilespmem:$0x18200] =	vst v63  }
0x83: {  	s4 =	simm.s32 $0xEA00  }
0x84: {  	[tilespmem:s4], [sflag:$0x4] =	stream.indirect_vreg.gather [hbm4b:s5+s3], $0x80, v3, vm0, $0xb8;
	[tilespmem:$0x18200] =	vst v63  }
0x85: {  	s19 =	simm.s32 $0xF200  }
0x86: {  	[tilespmem:s19], [sflag:$0x4] =	stream.indirect_vreg.gather [hbm4b:s6+s3], $0x80, v3, vm0, $0xb8;
	[tilespmem:$0x18200] =	vst v63  }
0x87: {  	s20 =	simm.s32 $0xFA00  }
0x88: {  	[tilespmem:s20], [sflag:$0x4] =	stream.indirect_vreg.gather [hbm4b:s7+s3], $0x80, v3, vm0, $0xb8;
	[tilespmem:$0x18200] =	vst v63  }
0x89: {  	v3 =	vld [tilespmem:$0x40];
	_ =	sdelay $0x4  }
0x8a: {  	v36 =	vshll.u32 v3, $0x3  }
0x8b: {  	v3 =	vand.u32 $0x7, v3;
	v4 =	vand.u32 $0xFFFFFFC0, v36  }
0x8c: {  	v3 =	vor.u32 v3, v4  }
0x8d: {  	v4 =	vperm.xlane v3, v0;
	_ =	sdelay $0x1  }
0x8e: {  	v4 =	vadd.s32 v1, v4;
	_ =	sdelay $0x3  }
0x8f: {  	s4 =	simm.s32 $0x10200  }
0x90: {  	[tilespmem:s4], [sflag:$0x5] =	stream.indirect_vreg.gather [hbm4b:s2+s3], $0x80, v4, vm0, $0xb8;
	[tilespmem:$0x18200] =	vst v63  }
0x91: {  	s19 =	simm.s32 $0x10A00;
	v3 =	vperm.xlane v3, v2  }
0x92: {  	[tilespmem:s19], [sflag:$0x5] =	stream.indirect_vreg.gather [hbm4b:s5+s3], $0x80, v4, vm0, $0xb8;
	[tilespmem:$0x18200] =	vst v63  }
0x93: {  	s20 =	simm.s32 $0x11200;
	v3 =	vadd.s32 v1, v3  }
0x94: {  	[tilespmem:s20], [sflag:$0x5] =	stream.indirect_vreg.gather [hbm4b:s6+s3], $0x80, v4, vm0, $0xb8;
	[tilespmem:$0x18200] =	vst v63  }
0x95: {  	s4 =	simm.s32 $0x11A00  }
0x96: {  	[tilespmem:s4], [sflag:$0x5] =	stream.indirect_vreg.gather [hbm4b:s7+s3], $0x80, v4, vm0, $0xb8;
	[tilespmem:$0x18200] =	vst v63  }
0x97: {  	s19 =	simm.s32 $0x12200  }
0x98: {  	[tilespmem:s19], [sflag:$0x5] =	stream.indirect_vreg.gather [hbm4b:s2+s3], $0x80, v3, vm0, $0xb8;
	[tilespmem:$0x18200] =	vst v63  }
0x99: {  	s20 =	simm.s32 $0x12A00  }
0x9a: {  	[tilespmem:s20], [sflag:$0x5] =	stream.indirect_vreg.gather [hbm4b:s5+s3], $0x80, v3, vm0, $0xb8;
	[tilespmem:$0x18200] =	vst v63  }
0x9b: {  	s4 =	simm.s32 $0x13200  }
0x9c: {  	[tilespmem:s4], [sflag:$0x5] =	stream.indirect_vreg.gather [hbm4b:s6+s3], $0x80, v3, vm0, $0xb8;
	[tilespmem:$0x18200] =	vst v63  }
0x9d: {  	s19 =	simm.s32 $0x13A00  }
0x9e: {  	[tilespmem:s19], [sflag:$0x5] =	stream.indirect_vreg.gather [hbm4b:s7+s3], $0x80, v3, vm0, $0xb8;
	[tilespmem:$0x18200] =	vst v63  }
0x9f: {  	v3 =	vld [tilespmem:$0x50];
	_ =	sdelay $0x4  }
0xa0: {  	v37 =	vshll.u32 v3, $0x3  }
0xa1: {  	v3 =	vand.u32 $0x7, v3;
	v4 =	vand.u32 $0xFFFFFFC0, v37  }
0xa2: {  	v3 =	vor.u32 v3, v4  }
0xa3: {  	v4 =	vperm.xlane v3, v0;
	_ =	sdelay $0x1  }
0xa4: {  	v4 =	vadd.s32 v1, v4;
	_ =	sdelay $0x3  }
0xa5: {  	s20 =	simm.s32 $0x14200  }
0xa6: {  	[tilespmem:s20], [sflag:$0x6] =	stream.indirect_vreg.gather [hbm4b:s2+s3], $0x80, v4, vm0, $0xb8;
	[tilespmem:$0x18200] =	vst v63  }
0xa7: {  	s10 =	simm.s32 $0x14A00;
	v3 =	vperm.xlane v3, v2  }
0xa8: {  	[tilespmem:s10], [sflag:$0x6] =	stream.indirect_vreg.gather [hbm4b:s5+s3], $0x80, v4, vm0, $0xb8;
	[tilespmem:$0x18200] =	vst v63  }
0xa9: {  	v3 =	vadd.s32 v1, v3;
	s20 =	simm.s32 $0x15200  }
0xaa: {  	[tilespmem:s20], [sflag:$0x6] =	stream.indirect_vreg.gather [hbm4b:s6+s3], $0x80, v4, vm0, $0xb8;
	[tilespmem:$0x18200] =	vst v63  }
0xab: {  	s4 =	simm.s32 $0x15A00  }
0xac: {  	[tilespmem:s4], [sflag:$0x6] =	stream.indirect_vreg.gather [hbm4b:s7+s3], $0x80, v4, vm0, $0xb8;
	[tilespmem:$0x18200] =	vst v63  }
0xad: {  	s20 =	simm.s32 $0x16200  }
0xae: {  	[tilespmem:s20], [sflag:$0x6] =	stream.indirect_vreg.gather [hbm4b:s2+s3], $0x80, v3, vm0, $0xb8;
	[tilespmem:$0x18200] =	vst v63  }
0xaf: {  	s4 =	simm.s32 $0x16A00  }
0xb0: {  	[tilespmem:s4], [sflag:$0x6] =	stream.indirect_vreg.gather [hbm4b:s5+s3], $0x80, v3, vm0, $0xb8;
	[tilespmem:$0x18200] =	vst v63  }
0xb1: {  	s20 =	simm.s32 $0x17200  }
0xb2: {  	[tilespmem:s20], [sflag:$0x6] =	stream.indirect_vreg.gather [hbm4b:s6+s3], $0x80, v3, vm0, $0xb8;
	[tilespmem:$0x18200] =	vst v63  }
0xb3: {  	s4 =	simm.s32 $0x17A00  }
0xb4: {  	[tilespmem:s4], [sflag:$0x6] =	stream.indirect_vreg.gather [hbm4b:s7+s3], $0x80, v3, vm0, $0xb8;
	[tilespmem:$0x18200] =	vst v63  }
0xb5: {  	_ =	swait.ge [sflag:s0], $0x4000  }
0xb6: {  	s20 =	sld [smem:$0x7FC]  }
0xb7: {  	[sflag:s0] =	ssyncset.done $0x0  }
0xb8: {  	s4 =	simm.s32 $0x200;
	[sflag:s0] =	ssyncadd.s32 $0xFFFFC000  }
0xb9: {  	[hbm4b:s20+s3] =	stream.linear.scatter [tilespmem:s4], [sflag:$0x7], $0x4000, $0x38;
	[tilespmem:$0x18200] =	vst v63  }
0xba: {  	_ =	swait.ge [sflag:s9], $0x4000  }
0xbb: {  	[sflag:s9] =	ssyncset.done $0x0  }
0xbc: {  	s20 =	simm.s32 $0x4200;
	s19 =	rddreg [dreg:$0x5];
	[sflag:s9] =	ssyncadd.s32 $0xFFFFC000  }
0xbd: {  	[hbm4b:s19+s3] =	stream.linear.scatter [tilespmem:s20], [sflag:$0x8], $0x4000, $0x38;
	[tilespmem:$0x18200] =	vst v63  }
0xbe: {  	_ =	swait.ge [sflag:s29], $0x4000  }
0xbf: {  	[sflag:s29] =	ssyncset.done $0x0  }
0xc0: {  	[sflag:s29] =	ssyncadd.s32 $0xFFFFC000  }
0xc1: {  	v3 =	vld [tilespmem:$0x60];
	_ =	sdelay $0x4  }
0xc2: {  	v38 =	vshll.u32 v3, $0x3  }
0xc3: {  	v3 =	vand.u32 $0x7, v3;
	v4 =	vand.u32 $0xFFFFFFC0, v38  }
0xc4: {  	v3 =	vor.u32 v3, v4  }
0xc5: {  	v4 =	vperm.xlane v3, v0;
	_ =	sdelay $0x1  }
0xc6: {  	v4 =	vadd.s32 v1, v4;
	_ =	sdelay $0x4  }
0xc7: {  	[tilespmem:s4], [sflag:$0x1] =	stream.indirect_vreg.gather [hbm4b:s2+s3], $0x80, v4, vm0, $0xb8;
	[tilespmem:$0x18200] =	vst v63  }
0xc8: {  	s25 =	simm.s32 $0xA00;
	v3 =	vperm.xlane v3, v2  }
0xc9: {  	[tilespmem:s25], [sflag:$0x1] =	stream.indirect_vreg.gather [hbm4b:s5+s3], $0x80, v4, vm0, $0xb8;
	[tilespmem:$0x18200] =	vst v63  }
0xca: {  	s24 =	simm.s32 $0x1200;
	v3 =	vadd.s32 v1, v3  }
0xcb: {  	[tilespmem:s24], [sflag:$0x1] =	stream.indirect_vreg.gather [hbm4b:s6+s3], $0x80, v4, vm0, $0xb8;
	[tilespmem:$0x18200] =	vst v63  }
0xcc: {  	s19 =	simm.s32 $0x1A00  }
0xcd: {  	[tilespmem:s19], [sflag:$0x1] =	stream.indirect_vreg.gather [hbm4b:s7+s3], $0x80, v4, vm0, $0xb8;
	[tilespmem:$0x18200] =	vst v63  }
0xce: {  	s8 =	simm.s32 $0x2200  }
0xcf: {  	[tilespmem:s8], [sflag:$0x1] =	stream.indirect_vreg.gather [hbm4b:s2+s3], $0x80, v3, vm0, $0xb8;
	[tilespmem:$0x18200] =	vst v63  }
0xd0: {  	s22 =	simm.s32 $0x2A00  }
0xd1: {  	[tilespmem:s22], [sflag:$0x1] =	stream.indirect_vreg.gather [hbm4b:s5+s3], $0x80, v3, vm0, $0xb8;
	[tilespmem:$0x18200] =	vst v63  }
0xd2: {  	s23 =	simm.s32 $0x3200  }
0xd3: {  	[tilespmem:s23], [sflag:$0x1] =	stream.indirect_vreg.gather [hbm4b:s6+s3], $0x80, v3, vm0, $0xb8;
	[tilespmem:$0x18200] =	vst v63  }
0xd4: {  	s21 =	simm.s32 $0x3A00  }
0xd5: {  	[tilespmem:s21], [sflag:$0x1] =	stream.indirect_vreg.gather [hbm4b:s7+s3], $0x80, v3, vm0, $0xb8;
	[tilespmem:$0x18200] =	vst v63  }
0xd6: {  	_ =	swait.ge [sflag:s26], $0x4000  }
0xd7: {  	[sflag:s26] =	ssyncset.done $0x0  }
0xd8: {  	s21 =	simm.s32 $0x8200;
	s23 =	rddreg [dreg:$0x6];
	[sflag:s26] =	ssyncadd.s32 $0xFFFFC000  }
0xd9: {  	[hbm4b:s23+s3] =	stream.linear.scatter [tilespmem:s21], [sflag:$0x9], $0x4000, $0x38;
	[tilespmem:$0x18200] =	vst v63  }
0xda: {  	_ =	swait.ge [sflag:s1], $0x4000  }
0xdb: {  	[sflag:s1] =	ssyncset.done $0x0  }
0xdc: {  	[sflag:s1] =	ssyncadd.s32 $0xFFFFC000  }
0xdd: {  	v3 =	vld [tilespmem:$0x70];
	_ =	sdelay $0x4  }
0xde: {  	v39 =	vshll.u32 v3, $0x3  }
0xdf: {  	v3 =	vand.u32 $0x7, v3;
	v4 =	vand.u32 $0xFFFFFFC0, v39  }
0xe0: {  	v3 =	vor.u32 v3, v4  }
0xe1: {  	v4 =	vperm.xlane v3, v0;
	_ =	sdelay $0x1  }
0xe2: {  	v4 =	vadd.s32 v1, v4;
	_ =	sdelay $0x4  }
0xe3: {  	[tilespmem:s20], [sflag:$0x2] =	stream.indirect_vreg.gather [hbm4b:s2+s3], $0x80, v4, vm0, $0xb8;
	[tilespmem:$0x18200] =	vst v63  }
0xe4: {  	s24 =	simm.s32 $0x4A00;
	v3 =	vperm.xlane v3, v2  }
0xe5: {  	[tilespmem:s24], [sflag:$0x2] =	stream.indirect_vreg.gather [hbm4b:s5+s3], $0x80, v4, vm0, $0xb8;
	[tilespmem:$0x18200] =	vst v63  }
0xe6: {  	s25 =	simm.s32 $0x5200;
	v3 =	vadd.s32 v1, v3  }
0xe7: {  	[tilespmem:s25], [sflag:$0x2] =	stream.indirect_vreg.gather [hbm4b:s6+s3], $0x80, v4, vm0, $0xb8;
	[tilespmem:$0x18200] =	vst v63  }
0xe8: {  	s8 =	simm.s32 $0x5A00  }
0xe9: {  	[tilespmem:s8], [sflag:$0x2] =	stream.indirect_vreg.gather [hbm4b:s7+s3], $0x80, v4, vm0, $0xb8;
	[tilespmem:$0x18200] =	vst v63  }
0xea: {  	s19 =	simm.s32 $0x6200  }
0xeb: {  	[tilespmem:s19], [sflag:$0x2] =	stream.indirect_vreg.gather [hbm4b:s2+s3], $0x80, v3, vm0, $0xb8;
	[tilespmem:$0x18200] =	vst v63  }
0xec: {  	s20 =	simm.s32 $0x6A00  }
0xed: {  	[tilespmem:s20], [sflag:$0x2] =	stream.indirect_vreg.gather [hbm4b:s5+s3], $0x80, v3, vm0, $0xb8;
	[tilespmem:$0x18200] =	vst v63  }
0xee: {  	s23 =	simm.s32 $0x7200  }
0xef: {  	[tilespmem:s23], [sflag:$0x2] =	stream.indirect_vreg.gather [hbm4b:s6+s3], $0x80, v3, vm0, $0xb8;
	[tilespmem:$0x18200] =	vst v63  }
0xf0: {  	s25 =	simm.s32 $0x7A00  }
0xf1: {  	[tilespmem:s25], [sflag:$0x2] =	stream.indirect_vreg.gather [hbm4b:s7+s3], $0x80, v3, vm0, $0xb8;
	[tilespmem:$0x18200] =	vst v63  }
0xf2: {  	_ =	swait.ge [sflag:s11], $0x4000  }
0xf3: {  	[sflag:s11] =	ssyncset.done $0x0  }
0xf4: {  	s8 =	simm.s32 $0xC200;
	s4 =	rddreg [dreg:$0x7];
	[sflag:s11] =	ssyncadd.s32 $0xFFFFC000  }
0xf5: {  	[hbm4b:s4+s3] =	stream.linear.scatter [tilespmem:s8], [sflag:$0xA], $0x4000, $0x38;
	[tilespmem:$0x18200] =	vst v63  }
0xf6: {  	_ =	swait.ge [sflag:s12], $0x4000  }
0xf7: {  	[sflag:s12] =	ssyncset.done $0x0  }
0xf8: {  	[sflag:s12] =	ssyncadd.s32 $0xFFFFC000  }
0xf9: {  	v3 =	vld [tilespmem:$0x80];
	_ =	sdelay $0x4  }
0xfa: {  	v40 =	vshll.u32 v3, $0x3  }
0xfb: {  	v3 =	vand.u32 $0x7, v3;
	v4 =	vand.u32 $0xFFFFFFC0, v40  }
0xfc: {  	v3 =	vor.u32 v3, v4  }
0xfd: {  	v4 =	vperm.xlane v3, v0;
	_ =	sdelay $0x1  }
0xfe: {  	v4 =	vadd.s32 v1, v4;
	_ =	sdelay $0x4  }
0xff: {  	[tilespmem:s21], [sflag:$0x3] =	stream.indirect_vreg.gather [hbm4b:s2+s3], $0x80, v4, vm0, $0xb8;
	[tilespmem:$0x18200] =	vst v63  }
0x100: {  	s18 =	simm.s32 $0x8A00;
	v3 =	vperm.xlane v3, v2  }
0x101: {  	[tilespmem:s18], [sflag:$0x3] =	stream.indirect_vreg.gather [hbm4b:s5+s3], $0x80, v4, vm0, $0xb8;
	[tilespmem:$0x18200] =	vst v63  }
0x102: {  	v3 =	vadd.s32 v1, v3;
	s18 =	simm.s32 $0x9200  }
0x103: {  	[tilespmem:s18], [sflag:$0x3] =	stream.indirect_vreg.gather [hbm4b:s6+s3], $0x80, v4, vm0, $0xb8;
	[tilespmem:$0x18200] =	vst v63  }
0x104: {  	s30 =	simm.s32 $0x9A00  }
0x105: {  	[tilespmem:s30], [sflag:$0x3] =	stream.indirect_vreg.gather [hbm4b:s7+s3], $0x80, v4, vm0, $0xb8;
	[tilespmem:$0x18200] =	vst v63  }
0x106: {  	s19 =	simm.s32 $0xA200  }
0x107: {  	[tilespmem:s19], [sflag:$0x3] =	stream.indirect_vreg.gather [hbm4b:s2+s3], $0x80, v3, vm0, $0xb8;
	[tilespmem:$0x18200] =	vst v63  }
0x108: {  	s31 =	simm.s32 $0xAA00  }
0x109: {  	[tilespmem:s31], [sflag:$0x3] =	stream.indirect_vreg.gather [hbm4b:s5+s3], $0x80, v3, vm0, $0xb8;
	[tilespmem:$0x18200] =	vst v63  }
0x10a: {  	s20 =	simm.s32 $0xB200  }
0x10b: {  	[tilespmem:s20], [sflag:$0x3] =	stream.indirect_vreg.gather [hbm4b:s6+s3], $0x80, v3, vm0, $0xb8;
	[tilespmem:$0x18200] =	vst v63  }
0x10c: {  	s28 =	simm.s32 $0xBA00  }
0x10d: {  	[tilespmem:s28], [sflag:$0x3] =	stream.indirect_vreg.gather [hbm4b:s7+s3], $0x80, v3, vm0, $0xb8;
	[tilespmem:$0x18200] =	vst v63  }
0x10e: {  	_ =	swait.ge [sflag:s13], $0x4000  }
0x10f: {  	[sflag:s13] =	ssyncset.done $0x0  }
0x110: {  	s25 =	simm.s32 $0x10200;
	s21 =	rddreg [dreg:$0x8];
	[sflag:s13] =	ssyncadd.s32 $0xFFFFC000  }
0x111: {  	[hbm4b:s21+s3] =	stream.linear.scatter [tilespmem:s25], [sflag:$0xB], $0x4000, $0x38;
	[tilespmem:$0x18200] =	vst v63  }
0x112: {  	_ =	swait.ge [sflag:s14], $0x4000  }
0x113: {  	[sflag:s14] =	ssyncset.done $0x0  }
0x114: {  	[sflag:s14] =	ssyncadd.s32 $0xFFFFC000  }
0x115: {  	v3 =	vld [tilespmem:$0x90];
	_ =	sdelay $0x4  }
0x116: {  	v41 =	vshll.u32 v3, $0x3  }
0x117: {  	v3 =	vand.u32 $0x7, v3;
	v4 =	vand.u32 $0xFFFFFFC0, v41  }
0x118: {  	v3 =	vor.u32 v3, v4  }
0x119: {  	v4 =	vperm.xlane v3, v0;
	_ =	sdelay $0x1  }
0x11a: {  	v4 =	vadd.s32 v1, v4;
	_ =	sdelay $0x4  }
0x11b: {  	[tilespmem:s8], [sflag:$0x4] =	stream.indirect_vreg.gather [hbm4b:s2+s3], $0x80, v4, vm0, $0xb8;
	[tilespmem:$0x18200] =	vst v63  }
0x11c: {  	s28 =	simm.s32 $0xCA00;
	v3 =	vperm.xlane v3, v2  }
0x11d: {  	[tilespmem:s28], [sflag:$0x4] =	stream.indirect_vreg.gather [hbm4b:s5+s3], $0x80, v4, vm0, $0xb8;
	[tilespmem:$0x18200] =	vst v63  }
0x11e: {  	s30 =	simm.s32 $0xD200;
	v3 =	vadd.s32 v1, v3  }
0x11f: {  	[tilespmem:s30], [sflag:$0x4] =	stream.indirect_vreg.gather [hbm4b:s6+s3], $0x80, v4, vm0, $0xb8;
	[tilespmem:$0x18200] =	vst v63  }
0x120: {  	s28 =	simm.s32 $0xDA00  }
0x121: {  	[tilespmem:s28], [sflag:$0x4] =	stream.indirect_vreg.gather [hbm4b:s7+s3], $0x80, v4, vm0, $0xb8;
	[tilespmem:$0x18200] =	vst v63  }
0x122: {  	s20 =	simm.s32 $0xE200  }
0x123: {  	[tilespmem:s20], [sflag:$0x4] =	stream.indirect_vreg.gather [hbm4b:s2+s3], $0x80, v3, vm0, $0xb8;
	[tilespmem:$0x18200] =	vst v63  }
0x124: {  	s30 =	simm.s32 $0xEA00  }
0x125: {  	[tilespmem:s30], [sflag:$0x4] =	stream.indirect_vreg.gather [hbm4b:s5+s3], $0x80, v3, vm0, $0xb8;
	[tilespmem:$0x18200] =	vst v63  }
0x126: {  	s4 =	simm.s32 $0xF200  }
0x127: {  	[tilespmem:s4], [sflag:$0x4] =	stream.indirect_vreg.gather [hbm4b:s6+s3], $0x80, v3, vm0, $0xb8;
	[tilespmem:$0x18200] =	vst v63  }
0x128: {  	s31 =	simm.s32 $0xFA00  }
0x129: {  	[tilespmem:s31], [sflag:$0x4] =	stream.indirect_vreg.gather [hbm4b:s7+s3], $0x80, v3, vm0, $0xb8;
	[tilespmem:$0x18200] =	vst v63  }
0x12a: {  	_ =	swait.ge [sflag:s15], $0x4000  }
0x12b: {  	[sflag:s15] =	ssyncset.done $0x0  }
0x12c: {  	s18 =	simm.s32 $0x14200;
	s8 =	rddreg [dreg:$0x9];
	[sflag:s15] =	ssyncadd.s32 $0xFFFFC000  }
0x12d: {  	[hbm4b:s8+s3] =	stream.linear.scatter [tilespmem:s18], [sflag:$0xC], $0x4000, $0x38;
	[tilespmem:$0x18200] =	vst v63  }
0x12e: {  	_ =	swait.ge [sflag:s16], $0x4000  }
0x12f: {  	[sflag:s16] =	ssyncset.done $0x0  }
0x130: {  	[sflag:s16] =	ssyncadd.s32 $0xFFFFC000  }
0x131: {  	v3 =	vld [tilespmem:$0xA0];
	_ =	sdelay $0x4  }
0x132: {  	v42 =	vshll.u32 v3, $0x3  }
0x133: {  	v3 =	vand.u32 $0x7, v3;
	v4 =	vand.u32 $0xFFFFFFC0, v42  }
0x134: {  	v3 =	vor.u32 v3, v4  }
0x135: {  	v4 =	vperm.xlane v3, v0;
	_ =	sdelay $0x1  }
0x136: {  	v4 =	vadd.s32 v1, v4;
	_ =	sdelay $0x4  }
0x137: {  	[tilespmem:s25], [sflag:$0x5] =	stream.indirect_vreg.gather [hbm4b:s2+s3], $0x80, v4, vm0, $0xb8;
	[tilespmem:$0x18200] =	vst v63  }
0x138: {  	s21 =	simm.s32 $0x10A00;
	v3 =	vperm.xlane v3, v2  }
0x139: {  	[tilespmem:s21], [sflag:$0x5] =	stream.indirect_vreg.gather [hbm4b:s5+s3], $0x80, v4, vm0, $0xb8;
	[tilespmem:$0x18200] =	vst v63  }
0x13a: {  	v3 =	vadd.s32 v1, v3;
	s25 =	simm.s32 $0x11200  }
0x13b: {  	[tilespmem:s25], [sflag:$0x5] =	stream.indirect_vreg.gather [hbm4b:s6+s3], $0x80, v4, vm0, $0xb8;
	[tilespmem:$0x18200] =	vst v63  }
0x13c: {  	s31 =	simm.s32 $0x11A00  }
0x13d: {  	[tilespmem:s31], [sflag:$0x5] =	stream.indirect_vreg.gather [hbm4b:s7+s3], $0x80, v4, vm0, $0xb8;
	[tilespmem:$0x18200] =	vst v63  }
0x13e: {  	s19 =	simm.s32 $0x12200  }
0x13f: {  	[tilespmem:s19], [sflag:$0x5] =	stream.indirect_vreg.gather [hbm4b:s2+s3], $0x80, v3, vm0, $0xb8;
	[tilespmem:$0x18200] =	vst v63  }
0x140: {  	s25 =	simm.s32 $0x12A00  }
0x141: {  	[tilespmem:s25], [sflag:$0x5] =	stream.indirect_vreg.gather [hbm4b:s5+s3], $0x80, v3, vm0, $0xb8;
	[tilespmem:$0x18200] =	vst v63  }
0x142: {  	s25 =	simm.s32 $0x13200  }
0x143: {  	[tilespmem:s25], [sflag:$0x5] =	stream.indirect_vreg.gather [hbm4b:s6+s3], $0x80, v3, vm0, $0xb8;
	[tilespmem:$0x18200] =	vst v63  }
0x144: {  	s31 =	simm.s32 $0x13A00  }
0x145: {  	[tilespmem:s31], [sflag:$0x5] =	stream.indirect_vreg.gather [hbm4b:s7+s3], $0x80, v3, vm0, $0xb8;
	[tilespmem:$0x18200] =	vst v63  }
0x146: {  	_ =	swait.ge [sflag:s0], $0x4000  }
0x147: {  	[sflag:s0] =	ssyncset.done $0x0  }
0x148: {  	s31 =	simm.s32 $0x200;
	s8 =	rddreg [dreg:$0xa];
	[sflag:s0] =	ssyncadd.s32 $0xFFFFC000  }
0x149: {  	[hbm4b:s8+s3] =	stream.linear.scatter [tilespmem:s31], [sflag:$0x7], $0x4000, $0x38;
	[tilespmem:$0x18200] =	vst v63  }
0x14a: {  	_ =	swait.ge [sflag:s17], $0x4000  }
0x14b: {  	[sflag:s17] =	ssyncset.done $0x0  }
0x14c: {  	[sflag:s17] =	ssyncadd.s32 $0xFFFFC000  }
0x14d: {  	v3 =	vld [tilespmem:$0xB0];
	_ =	sdelay $0x4  }
0x14e: {  	v43 =	vshll.u32 v3, $0x3  }
0x14f: {  	v3 =	vand.u32 $0x7, v3;
	v4 =	vand.u32 $0xFFFFFFC0, v43  }
0x150: {  	v3 =	vor.u32 v3, v4  }
0x151: {  	v4 =	vperm.xlane v3, v0;
	_ =	sdelay $0x1  }
0x152: {  	v4 =	vadd.s32 v1, v4;
	_ =	sdelay $0x4  }
0x153: {  	[tilespmem:s18], [sflag:$0x6] =	stream.indirect_vreg.gather [hbm4b:s2+s3], $0x80, v4, vm0, $0xb8;
	[tilespmem:$0x18200] =	vst v63  }
0x154: {  	s19 =	simm.s32 $0x14A00;
	v3 =	vperm.xlane v3, v2  }
0x155: {  	[tilespmem:s19], [sflag:$0x6] =	stream.indirect_vreg.gather [hbm4b:s5+s3], $0x80, v4, vm0, $0xb8;
	[tilespmem:$0x18200] =	vst v63  }
0x156: {  	s10 =	simm.s32 $0x15200;
	v3 =	vadd.s32 v1, v3  }
0x157: {  	[tilespmem:s10], [sflag:$0x6] =	stream.indirect_vreg.gather [hbm4b:s6+s3], $0x80, v4, vm0, $0xb8;
	[tilespmem:$0x18200] =	vst v63  }
0x158: {  	s18 =	simm.s32 $0x15A00  }
0x159: {  	[tilespmem:s18], [sflag:$0x6] =	stream.indirect_vreg.gather [hbm4b:s7+s3], $0x80, v4, vm0, $0xb8;
	[tilespmem:$0x18200] =	vst v63  }
0x15a: {  	s19 =	simm.s32 $0x16200  }
0x15b: {  	[tilespmem:s19], [sflag:$0x6] =	stream.indirect_vreg.gather [hbm4b:s2+s3], $0x80, v3, vm0, $0xb8;
	[tilespmem:$0x18200] =	vst v63  }
0x15c: {  	s10 =	simm.s32 $0x16A00  }
0x15d: {  	[tilespmem:s10], [sflag:$0x6] =	stream.indirect_vreg.gather [hbm4b:s5+s3], $0x80, v3, vm0, $0xb8;
	[tilespmem:$0x18200] =	vst v63  }
0x15e: {  	s18 =	simm.s32 $0x17200  }
0x15f: {  	[tilespmem:s18], [sflag:$0x6] =	stream.indirect_vreg.gather [hbm4b:s6+s3], $0x80, v3, vm0, $0xb8;
	[tilespmem:$0x18200] =	vst v63  }
0x160: {  	s19 =	simm.s32 $0x17A00  }
0x161: {  	[tilespmem:s19], [sflag:$0x6] =	stream.indirect_vreg.gather [hbm4b:s7+s3], $0x80, v3, vm0, $0xb8;
	[tilespmem:$0x18200] =	vst v63  }
0x162: {  	_ =	swait.ge [sflag:s9], $0x4000  }
0x163: {  	[sflag:s9] =	ssyncset.done $0x0  }
0x164: {  	s18 =	simm.s32 $0x4200;
	s10 =	rddreg [dreg:$0xb];
	[sflag:s9] =	ssyncadd.s32 $0xFFFFC000  }
0x165: {  	[hbm4b:s10+s3] =	stream.linear.scatter [tilespmem:s18], [sflag:$0x8], $0x4000, $0x38;
	[tilespmem:$0x18200] =	vst v63  }
0x166: {  	_ =	swait.ge [sflag:s29], $0x4000  }
0x167: {  	[sflag:s29] =	ssyncset.done $0x0  }
0x168: {  	[sflag:s29] =	ssyncadd.s32 $0xFFFFC000  }
0x169: {  	v3 =	vld [tilespmem:$0xC0];
	_ =	sdelay $0x4  }
0x16a: {  	v44 =	vshll.u32 v3, $0x3  }
0x16b: {  	v3 =	vand.u32 $0x7, v3;
	v4 =	vand.u32 $0xFFFFFFC0, v44  }
0x16c: {  	v3 =	vor.u32 v3, v4  }
0x16d: {  	v4 =	vperm.xlane v3, v0;
	_ =	sdelay $0x1  }
0x16e: {  	v4 =	vadd.s32 v1, v4;
	_ =	sdelay $0x4  }
0x16f: {  	[tilespmem:s31], [sflag:$0x1] =	stream.indirect_vreg.gather [hbm4b:s2+s3], $0x80, v4, vm0, $0xb8;
	[tilespmem:$0x18200] =	vst v63  }
0x170: {  	v3 =	vperm.xlane v3, v2;
	s31 =	simm.s32 $0xA00  }
0x171: {  	[tilespmem:s31], [sflag:$0x1] =	stream.indirect_vreg.gather [hbm4b:s5+s3], $0x80, v4, vm0, $0xb8;
	[tilespmem:$0x18200] =	vst v63  }
0x172: {  	s10 =	simm.s32 $0x1200;
	v3 =	vadd.s32 v1, v3  }
0x173: {  	[tilespmem:s10], [sflag:$0x1] =	stream.indirect_vreg.gather [hbm4b:s6+s3], $0x80, v4, vm0, $0xb8;
	[tilespmem:$0x18200] =	vst v63  }
0x174: {  	s19 =	simm.s32 $0x1A00  }
0x175: {  	[tilespmem:s19], [sflag:$0x1] =	stream.indirect_vreg.gather [hbm4b:s7+s3], $0x80, v4, vm0, $0xb8;
	[tilespmem:$0x18200] =	vst v63  }
0x176: {  	s31 =	simm.s32 $0x2200  }
0x177: {  	[tilespmem:s31], [sflag:$0x1] =	stream.indirect_vreg.gather [hbm4b:s2+s3], $0x80, v3, vm0, $0xb8;
	[tilespmem:$0x18200] =	vst v63  }
0x178: {  	s10 =	simm.s32 $0x2A00  }
0x179: {  	[tilespmem:s10], [sflag:$0x1] =	stream.indirect_vreg.gather [hbm4b:s5+s3], $0x80, v3, vm0, $0xb8;
	[tilespmem:$0x18200] =	vst v63  }
0x17a: {  	s19 =	simm.s32 $0x3200  }
0x17b: {  	[tilespmem:s19], [sflag:$0x1] =	stream.indirect_vreg.gather [hbm4b:s6+s3], $0x80, v3, vm0, $0xb8;
	[tilespmem:$0x18200] =	vst v63  }
0x17c: {  	s31 =	simm.s32 $0x3A00  }
0x17d: {  	[tilespmem:s31], [sflag:$0x1] =	stream.indirect_vreg.gather [hbm4b:s7+s3], $0x80, v3, vm0, $0xb8;
	[tilespmem:$0x18200] =	vst v63  }
0x17e: {  	_ =	swait.ge [sflag:s26], $0x4000  }
0x17f: {  	[sflag:s26] =	ssyncset.done $0x0  }
0x180: {  	s31 =	simm.s32 $0x8200;
	s10 =	rddreg [dreg:$0xc];
	[sflag:s26] =	ssyncadd.s32 $0xFFFFC000  }
0x181: {  	[hbm4b:s10+s3] =	stream.linear.scatter [tilespmem:s31], [sflag:$0x9], $0x4000, $0x38;
	[tilespmem:$0x18200] =	vst v63  }
0x182: {  	_ =	swait.ge [sflag:s1], $0x4000  }
0x183: {  	[sflag:s1] =	ssyncset.done $0x0  }
0x184: {  	[sflag:s1] =	ssyncadd.s32 $0xFFFFC000  }
0x185: {  	v3 =	vld [tilespmem:$0xD0];
	_ =	sdelay $0x4  }
0x186: {  	v45 =	vshll.u32 v3, $0x3  }
0x187: {  	v3 =	vand.u32 $0x7, v3;
	v4 =	vand.u32 $0xFFFFFFC0, v45  }
0x188: {  	v3 =	vor.u32 v3, v4  }
0x189: {  	v4 =	vperm.xlane v3, v0;
	_ =	sdelay $0x1  }
0x18a: {  	v4 =	vadd.s32 v1, v4;
	_ =	sdelay $0x4  }
0x18b: {  	[tilespmem:s18], [sflag:$0x2] =	stream.indirect_vreg.gather [hbm4b:s2+s3], $0x80, v4, vm0, $0xb8;
	[tilespmem:$0x18200] =	vst v63  }
0x18c: {  	s19 =	simm.s32 $0x4A00;
	v3 =	vperm.xlane v3, v2  }
0x18d: {  	[tilespmem:s19], [sflag:$0x2] =	stream.indirect_vreg.gather [hbm4b:s5+s3], $0x80, v4, vm0, $0xb8;
	[tilespmem:$0x18200] =	vst v63  }
0x18e: {  	s22 =	simm.s32 $0x5200;
	v3 =	vadd.s32 v1, v3  }
0x18f: {  	[tilespmem:s22], [sflag:$0x2] =	stream.indirect_vreg.gather [hbm4b:s6+s3], $0x80, v4, vm0, $0xb8;
	[tilespmem:$0x18200] =	vst v63  }
0x190: {  	s24 =	simm.s32 $0x5A00  }
0x191: {  	[tilespmem:s24], [sflag:$0x2] =	stream.indirect_vreg.gather [hbm4b:s7+s3], $0x80, v4, vm0, $0xb8;
	[tilespmem:$0x18200] =	vst v63  }
0x192: {  	s10 =	simm.s32 $0x6200  }
0x193: {  	[tilespmem:s10], [sflag:$0x2] =	stream.indirect_vreg.gather [hbm4b:s2+s3], $0x80, v3, vm0, $0xb8;
	[tilespmem:$0x18200] =	vst v63  }
0x194: {  	s18 =	simm.s32 $0x6A00  }
0x195: {  	[tilespmem:s18], [sflag:$0x2] =	stream.indirect_vreg.gather [hbm4b:s5+s3], $0x80, v3, vm0, $0xb8;
	[tilespmem:$0x18200] =	vst v63  }
0x196: {  	s19 =	simm.s32 $0x7200  }
0x197: {  	[tilespmem:s19], [sflag:$0x2] =	stream.indirect_vreg.gather [hbm4b:s6+s3], $0x80, v3, vm0, $0xb8;
	[tilespmem:$0x18200] =	vst v63  }
0x198: {  	s22 =	simm.s32 $0x7A00  }
0x199: {  	[tilespmem:s22], [sflag:$0x2] =	stream.indirect_vreg.gather [hbm4b:s7+s3], $0x80, v3, vm0, $0xb8;
	[tilespmem:$0x18200] =	vst v63  }
0x19a: {  	_ =	swait.ge [sflag:s11], $0x4000  }
0x19b: {  	[sflag:s11] =	ssyncset.done $0x0  }
0x19c: {  	s22 =	simm.s32 $0xC200;
	s24 =	rddreg [dreg:$0xd];
	[sflag:s11] =	ssyncadd.s32 $0xFFFFC000  }
0x19d: {  	[hbm4b:s24+s3] =	stream.linear.scatter [tilespmem:s22], [sflag:$0xA], $0x4000, $0x38;
	[tilespmem:$0x18200] =	vst v63  }
0x19e: {  	_ =	swait.ge [sflag:s12], $0x4000  }
0x19f: {  	[sflag:s12] =	ssyncset.done $0x0  }
0x1a0: {  	[sflag:s12] =	ssyncadd.s32 $0xFFFFC000  }
0x1a1: {  	v3 =	vld [tilespmem:$0xE0];
	_ =	sdelay $0x4  }
0x1a2: {  	v46 =	vshll.u32 v3, $0x3  }
0x1a3: {  	v3 =	vand.u32 $0x7, v3;
	v4 =	vand.u32 $0xFFFFFFC0, v46  }
0x1a4: {  	v3 =	vor.u32 v3, v4  }
0x1a5: {  	v4 =	vperm.xlane v3, v0;
	_ =	sdelay $0x1  }
0x1a6: {  	v4 =	vadd.s32 v1, v4;
	_ =	sdelay $0x4  }
0x1a7: {  	[tilespmem:s31], [sflag:$0x3] =	stream.indirect_vreg.gather [hbm4b:s2+s3], $0x80, v4, vm0, $0xb8;
	[tilespmem:$0x18200] =	vst v63  }
0x1a8: {  	v3 =	vperm.xlane v3, v2;
	s31 =	simm.s32 $0x8A00  }
0x1a9: {  	[tilespmem:s31], [sflag:$0x3] =	stream.indirect_vreg.gather [hbm4b:s5+s3], $0x80, v4, vm0, $0xb8;
	[tilespmem:$0x18200] =	vst v63  }
0x1aa: {  	s23 =	simm.s32 $0x9200;
	v3 =	vadd.s32 v1, v3  }
0x1ab: {  	[tilespmem:s23], [sflag:$0x3] =	stream.indirect_vreg.gather [hbm4b:s6+s3], $0x80, v4, vm0, $0xb8;
	[tilespmem:$0x18200] =	vst v63  }
0x1ac: {  	s24 =	simm.s32 $0x9A00  }
0x1ad: {  	[tilespmem:s24], [sflag:$0x3] =	stream.indirect_vreg.gather [hbm4b:s7+s3], $0x80, v4, vm0, $0xb8;
	[tilespmem:$0x18200] =	vst v63  }
0x1ae: {  	s18 =	simm.s32 $0xA200  }
0x1af: {  	[tilespmem:s18], [sflag:$0x3] =	stream.indirect_vreg.gather [hbm4b:s2+s3], $0x80, v3, vm0, $0xb8;
	[tilespmem:$0x18200] =	vst v63  }
0x1b0: {  	s31 =	simm.s32 $0xAA00  }
0x1b1: {  	[tilespmem:s31], [sflag:$0x3] =	stream.indirect_vreg.gather [hbm4b:s5+s3], $0x80, v3, vm0, $0xb8;
	[tilespmem:$0x18200] =	vst v63  }
0x1b2: {  	s19 =	simm.s32 $0xB200  }
0x1b3: {  	[tilespmem:s19], [sflag:$0x3] =	stream.indirect_vreg.gather [hbm4b:s6+s3], $0x80, v3, vm0, $0xb8;
	[tilespmem:$0x18200] =	vst v63  }
0x1b4: {  	s23 =	simm.s32 $0xBA00  }
0x1b5: {  	[tilespmem:s23], [sflag:$0x3] =	stream.indirect_vreg.gather [hbm4b:s7+s3], $0x80, v3, vm0, $0xb8;
	[tilespmem:$0x18200] =	vst v63  }
0x1b6: {  	_ =	swait.ge [sflag:s13], $0x4000  }
0x1b7: {  	[sflag:s13] =	ssyncset.done $0x0  }
0x1b8: {  	s23 =	simm.s32 $0x10200;
	s8 =	rddreg [dreg:$0xe];
	[sflag:s13] =	ssyncadd.s32 $0xFFFFC000  }
0x1b9: {  	[hbm4b:s8+s3] =	stream.linear.scatter [tilespmem:s23], [sflag:$0xB], $0x4000, $0x38;
	[tilespmem:$0x18200] =	vst v63  }
0x1ba: {  	_ =	swait.ge [sflag:s14], $0x4000  }
0x1bb: {  	[sflag:s14] =	ssyncset.done $0x0  }
0x1bc: {  	[sflag:s14] =	ssyncadd.s32 $0xFFFFC000  }
0x1bd: {  	v3 =	vld [tilespmem:$0xF0];
	_ =	sdelay $0x4  }
0x1be: {  	v47 =	vshll.u32 v3, $0x3  }
0x1bf: {  	v3 =	vand.u32 $0x7, v3;
	v4 =	vand.u32 $0xFFFFFFC0, v47  }
0x1c0: {  	v3 =	vor.u32 v3, v4  }
0x1c1: {  	v4 =	vperm.xlane v3, v0;
	_ =	sdelay $0x1  }
0x1c2: {  	v4 =	vadd.s32 v1, v4;
	_ =	sdelay $0x4  }
0x1c3: {  	[tilespmem:s22], [sflag:$0x4] =	stream.indirect_vreg.gather [hbm4b:s2+s3], $0x80, v4, vm0, $0xb8;
	[tilespmem:$0x18200] =	vst v63  }
0x1c4: {  	s18 =	simm.s32 $0xCA00;
	v3 =	vperm.xlane v3, v2  }
0x1c5: {  	[tilespmem:s18], [sflag:$0x4] =	stream.indirect_vreg.gather [hbm4b:s5+s3], $0x80, v4, vm0, $0xb8;
	[tilespmem:$0x18200] =	vst v63  }
0x1c6: {  	v3 =	vadd.s32 v1, v3;
	s22 =	simm.s32 $0xD200  }
0x1c7: {  	[tilespmem:s22], [sflag:$0x4] =	stream.indirect_vreg.gather [hbm4b:s6+s3], $0x80, v4, vm0, $0xb8;
	[tilespmem:$0x18200] =	vst v63  }
0x1c8: {  	_ = 	snop  }
0x1c9: {  	[tilespmem:s28], [sflag:$0x4] =	stream.indirect_vreg.gather [hbm4b:s7+s3], $0x80, v4, vm0, $0xb8;
	[tilespmem:$0x18200] =	vst v63  }
0x1ca: {  	_ = 	snop  }
0x1cb: {  	[tilespmem:s20], [sflag:$0x4] =	stream.indirect_vreg.gather [hbm4b:s2+s3], $0x80, v3, vm0, $0xb8;
	[tilespmem:$0x18200] =	vst v63  }
0x1cc: {  	_ = 	snop  }
0x1cd: {  	[tilespmem:s30], [sflag:$0x4] =	stream.indirect_vreg.gather [hbm4b:s5+s3], $0x80, v3, vm0, $0xb8;
	[tilespmem:$0x18200] =	vst v63  }
0x1ce: {  	_ = 	snop  }
0x1cf: {  	[tilespmem:s4], [sflag:$0x4] =	stream.indirect_vreg.gather [hbm4b:s6+s3], $0x80, v3, vm0, $0xb8;
	[tilespmem:$0x18200] =	vst v63  }
0x1d0: {  	s22 =	simm.s32 $0xFA00  }
0x1d1: {  	[tilespmem:s22], [sflag:$0x4] =	stream.indirect_vreg.gather [hbm4b:s7+s3], $0x80, v3, vm0, $0xb8;
	[tilespmem:$0x18200] =	vst v63  }
0x1d2: {  	_ =	swait.ge [sflag:s15], $0x4000  }
0x1d3: {  	[sflag:s15] =	ssyncset.done $0x0  }
0x1d4: {  	s4 =	simm.s32 $0x14200;
	s18 =	rddreg [dreg:$0xf];
	[sflag:s15] =	ssyncadd.s32 $0xFFFFC000  }
0x1d5: {  	[hbm4b:s18+s3] =	stream.linear.scatter [tilespmem:s4], [sflag:$0xC], $0x4000, $0x38;
	[tilespmem:$0x18200] =	vst v63  }
0x1d6: {  	_ =	swait.ge [sflag:s16], $0x4000  }
0x1d7: {  	[sflag:s16] =	ssyncset.done $0x0  }
0x1d8: {  	[sflag:s16] =	ssyncadd.s32 $0xFFFFC000  }
0x1d9: {  	v3 =	vld [tilespmem:$0x100];
	_ =	sdelay $0x4  }
0x1da: {  	v48 =	vshll.u32 v3, $0x3  }
0x1db: {  	v3 =	vand.u32 $0x7, v3;
	v4 =	vand.u32 $0xFFFFFFC0, v48  }
0x1dc: {  	v3 =	vor.u32 v3, v4  }
0x1dd: {  	v4 =	vperm.xlane v3, v0;
	_ =	sdelay $0x1  }
0x1de: {  	v4 =	vadd.s32 v1, v4;
	_ =	sdelay $0x4  }
0x1df: {  	[tilespmem:s23], [sflag:$0x5] =	stream.indirect_vreg.gather [hbm4b:s2+s3], $0x80, v4, vm0, $0xb8;
	[tilespmem:$0x18200] =	vst v63  }
0x1e0: {  	v3 =	vperm.xlane v3, v2  }
0x1e1: {  	[tilespmem:s21], [sflag:$0x5] =	stream.indirect_vreg.gather [hbm4b:s5+s3], $0x80, v4, vm0, $0xb8;
	[tilespmem:$0x18200] =	vst v63  }
0x1e2: {  	s20 =	simm.s32 $0x11200;
	v3 =	vadd.s32 v1, v3  }
0x1e3: {  	[tilespmem:s20], [sflag:$0x5] =	stream.indirect_vreg.gather [hbm4b:s6+s3], $0x80, v4, vm0, $0xb8;
	[tilespmem:$0x18200] =	vst v63  }
0x1e4: {  	s21 =	simm.s32 $0x11A00  }
0x1e5: {  	[tilespmem:s21], [sflag:$0x5] =	stream.indirect_vreg.gather [hbm4b:s7+s3], $0x80, v4, vm0, $0xb8;
	[tilespmem:$0x18200] =	vst v63  }
0x1e6: {  	s23 =	simm.s32 $0x12200  }
0x1e7: {  	[tilespmem:s23], [sflag:$0x5] =	stream.indirect_vreg.gather [hbm4b:s2+s3], $0x80, v3, vm0, $0xb8;
	[tilespmem:$0x18200] =	vst v63  }
0x1e8: {  	s28 =	simm.s32 $0x12A00  }
0x1e9: {  	[tilespmem:s28], [sflag:$0x5] =	stream.indirect_vreg.gather [hbm4b:s5+s3], $0x80, v3, vm0, $0xb8;
	[tilespmem:$0x18200] =	vst v63  }
0x1ea: {  	_ = 	snop  }
0x1eb: {  	[tilespmem:s25], [sflag:$0x5] =	stream.indirect_vreg.gather [hbm4b:s6+s3], $0x80, v3, vm0, $0xb8;
	[tilespmem:$0x18200] =	vst v63  }
0x1ec: {  	s23 =	simm.s32 $0x13A00  }
0x1ed: {  	[tilespmem:s23], [sflag:$0x5] =	stream.indirect_vreg.gather [hbm4b:s7+s3], $0x80, v3, vm0, $0xb8;
	[tilespmem:$0x18200] =	vst v63  }
0x1ee: {  	_ =	swait.ge [sflag:s0], $0x4000  }
0x1ef: {  	[sflag:s0] =	ssyncset.done $0x0  }
0x1f0: {  	s20 =	simm.s32 $0x200;
	s30 =	rddreg [dreg:$0x10];
	[sflag:s0] =	ssyncadd.s32 $0xFFFFC000  }
0x1f1: {  	[hbm4b:s30+s3] =	stream.linear.scatter [tilespmem:s20], [sflag:$0x7], $0x4000, $0x38;
	[tilespmem:$0x18200] =	vst v63  }
0x1f2: {  	_ =	swait.ge [sflag:s17], $0x4000  }
0x1f3: {  	[sflag:s17] =	ssyncset.done $0x0  }
0x1f4: {  	[sflag:s17] =	ssyncadd.s32 $0xFFFFC000  }
0x1f5: {  	v3 =	vld [tilespmem:$0x110];
	_ =	sdelay $0x4  }
0x1f6: {  	v49 =	vshll.u32 v3, $0x3  }
0x1f7: {  	v3 =	vand.u32 $0x7, v3;
	v4 =	vand.u32 $0xFFFFFFC0, v49  }
0x1f8: {  	v3 =	vor.u32 v3, v4  }
0x1f9: {  	v4 =	vperm.xlane v3, v0;
	_ =	sdelay $0x1  }
0x1fa: {  	v4 =	vadd.s32 v1, v4;
	_ =	sdelay $0x4  }
0x1fb: {  	[tilespmem:s4], [sflag:$0x6] =	stream.indirect_vreg.gather [hbm4b:s2+s3], $0x80, v4, vm0, $0xb8;
	[tilespmem:$0x18200] =	vst v63  }
0x1fc: {  	s19 =	simm.s32 $0x14A00;
	v3 =	vperm.xlane v3, v2  }
0x1fd: {  	[tilespmem:s19], [sflag:$0x6] =	stream.indirect_vreg.gather [hbm4b:s5+s3], $0x80, v4, vm0, $0xb8;
	[tilespmem:$0x18200] =	vst v63  }
0x1fe: {  	s25 =	simm.s32 $0x15200;
	v3 =	vadd.s32 v1, v3  }
0x1ff: {  	[tilespmem:s25], [sflag:$0x6] =	stream.indirect_vreg.gather [hbm4b:s6+s3], $0x80, v4, vm0, $0xb8;
	[tilespmem:$0x18200] =	vst v63  }
0x200: {  	s28 =	simm.s32 $0x15A00  }
0x201: {  	[tilespmem:s28], [sflag:$0x6] =	stream.indirect_vreg.gather [hbm4b:s7+s3], $0x80, v4, vm0, $0xb8;
	[tilespmem:$0x18200] =	vst v63  }
0x202: {  	s30 =	simm.s32 $0x16200  }
0x203: {  	[tilespmem:s30], [sflag:$0x6] =	stream.indirect_vreg.gather [hbm4b:s2+s3], $0x80, v3, vm0, $0xb8;
	[tilespmem:$0x18200] =	vst v63  }
0x204: {  	s19 =	simm.s32 $0x16A00  }
0x205: {  	[tilespmem:s19], [sflag:$0x6] =	stream.indirect_vreg.gather [hbm4b:s5+s3], $0x80, v3, vm0, $0xb8;
	[tilespmem:$0x18200] =	vst v63  }
0x206: {  	s25 =	simm.s32 $0x17200  }
0x207: {  	[tilespmem:s25], [sflag:$0x6] =	stream.indirect_vreg.gather [hbm4b:s6+s3], $0x80, v3, vm0, $0xb8;
	[tilespmem:$0x18200] =	vst v63  }
0x208: {  	s25 =	simm.s32 $0x17A00  }
0x209: {  	[tilespmem:s25], [sflag:$0x6] =	stream.indirect_vreg.gather [hbm4b:s7+s3], $0x80, v3, vm0, $0xb8;
	[tilespmem:$0x18200] =	vst v63  }
0x20a: {  	_ =	swait.ge [sflag:s9], $0x4000  }
0x20b: {  	[sflag:s9] =	ssyncset.done $0x0  }
0x20c: {  	s4 =	simm.s32 $0x4200;
	s28 =	rddreg [dreg:$0x11];
	[sflag:s9] =	ssyncadd.s32 $0xFFFFC000  }
0x20d: {  	[hbm4b:s28+s3] =	stream.linear.scatter [tilespmem:s4], [sflag:$0x8], $0x4000, $0x38;
	[tilespmem:$0x18200] =	vst v63  }
0x20e: {  	_ =	swait.ge [sflag:s29], $0x4000  }
0x20f: {  	[sflag:s29] =	ssyncset.done $0x0  }
0x210: {  	[sflag:s29] =	ssyncadd.s32 $0xFFFFC000  }
0x211: {  	v3 =	vld [tilespmem:$0x120];
	_ =	sdelay $0x4  }
0x212: {  	v50 =	vshll.u32 v3, $0x3  }
0x213: {  	v3 =	vand.u32 $0x7, v3;
	v4 =	vand.u32 $0xFFFFFFC0, v50  }
0x214: {  	v3 =	vor.u32 v3, v4  }
0x215: {  	v4 =	vperm.xlane v3, v0;
	_ =	sdelay $0x1  }
0x216: {  	v4 =	vadd.s32 v1, v4;
	_ =	sdelay $0x4  }
0x217: {  	[tilespmem:s20], [sflag:$0x1] =	stream.indirect_vreg.gather [hbm4b:s2+s3], $0x80, v4, vm0, $0xb8;
	[tilespmem:$0x18200] =	vst v63  }
0x218: {  	s30 =	simm.s32 $0xA00;
	v3 =	vperm.xlane v3, v2  }
0x219: {  	[tilespmem:s30], [sflag:$0x1] =	stream.indirect_vreg.gather [hbm4b:s5+s3], $0x80, v4, vm0, $0xb8;
	[tilespmem:$0x18200] =	vst v63  }
0x21a: {  	v3 =	vadd.s32 v1, v3;
	s20 =	simm.s32 $0x1200  }
0x21b: {  	[tilespmem:s20], [sflag:$0x1] =	stream.indirect_vreg.gather [hbm4b:s6+s3], $0x80, v4, vm0, $0xb8;
	[tilespmem:$0x18200] =	vst v63  }
0x21c: {  	s28 =	simm.s32 $0x1A00  }
0x21d: {  	[tilespmem:s28], [sflag:$0x1] =	stream.indirect_vreg.gather [hbm4b:s7+s3], $0x80, v4, vm0, $0xb8;
	[tilespmem:$0x18200] =	vst v63  }
0x21e: {  	s30 =	simm.s32 $0x2200  }
0x21f: {  	[tilespmem:s30], [sflag:$0x1] =	stream.indirect_vreg.gather [hbm4b:s2+s3], $0x80, v3, vm0, $0xb8;
	[tilespmem:$0x18200] =	vst v63  }
0x220: {  	s20 =	simm.s32 $0x2A00  }
0x221: {  	[tilespmem:s20], [sflag:$0x1] =	stream.indirect_vreg.gather [hbm4b:s5+s3], $0x80, v3, vm0, $0xb8;
	[tilespmem:$0x18200] =	vst v63  }
0x222: {  	s28 =	simm.s32 $0x3200  }
0x223: {  	[tilespmem:s28], [sflag:$0x1] =	stream.indirect_vreg.gather [hbm4b:s6+s3], $0x80, v3, vm0, $0xb8;
	[tilespmem:$0x18200] =	vst v63  }
0x224: {  	s30 =	simm.s32 $0x3A00  }
0x225: {  	[tilespmem:s30], [sflag:$0x1] =	stream.indirect_vreg.gather [hbm4b:s7+s3], $0x80, v3, vm0, $0xb8;
	[tilespmem:$0x18200] =	vst v63  }
0x226: {  	_ =	swait.ge [sflag:s26], $0x4000  }
0x227: {  	[sflag:s26] =	ssyncset.done $0x0  }
0x228: {  	s10 =	simm.s32 $0x8200;
	s20 =	rddreg [dreg:$0x12];
	[sflag:s26] =	ssyncadd.s32 $0xFFFFC000  }
0x229: {  	[hbm4b:s20+s3] =	stream.linear.scatter [tilespmem:s10], [sflag:$0x9], $0x4000, $0x38;
	[tilespmem:$0x18200] =	vst v63  }
0x22a: {  	_ =	swait.ge [sflag:s1], $0x4000  }
0x22b: {  	[sflag:s1] =	ssyncset.done $0x0  }
0x22c: {  	[sflag:s1] =	ssyncadd.s32 $0xFFFFC000  }
0x22d: {  	v3 =	vld [tilespmem:$0x130];
	_ =	sdelay $0x4  }
0x22e: {  	v51 =	vshll.u32 v3, $0x3  }
0x22f: {  	v3 =	vand.u32 $0x7, v3;
	v4 =	vand.u32 $0xFFFFFFC0, v51  }
0x230: {  	v3 =	vor.u32 v3, v4  }
0x231: {  	v4 =	vperm.xlane v3, v0;
	_ =	sdelay $0x1  }
0x232: {  	v4 =	vadd.s32 v1, v4;
	_ =	sdelay $0x4  }
0x233: {  	[tilespmem:s4], [sflag:$0x2] =	stream.indirect_vreg.gather [hbm4b:s2+s3], $0x80, v4, vm0, $0xb8;
	[tilespmem:$0x18200] =	vst v63  }
0x234: {  	s28 =	simm.s32 $0x4A00;
	v3 =	vperm.xlane v3, v2  }
0x235: {  	[tilespmem:s28], [sflag:$0x2] =	stream.indirect_vreg.gather [hbm4b:s5+s3], $0x80, v4, vm0, $0xb8;
	[tilespmem:$0x18200] =	vst v63  }
0x236: {  	s30 =	simm.s32 $0x5200;
	v3 =	vadd.s32 v1, v3  }
0x237: {  	[tilespmem:s30], [sflag:$0x2] =	stream.indirect_vreg.gather [hbm4b:s6+s3], $0x80, v4, vm0, $0xb8;
	[tilespmem:$0x18200] =	vst v63  }
0x238: {  	s20 =	simm.s32 $0x5A00  }
0x239: {  	[tilespmem:s20], [sflag:$0x2] =	stream.indirect_vreg.gather [hbm4b:s7+s3], $0x80, v4, vm0, $0xb8;
	[tilespmem:$0x18200] =	vst v63  }
0x23a: {  	s28 =	simm.s32 $0x6200  }
0x23b: {  	[tilespmem:s28], [sflag:$0x2] =	stream.indirect_vreg.gather [hbm4b:s2+s3], $0x80, v3, vm0, $0xb8;
	[tilespmem:$0x18200] =	vst v63  }
0x23c: {  	s30 =	simm.s32 $0x6A00  }
0x23d: {  	[tilespmem:s30], [sflag:$0x2] =	stream.indirect_vreg.gather [hbm4b:s5+s3], $0x80, v3, vm0, $0xb8;
	[tilespmem:$0x18200] =	vst v63  }
0x23e: {  	s4 =	simm.s32 $0x7200  }
0x23f: {  	[tilespmem:s4], [sflag:$0x2] =	stream.indirect_vreg.gather [hbm4b:s6+s3], $0x80, v3, vm0, $0xb8;
	[tilespmem:$0x18200] =	vst v63  }
0x240: {  	s4 =	simm.s32 $0x7A00  }
0x241: {  	[tilespmem:s4], [sflag:$0x2] =	stream.indirect_vreg.gather [hbm4b:s7+s3], $0x80, v3, vm0, $0xb8;
	[tilespmem:$0x18200] =	vst v63  }
0x242: {  	_ =	swait.ge [sflag:s11], $0x4000  }
0x243: {  	[sflag:s11] =	ssyncset.done $0x0  }
0x244: {  	s8 =	simm.s32 $0xC200;
	s4 =	rddreg [dreg:$0x13];
	[sflag:s11] =	ssyncadd.s32 $0xFFFFC000  }
0x245: {  	[hbm4b:s4+s3] =	stream.linear.scatter [tilespmem:s8], [sflag:$0xA], $0x4000, $0x38;
	[tilespmem:$0x18200] =	vst v63  }
0x246: {  	_ =	swait.ge [sflag:s12], $0x4000  }
0x247: {  	[sflag:s12] =	ssyncset.done $0x0  }
0x248: {  	[sflag:s12] =	ssyncadd.s32 $0xFFFFC000  }
0x249: {  	v3 =	vld [tilespmem:$0x140];
	_ =	sdelay $0x4  }
0x24a: {  	v52 =	vshll.u32 v3, $0x3  }
0x24b: {  	v3 =	vand.u32 $0x7, v3;
	v4 =	vand.u32 $0xFFFFFFC0, v52  }
0x24c: {  	v3 =	vor.u32 v3, v4  }
0x24d: {  	v4 =	vperm.xlane v3, v0;
	_ =	sdelay $0x1  }
0x24e: {  	v4 =	vadd.s32 v1, v4;
	_ =	sdelay $0x4  }
0x24f: {  	[tilespmem:s10], [sflag:$0x3] =	stream.indirect_vreg.gather [hbm4b:s2+s3], $0x80, v4, vm0, $0xb8;
	[tilespmem:$0x18200] =	vst v63  }
0x250: {  	v3 =	vperm.xlane v3, v2;
	s10 =	simm.s32 $0x8A00  }
0x251: {  	[tilespmem:s10], [sflag:$0x3] =	stream.indirect_vreg.gather [hbm4b:s5+s3], $0x80, v4, vm0, $0xb8;
	[tilespmem:$0x18200] =	vst v63  }
0x252: {  	s19 =	simm.s32 $0x9200;
	v3 =	vadd.s32 v1, v3  }
0x253: {  	[tilespmem:s19], [sflag:$0x3] =	stream.indirect_vreg.gather [hbm4b:s6+s3], $0x80, v4, vm0, $0xb8;
	[tilespmem:$0x18200] =	vst v63  }
0x254: {  	_ = 	snop  }
0x255: {  	[tilespmem:s24], [sflag:$0x3] =	stream.indirect_vreg.gather [hbm4b:s7+s3], $0x80, v4, vm0, $0xb8;
	[tilespmem:$0x18200] =	vst v63  }
0x256: {  	s24 =	simm.s32 $0xA200  }
0x257: {  	[tilespmem:s24], [sflag:$0x3] =	stream.indirect_vreg.gather [hbm4b:s2+s3], $0x80, v3, vm0, $0xb8;
	[tilespmem:$0x18200] =	vst v63  }
0x258: {  	_ = 	snop  }
0x259: {  	[tilespmem:s31], [sflag:$0x3] =	stream.indirect_vreg.gather [hbm4b:s5+s3], $0x80, v3, vm0, $0xb8;
	[tilespmem:$0x18200] =	vst v63  }
0x25a: {  	s10 =	simm.s32 $0xB200  }
0x25b: {  	[tilespmem:s10], [sflag:$0x3] =	stream.indirect_vreg.gather [hbm4b:s6+s3], $0x80, v3, vm0, $0xb8;
	[tilespmem:$0x18200] =	vst v63  }
0x25c: {  	s19 =	simm.s32 $0xBA00  }
0x25d: {  	[tilespmem:s19], [sflag:$0x3] =	stream.indirect_vreg.gather [hbm4b:s7+s3], $0x80, v3, vm0, $0xb8;
	[tilespmem:$0x18200] =	vst v63  }
0x25e: {  	_ =	swait.ge [sflag:s13], $0x4000  }
0x25f: {  	[sflag:s13] =	ssyncset.done $0x0  }
0x260: {  	s18 =	simm.s32 $0x10200;
	s24 =	rddreg [dreg:$0x14];
	[sflag:s13] =	ssyncadd.s32 $0xFFFFC000  }
0x261: {  	[hbm4b:s24+s3] =	stream.linear.scatter [tilespmem:s18], [sflag:$0xB], $0x4000, $0x38;
	[tilespmem:$0x18200] =	vst v63  }
0x262: {  	_ =	swait.ge [sflag:s14], $0x4000  }
0x263: {  	[sflag:s14] =	ssyncset.done $0x0  }
0x264: {  	[sflag:s14] =	ssyncadd.s32 $0xFFFFC000  }
0x265: {  	v3 =	vld [tilespmem:$0x150];
	_ =	sdelay $0x4  }
0x266: {  	v53 =	vshll.u32 v3, $0x3  }
0x267: {  	v3 =	vand.u32 $0x7, v3;
	v4 =	vand.u32 $0xFFFFFFC0, v53  }
0x268: {  	v3 =	vor.u32 v3, v4  }
0x269: {  	v4 =	vperm.xlane v3, v0;
	_ =	sdelay $0x1  }
0x26a: {  	v4 =	vadd.s32 v1, v4;
	_ =	sdelay $0x4  }
0x26b: {  	[tilespmem:s8], [sflag:$0x4] =	stream.indirect_vreg.gather [hbm4b:s2+s3], $0x80, v4, vm0, $0xb8;
	[tilespmem:$0x18200] =	vst v63  }
0x26c: {  	s4 =	simm.s32 $0xCA00;
	v3 =	vperm.xlane v3, v2  }
0x26d: {  	[tilespmem:s4], [sflag:$0x4] =	stream.indirect_vreg.gather [hbm4b:s5+s3], $0x80, v4, vm0, $0xb8;
	[tilespmem:$0x18200] =	vst v63  }
0x26e: {  	v3 =	vadd.s32 v1, v3;
	s8 =	simm.s32 $0xD200  }
0x26f: {  	[tilespmem:s8], [sflag:$0x4] =	stream.indirect_vreg.gather [hbm4b:s6+s3], $0x80, v4, vm0, $0xb8;
	[tilespmem:$0x18200] =	vst v63  }
0x270: {  	s10 =	simm.s32 $0xDA00  }
0x271: {  	[tilespmem:s10], [sflag:$0x4] =	stream.indirect_vreg.gather [hbm4b:s7+s3], $0x80, v4, vm0, $0xb8;
	[tilespmem:$0x18200] =	vst v63  }
0x272: {  	s19 =	simm.s32 $0xE200  }
0x273: {  	[tilespmem:s19], [sflag:$0x4] =	stream.indirect_vreg.gather [hbm4b:s2+s3], $0x80, v3, vm0, $0xb8;
	[tilespmem:$0x18200] =	vst v63  }
0x274: {  	s24 =	simm.s32 $0xEA00  }
0x275: {  	[tilespmem:s24], [sflag:$0x4] =	stream.indirect_vreg.gather [hbm4b:s5+s3], $0x80, v3, vm0, $0xb8;
	[tilespmem:$0x18200] =	vst v63  }
0x276: {  	s8 =	simm.s32 $0xF200  }
0x277: {  	[tilespmem:s8], [sflag:$0x4] =	stream.indirect_vreg.gather [hbm4b:s6+s3], $0x80, v3, vm0, $0xb8;
	[tilespmem:$0x18200] =	vst v63  }
0x278: {  	_ = 	snop  }
0x279: {  	[tilespmem:s22], [sflag:$0x4] =	stream.indirect_vreg.gather [hbm4b:s7+s3], $0x80, v3, vm0, $0xb8;
	[tilespmem:$0x18200] =	vst v63  }
0x27a: {  	_ =	swait.ge [sflag:s15], $0x4000  }
0x27b: {  	[sflag:s15] =	ssyncset.done $0x0  }
0x27c: {  	s21 =	simm.s32 $0x14200;
	s10 =	rddreg [dreg:$0x15];
	[sflag:s15] =	ssyncadd.s32 $0xFFFFC000  }
0x27d: {  	[hbm4b:s10+s3] =	stream.linear.scatter [tilespmem:s21], [sflag:$0xC], $0x4000, $0x38;
	[tilespmem:$0x18200] =	vst v63  }
0x27e: {  	_ =	swait.ge [sflag:s16], $0x4000  }
0x27f: {  	[sflag:s16] =	ssyncset.done $0x0  }
0x280: {  	[sflag:s16] =	ssyncadd.s32 $0xFFFFC000  }
0x281: {  	v3 =	vld [tilespmem:$0x160];
	_ =	sdelay $0x4  }
0x282: {  	v54 =	vshll.u32 v3, $0x3  }
0x283: {  	v3 =	vand.u32 $0x7, v3;
	v4 =	vand.u32 $0xFFFFFFC0, v54  }
0x284: {  	v3 =	vor.u32 v3, v4  }
0x285: {  	v4 =	vperm.xlane v3, v0;
	_ =	sdelay $0x1  }
0x286: {  	v4 =	vadd.s32 v1, v4;
	_ =	sdelay $0x4  }
0x287: {  	[tilespmem:s18], [sflag:$0x5] =	stream.indirect_vreg.gather [hbm4b:s2+s3], $0x80, v4, vm0, $0xb8;
	[tilespmem:$0x18200] =	vst v63  }
0x288: {  	v3 =	vperm.xlane v3, v2;
	s18 =	simm.s32 $0x10A00  }
0x289: {  	[tilespmem:s18], [sflag:$0x5] =	stream.indirect_vreg.gather [hbm4b:s5+s3], $0x80, v4, vm0, $0xb8;
	[tilespmem:$0x18200] =	vst v63  }
0x28a: {  	s19 =	simm.s32 $0x11200;
	v3 =	vadd.s32 v1, v3  }
0x28b: {  	[tilespmem:s19], [sflag:$0x5] =	stream.indirect_vreg.gather [hbm4b:s6+s3], $0x80, v4, vm0, $0xb8;
	[tilespmem:$0x18200] =	vst v63  }
0x28c: {  	s22 =	simm.s32 $0x11A00  }
0x28d: {  	[tilespmem:s22], [sflag:$0x5] =	stream.indirect_vreg.gather [hbm4b:s7+s3], $0x80, v4, vm0, $0xb8;
	[tilespmem:$0x18200] =	vst v63  }
0x28e: {  	s24 =	simm.s32 $0x12200  }
0x28f: {  	[tilespmem:s24], [sflag:$0x5] =	stream.indirect_vreg.gather [hbm4b:s2+s3], $0x80, v3, vm0, $0xb8;
	[tilespmem:$0x18200] =	vst v63  }
0x290: {  	s8 =	simm.s32 $0x12A00  }
0x291: {  	[tilespmem:s8], [sflag:$0x5] =	stream.indirect_vreg.gather [hbm4b:s5+s3], $0x80, v3, vm0, $0xb8;
	[tilespmem:$0x18200] =	vst v63  }
0x292: {  	s10 =	simm.s32 $0x13200  }
0x293: {  	[tilespmem:s10], [sflag:$0x5] =	stream.indirect_vreg.gather [hbm4b:s6+s3], $0x80, v3, vm0, $0xb8;
	[tilespmem:$0x18200] =	vst v63  }
0x294: {  	_ = 	snop  }
0x295: {  	[tilespmem:s23], [sflag:$0x5] =	stream.indirect_vreg.gather [hbm4b:s7+s3], $0x80, v3, vm0, $0xb8;
	[tilespmem:$0x18200] =	vst v63  }
0x296: {  	_ =	swait.ge [sflag:s0], $0x4000  }
0x297: {  	[sflag:s0] =	ssyncset.done $0x0  }
0x298: {  	s4 =	simm.s32 $0x200;
	s18 =	rddreg [dreg:$0x16];
	[sflag:s0] =	ssyncadd.s32 $0xFFFFC000  }
0x299: {  	[hbm4b:s18+s3] =	stream.linear.scatter [tilespmem:s4], [sflag:$0x7], $0x4000, $0x38;
	[tilespmem:$0x18200] =	vst v63  }
0x29a: {  	_ =	swait.ge [sflag:s17], $0x4000  }
0x29b: {  	[sflag:s17] =	ssyncset.done $0x0  }
0x29c: {  	[sflag:s17] =	ssyncadd.s32 $0xFFFFC000  }
0x29d: {  	v3 =	vld [tilespmem:$0x170];
	_ =	sdelay $0x4  }
0x29e: {  	v55 =	vshll.u32 v3, $0x3  }
0x29f: {  	v3 =	vand.u32 $0x7, v3;
	v4 =	vand.u32 $0xFFFFFFC0, v55  }
0x2a0: {  	v3 =	vor.u32 v3, v4  }
0x2a1: {  	v4 =	vperm.xlane v3, v0;
	_ =	sdelay $0x1  }
0x2a2: {  	v4 =	vadd.s32 v1, v4;
	_ =	sdelay $0x4  }
0x2a3: {  	[tilespmem:s21], [sflag:$0x6] =	stream.indirect_vreg.gather [hbm4b:s2+s3], $0x80, v4, vm0, $0xb8;
	[tilespmem:$0x18200] =	vst v63  }
0x2a4: {  	s19 =	simm.s32 $0x14A00;
	v3 =	vperm.xlane v3, v2  }
0x2a5: {  	[tilespmem:s19], [sflag:$0x6] =	stream.indirect_vreg.gather [hbm4b:s5+s3], $0x80, v4, vm0, $0xb8;
	[tilespmem:$0x18200] =	vst v63  }
0x2a6: {  	v3 =	vadd.s32 v1, v3;
	s21 =	simm.s32 $0x15200  }
0x2a7: {  	[tilespmem:s21], [sflag:$0x6] =	stream.indirect_vreg.gather [hbm4b:s6+s3], $0x80, v4, vm0, $0xb8;
	[tilespmem:$0x18200] =	vst v63  }
0x2a8: {  	s22 =	simm.s32 $0x15A00  }
0x2a9: {  	[tilespmem:s22], [sflag:$0x6] =	stream.indirect_vreg.gather [hbm4b:s7+s3], $0x80, v4, vm0, $0xb8;
	[tilespmem:$0x18200] =	vst v63  }
0x2aa: {  	s23 =	simm.s32 $0x16200  }
0x2ab: {  	[tilespmem:s23], [sflag:$0x6] =	stream.indirect_vreg.gather [hbm4b:s2+s3], $0x80, v3, vm0, $0xb8;
	[tilespmem:$0x18200] =	vst v63  }
0x2ac: {  	s24 =	simm.s32 $0x16A00  }
0x2ad: {  	[tilespmem:s24], [sflag:$0x6] =	stream.indirect_vreg.gather [hbm4b:s5+s3], $0x80, v3, vm0, $0xb8;
	[tilespmem:$0x18200] =	vst v63  }
0x2ae: {  	s8 =	simm.s32 $0x17200  }
0x2af: {  	[tilespmem:s8], [sflag:$0x6] =	stream.indirect_vreg.gather [hbm4b:s6+s3], $0x80, v3, vm0, $0xb8;
	[tilespmem:$0x18200] =	vst v63  }
0x2b0: {  	_ = 	snop  }
0x2b1: {  	[tilespmem:s25], [sflag:$0x6] =	stream.indirect_vreg.gather [hbm4b:s7+s3], $0x80, v3, vm0, $0xb8;
	[tilespmem:$0x18200] =	vst v63  }
0x2b2: {  	_ =	swait.ge [sflag:s9], $0x4000  }
0x2b3: {  	[sflag:s9] =	ssyncset.done $0x0  }
0x2b4: {  	s8 =	simm.s32 $0x4200;
	s10 =	rddreg [dreg:$0x17];
	[sflag:s9] =	ssyncadd.s32 $0xFFFFC000  }
0x2b5: {  	[hbm4b:s10+s3] =	stream.linear.scatter [tilespmem:s8], [sflag:$0x8], $0x4000, $0x38;
	[tilespmem:$0x18200] =	vst v63  }
0x2b6: {  	_ =	swait.ge [sflag:s29], $0x4000  }
0x2b7: {  	[sflag:s29] =	ssyncset.done $0x0  }
0x2b8: {  	[sflag:s29] =	ssyncadd.s32 $0xFFFFC000  }
0x2b9: {  	v3 =	vld [tilespmem:$0x180];
	_ =	sdelay $0x4  }
0x2ba: {  	v56 =	vshll.u32 v3, $0x3  }
0x2bb: {  	v3 =	vand.u32 $0x7, v3;
	v4 =	vand.u32 $0xFFFFFFC0, v56  }
0x2bc: {  	v3 =	vor.u32 v3, v4  }
0x2bd: {  	v4 =	vperm.xlane v3, v0;
	_ =	sdelay $0x1  }
0x2be: {  	v4 =	vadd.s32 v1, v4;
	_ =	sdelay $0x4  }
0x2bf: {  	[tilespmem:s4], [sflag:$0x1] =	stream.indirect_vreg.gather [hbm4b:s2+s3], $0x80, v4, vm0, $0xb8;
	[tilespmem:$0x18200] =	vst v63  }
0x2c0: {  	s18 =	simm.s32 $0xA00;
	v3 =	vperm.xlane v3, v2  }
0x2c1: {  	[tilespmem:s18], [sflag:$0x1] =	stream.indirect_vreg.gather [hbm4b:s5+s3], $0x80, v4, vm0, $0xb8;
	[tilespmem:$0x18200] =	vst v63  }
0x2c2: {  	s24 =	simm.s32 $0x1200;
	v3 =	vadd.s32 v1, v3  }
0x2c3: {  	[tilespmem:s24], [sflag:$0x1] =	stream.indirect_vreg.gather [hbm4b:s6+s3], $0x80, v4, vm0, $0xb8;
	[tilespmem:$0x18200] =	vst v63  }
0x2c4: {  	s25 =	simm.s32 $0x1A00  }
0x2c5: {  	[tilespmem:s25], [sflag:$0x1] =	stream.indirect_vreg.gather [hbm4b:s7+s3], $0x80, v4, vm0, $0xb8;
	[tilespmem:$0x18200] =	vst v63  }
0x2c6: {  	s4 =	simm.s32 $0x2200  }
0x2c7: {  	[tilespmem:s4], [sflag:$0x1] =	stream.indirect_vreg.gather [hbm4b:s2+s3], $0x80, v3, vm0, $0xb8;
	[tilespmem:$0x18200] =	vst v63  }
0x2c8: {  	s18 =	simm.s32 $0x2A00  }
0x2c9: {  	[tilespmem:s18], [sflag:$0x1] =	stream.indirect_vreg.gather [hbm4b:s5+s3], $0x80, v3, vm0, $0xb8;
	[tilespmem:$0x18200] =	vst v63  }
0x2ca: {  	s24 =	simm.s32 $0x3200  }
0x2cb: {  	[tilespmem:s24], [sflag:$0x1] =	stream.indirect_vreg.gather [hbm4b:s6+s3], $0x80, v3, vm0, $0xb8;
	[tilespmem:$0x18200] =	vst v63  }
0x2cc: {  	s25 =	simm.s32 $0x3A00  }
0x2cd: {  	[tilespmem:s25], [sflag:$0x1] =	stream.indirect_vreg.gather [hbm4b:s7+s3], $0x80, v3, vm0, $0xb8;
	[tilespmem:$0x18200] =	vst v63  }
0x2ce: {  	_ =	swait.ge [sflag:s26], $0x4000  }
0x2cf: {  	[sflag:s26] =	ssyncset.done $0x0  }
0x2d0: {  	s25 =	simm.s32 $0x8200;
	s4 =	rddreg [dreg:$0x18];
	[sflag:s26] =	ssyncadd.s32 $0xFFFFC000  }
0x2d1: {  	[hbm4b:s4+s3] =	stream.linear.scatter [tilespmem:s25], [sflag:$0x9], $0x4000, $0x38;
	[tilespmem:$0x18200] =	vst v63  }
0x2d2: {  	_ =	swait.ge [sflag:s1], $0x4000  }
0x2d3: {  	[sflag:s1] =	ssyncset.done $0x0  }
0x2d4: {  	[sflag:s1] =	ssyncadd.s32 $0xFFFFC000  }
0x2d5: {  	v3 =	vld [tilespmem:$0x190];
	_ =	sdelay $0x4  }
0x2d6: {  	v57 =	vshll.u32 v3, $0x3  }
0x2d7: {  	v3 =	vand.u32 $0x7, v3;
	v4 =	vand.u32 $0xFFFFFFC0, v57  }
0x2d8: {  	v3 =	vor.u32 v3, v4  }
0x2d9: {  	v4 =	vperm.xlane v3, v0;
	_ =	sdelay $0x1  }
0x2da: {  	v4 =	vadd.s32 v1, v4;
	_ =	sdelay $0x4  }
0x2db: {  	[tilespmem:s8], [sflag:$0x2] =	stream.indirect_vreg.gather [hbm4b:s2+s3], $0x80, v4, vm0, $0xb8;
	[tilespmem:$0x18200] =	vst v63  }
0x2dc: {  	s18 =	simm.s32 $0x4A00;
	v3 =	vperm.xlane v3, v2  }
0x2dd: {  	[tilespmem:s18], [sflag:$0x2] =	stream.indirect_vreg.gather [hbm4b:s5+s3], $0x80, v4, vm0, $0xb8;
	[tilespmem:$0x18200] =	vst v63  }
0x2de: {  	s19 =	simm.s32 $0x5200;
	v3 =	vadd.s32 v1, v3  }
0x2df: {  	[tilespmem:s19], [sflag:$0x2] =	stream.indirect_vreg.gather [hbm4b:s6+s3], $0x80, v4, vm0, $0xb8;
	[tilespmem:$0x18200] =	vst v63  }
0x2e0: {  	_ = 	snop  }
0x2e1: {  	[tilespmem:s20], [sflag:$0x2] =	stream.indirect_vreg.gather [hbm4b:s7+s3], $0x80, v4, vm0, $0xb8;
	[tilespmem:$0x18200] =	vst v63  }
0x2e2: {  	_ = 	snop  }
0x2e3: {  	[tilespmem:s28], [sflag:$0x2] =	stream.indirect_vreg.gather [hbm4b:s2+s3], $0x80, v3, vm0, $0xb8;
	[tilespmem:$0x18200] =	vst v63  }
0x2e4: {  	_ = 	snop  }
0x2e5: {  	[tilespmem:s30], [sflag:$0x2] =	stream.indirect_vreg.gather [hbm4b:s5+s3], $0x80, v3, vm0, $0xb8;
	[tilespmem:$0x18200] =	vst v63  }
0x2e6: {  	s24 =	simm.s32 $0x7200  }
0x2e7: {  	[tilespmem:s24], [sflag:$0x2] =	stream.indirect_vreg.gather [hbm4b:s6+s3], $0x80, v3, vm0, $0xb8;
	[tilespmem:$0x18200] =	vst v63  }
0x2e8: {  	s8 =	simm.s32 $0x7A00  }
0x2e9: {  	[tilespmem:s8], [sflag:$0x2] =	stream.indirect_vreg.gather [hbm4b:s7+s3], $0x80, v3, vm0, $0xb8;
	[tilespmem:$0x18200] =	vst v63  }
0x2ea: {  	_ =	swait.ge [sflag:s11], $0x4000  }
0x2eb: {  	[sflag:s11] =	ssyncset.done $0x0  }
0x2ec: {  	s24 =	simm.s32 $0xC200;
	s18 =	rddreg [dreg:$0x19];
	[sflag:s11] =	ssyncadd.s32 $0xFFFFC000  }
0x2ed: {  	[hbm4b:s18+s3] =	stream.linear.scatter [tilespmem:s24], [sflag:$0xA], $0x4000, $0x38;
	[tilespmem:$0x18200] =	vst v63  }
0x2ee: {  	_ =	swait.ge [sflag:s12], $0x4000  }
0x2ef: {  	[sflag:s12] =	ssyncset.done $0x0  }
0x2f0: {  	[sflag:s12] =	ssyncadd.s32 $0xFFFFC000  }
0x2f1: {  	v3 =	vld [tilespmem:$0x1A0];
	_ =	sdelay $0x4  }
0x2f2: {  	v58 =	vshll.u32 v3, $0x3  }
0x2f3: {  	v3 =	vand.u32 $0x7, v3;
	v4 =	vand.u32 $0xFFFFFFC0, v58  }
0x2f4: {  	v3 =	vor.u32 v3, v4  }
0x2f5: {  	v4 =	vperm.xlane v3, v0;
	_ =	sdelay $0x1  }
0x2f6: {  	v4 =	vadd.s32 v1, v4;
	_ =	sdelay $0x4  }
0x2f7: {  	[tilespmem:s25], [sflag:$0x3] =	stream.indirect_vreg.gather [hbm4b:s2+s3], $0x80, v4, vm0, $0xb8;
	[tilespmem:$0x18200] =	vst v63  }
0x2f8: {  	s19 =	simm.s32 $0x8A00;
	v3 =	vperm.xlane v3, v2  }
0x2f9: {  	[tilespmem:s19], [sflag:$0x3] =	stream.indirect_vreg.gather [hbm4b:s5+s3], $0x80, v4, vm0, $0xb8;
	[tilespmem:$0x18200] =	vst v63  }
0x2fa: {  	v3 =	vadd.s32 v1, v3;
	s25 =	simm.s32 $0x9200  }
0x2fb: {  	[tilespmem:s25], [sflag:$0x3] =	stream.indirect_vreg.gather [hbm4b:s6+s3], $0x80, v4, vm0, $0xb8;
	[tilespmem:$0x18200] =	vst v63  }
0x2fc: {  	s19 =	simm.s32 $0x9A00  }
0x2fd: {  	[tilespmem:s19], [sflag:$0x3] =	stream.indirect_vreg.gather [hbm4b:s7+s3], $0x80, v4, vm0, $0xb8;
	[tilespmem:$0x18200] =	vst v63  }
0x2fe: {  	s25 =	simm.s32 $0xA200  }
0x2ff: {  	[tilespmem:s25], [sflag:$0x3] =	stream.indirect_vreg.gather [hbm4b:s2+s3], $0x80, v3, vm0, $0xb8;
	[tilespmem:$0x18200] =	vst v63  }
0x300: {  	s19 =	simm.s32 $0xAA00  }
0x301: {  	[tilespmem:s19], [sflag:$0x3] =	stream.indirect_vreg.gather [hbm4b:s5+s3], $0x80, v3, vm0, $0xb8;
	[tilespmem:$0x18200] =	vst v63  }
0x302: {  	s25 =	simm.s32 $0xB200  }
0x303: {  	[tilespmem:s25], [sflag:$0x3] =	stream.indirect_vreg.gather [hbm4b:s6+s3], $0x80, v3, vm0, $0xb8;
	[tilespmem:$0x18200] =	vst v63  }
0x304: {  	s31 =	simm.s32 $0xBA00  }
0x305: {  	[tilespmem:s31], [sflag:$0x3] =	stream.indirect_vreg.gather [hbm4b:s7+s3], $0x80, v3, vm0, $0xb8;
	[tilespmem:$0x18200] =	vst v63  }
0x306: {  	_ =	swait.ge [sflag:s13], $0x4000  }
0x307: {  	[sflag:s13] =	ssyncset.done $0x0  }
0x308: {  	s25 =	simm.s32 $0x10200;
	s18 =	rddreg [dreg:$0x1a];
	[sflag:s13] =	ssyncadd.s32 $0xFFFFC000  }
0x309: {  	[hbm4b:s18+s3] =	stream.linear.scatter [tilespmem:s25], [sflag:$0xB], $0x4000, $0x38;
	[tilespmem:$0x18200] =	vst v63  }
0x30a: {  	_ =	swait.ge [sflag:s14], $0x4000  }
0x30b: {  	[sflag:s14] =	ssyncset.done $0x0  }
0x30c: {  	[sflag:s14] =	ssyncadd.s32 $0xFFFFC000  }
0x30d: {  	v3 =	vld [tilespmem:$0x1B0];
	_ =	sdelay $0x4  }
0x30e: {  	v59 =	vshll.u32 v3, $0x3  }
0x30f: {  	v3 =	vand.u32 $0x7, v3;
	v4 =	vand.u32 $0xFFFFFFC0, v59  }
0x310: {  	v3 =	vor.u32 v3, v4  }
0x311: {  	v4 =	vperm.xlane v3, v0;
	_ =	sdelay $0x1  }
0x312: {  	v4 =	vadd.s32 v1, v4;
	_ =	sdelay $0x4  }
0x313: {  	[tilespmem:s24], [sflag:$0x4] =	stream.indirect_vreg.gather [hbm4b:s2+s3], $0x80, v4, vm0, $0xb8;
	[tilespmem:$0x18200] =	vst v63  }
0x314: {  	s31 =	simm.s32 $0xCA00;
	v3 =	vperm.xlane v3, v2  }
0x315: {  	[tilespmem:s31], [sflag:$0x4] =	stream.indirect_vreg.gather [hbm4b:s5+s3], $0x80, v4, vm0, $0xb8;
	[tilespmem:$0x18200] =	vst v63  }
0x316: {  	v3 =	vadd.s32 v1, v3;
	s24 =	simm.s32 $0xD200  }
0x317: {  	[tilespmem:s24], [sflag:$0x4] =	stream.indirect_vreg.gather [hbm4b:s6+s3], $0x80, v4, vm0, $0xb8;
	[tilespmem:$0x18200] =	vst v63  }
0x318: {  	s31 =	simm.s32 $0xDA00  }
0x319: {  	[tilespmem:s31], [sflag:$0x4] =	stream.indirect_vreg.gather [hbm4b:s7+s3], $0x80, v4, vm0, $0xb8;
	[tilespmem:$0x18200] =	vst v63  }
0x31a: {  	s24 =	simm.s32 $0xE200  }
0x31b: {  	[tilespmem:s24], [sflag:$0x4] =	stream.indirect_vreg.gather [hbm4b:s2+s3], $0x80, v3, vm0, $0xb8;
	[tilespmem:$0x18200] =	vst v63  }
0x31c: {  	s31 =	simm.s32 $0xEA00  }
0x31d: {  	[tilespmem:s31], [sflag:$0x4] =	stream.indirect_vreg.gather [hbm4b:s5+s3], $0x80, v3, vm0, $0xb8;
	[tilespmem:$0x18200] =	vst v63  }
0x31e: {  	s24 =	simm.s32 $0xF200  }
0x31f: {  	[tilespmem:s24], [sflag:$0x4] =	stream.indirect_vreg.gather [hbm4b:s6+s3], $0x80, v3, vm0, $0xb8;
	[tilespmem:$0x18200] =	vst v63  }
0x320: {  	s31 =	simm.s32 $0xFA00  }
0x321: {  	[tilespmem:s31], [sflag:$0x4] =	stream.indirect_vreg.gather [hbm4b:s7+s3], $0x80, v3, vm0, $0xb8;
	[tilespmem:$0x18200] =	vst v63  }
0x322: {  	_ =	swait.ge [sflag:s15], $0x4000  }
0x323: {  	[sflag:s15] =	ssyncset.done $0x0  }
0x324: {  	s31 =	simm.s32 $0x14200;
	s24 =	rddreg [dreg:$0x1b];
	[sflag:s15] =	ssyncadd.s32 $0xFFFFC000  }
0x325: {  	[hbm4b:s24+s3] =	stream.linear.scatter [tilespmem:s31], [sflag:$0xC], $0x4000, $0x38;
	[tilespmem:$0x18200] =	vst v63  }
0x326: {  	_ =	swait.ge [sflag:s16], $0x4000  }
0x327: {  	[sflag:s16] =	ssyncset.done $0x0  }
0x328: {  	[sflag:s16] =	ssyncadd.s32 $0xFFFFC000  }
0x329: {  	v3 =	vld [tilespmem:$0x1C0];
	_ =	sdelay $0x4  }
0x32a: {  	v60 =	vshll.u32 v3, $0x3  }
0x32b: {  	v3 =	vand.u32 $0x7, v3;
	v4 =	vand.u32 $0xFFFFFFC0, v60  }
0x32c: {  	v3 =	vor.u32 v3, v4  }
0x32d: {  	v4 =	vperm.xlane v3, v0;
	_ =	sdelay $0x1  }
0x32e: {  	v4 =	vadd.s32 v1, v4;
	_ =	sdelay $0x4  }
0x32f: {  	[tilespmem:s25], [sflag:$0x5] =	stream.indirect_vreg.gather [hbm4b:s2+s3], $0x80, v4, vm0, $0xb8;
	[tilespmem:$0x18200] =	vst v63  }
0x330: {  	v3 =	vperm.xlane v3, v2;
	s25 =	simm.s32 $0x10A00  }
0x331: {  	[tilespmem:s25], [sflag:$0x5] =	stream.indirect_vreg.gather [hbm4b:s5+s3], $0x80, v4, vm0, $0xb8;
	[tilespmem:$0x18200] =	vst v63  }
0x332: {  	v3 =	vadd.s32 v1, v3;
	s25 =	simm.s32 $0x11200  }
0x333: {  	[tilespmem:s25], [sflag:$0x5] =	stream.indirect_vreg.gather [hbm4b:s6+s3], $0x80, v4, vm0, $0xb8;
	[tilespmem:$0x18200] =	vst v63  }
0x334: {  	s25 =	simm.s32 $0x11A00  }
0x335: {  	[tilespmem:s25], [sflag:$0x5] =	stream.indirect_vreg.gather [hbm4b:s7+s3], $0x80, v4, vm0, $0xb8;
	[tilespmem:$0x18200] =	vst v63  }
0x336: {  	s25 =	simm.s32 $0x12200  }
0x337: {  	[tilespmem:s25], [sflag:$0x5] =	stream.indirect_vreg.gather [hbm4b:s2+s3], $0x80, v3, vm0, $0xb8;
	[tilespmem:$0x18200] =	vst v63  }
0x338: {  	s25 =	simm.s32 $0x12A00  }
0x339: {  	[tilespmem:s25], [sflag:$0x5] =	stream.indirect_vreg.gather [hbm4b:s5+s3], $0x80, v3, vm0, $0xb8;
	[tilespmem:$0x18200] =	vst v63  }
0x33a: {  	s25 =	simm.s32 $0x13200  }
0x33b: {  	[tilespmem:s25], [sflag:$0x5] =	stream.indirect_vreg.gather [hbm4b:s6+s3], $0x80, v3, vm0, $0xb8;
	[tilespmem:$0x18200] =	vst v63  }
0x33c: {  	s25 =	simm.s32 $0x13A00  }
0x33d: {  	[tilespmem:s25], [sflag:$0x5] =	stream.indirect_vreg.gather [hbm4b:s7+s3], $0x80, v3, vm0, $0xb8;
	[tilespmem:$0x18200] =	vst v63  }
0x33e: {  	_ =	swait.ge [sflag:s0], $0x4000  }
0x33f: {  	[sflag:s0] =	ssyncset.done $0x0  }
0x340: {  	s10 =	simm.s32 $0x200;
	s25 =	rddreg [dreg:$0x1c];
	[sflag:s0] =	ssyncadd.s32 $0xFFFFC000  }
0x341: {  	[hbm4b:s25+s3] =	stream.linear.scatter [tilespmem:s10], [sflag:$0x7], $0x4000, $0x38;
	[tilespmem:$0x18200] =	vst v63  }
0x342: {  	_ =	swait.ge [sflag:s17], $0x4000  }
0x343: {  	[sflag:s17] =	ssyncset.done $0x0  }
0x344: {  	[sflag:s17] =	ssyncadd.s32 $0xFFFFC000  }
0x345: {  	v3 =	vld [tilespmem:$0x1D0];
	_ =	sdelay $0x4  }
0x346: {  	v61 =	vshll.u32 v3, $0x3  }
0x347: {  	v3 =	vand.u32 $0x7, v3;
	v4 =	vand.u32 $0xFFFFFFC0, v61  }
0x348: {  	v3 =	vor.u32 v3, v4  }
0x349: {  	v4 =	vperm.xlane v3, v0;
	_ =	sdelay $0x1  }
0x34a: {  	v4 =	vadd.s32 v1, v4;
	_ =	sdelay $0x4  }
0x34b: {  	[tilespmem:s31], [sflag:$0x6] =	stream.indirect_vreg.gather [hbm4b:s2+s3], $0x80, v4, vm0, $0xb8;
	[tilespmem:$0x18200] =	vst v63  }
0x34c: {  	v3 =	vperm.xlane v3, v2;
	s31 =	simm.s32 $0x14A00  }
0x34d: {  	[tilespmem:s31], [sflag:$0x6] =	stream.indirect_vreg.gather [hbm4b:s5+s3], $0x80, v4, vm0, $0xb8;
	[tilespmem:$0x18200] =	vst v63  }
0x34e: {  	v3 =	vadd.s32 v1, v3;
	s31 =	simm.s32 $0x15200  }
0x34f: {  	[tilespmem:s31], [sflag:$0x6] =	stream.indirect_vreg.gather [hbm4b:s6+s3], $0x80, v4, vm0, $0xb8;
	[tilespmem:$0x18200] =	vst v63  }
0x350: {  	s31 =	simm.s32 $0x15A00  }
0x351: {  	[tilespmem:s31], [sflag:$0x6] =	stream.indirect_vreg.gather [hbm4b:s7+s3], $0x80, v4, vm0, $0xb8;
	[tilespmem:$0x18200] =	vst v63  }
0x352: {  	s21 =	simm.s32 $0x16200  }
0x353: {  	[tilespmem:s21], [sflag:$0x6] =	stream.indirect_vreg.gather [hbm4b:s2+s3], $0x80, v3, vm0, $0xb8;
	[tilespmem:$0x18200] =	vst v63  }
0x354: {  	s22 =	simm.s32 $0x16A00  }
0x355: {  	[tilespmem:s22], [sflag:$0x6] =	stream.indirect_vreg.gather [hbm4b:s5+s3], $0x80, v3, vm0, $0xb8;
	[tilespmem:$0x18200] =	vst v63  }
0x356: {  	s23 =	simm.s32 $0x17200  }
0x357: {  	[tilespmem:s23], [sflag:$0x6] =	stream.indirect_vreg.gather [hbm4b:s6+s3], $0x80, v3, vm0, $0xb8;
	[tilespmem:$0x18200] =	vst v63  }
0x358: {  	s22 =	simm.s32 $0x17A00  }
0x359: {  	[tilespmem:s22], [sflag:$0x6] =	stream.indirect_vreg.gather [hbm4b:s7+s3], $0x80, v3, vm0, $0xb8;
	[tilespmem:$0x18200] =	vst v63  }
0x35a: {  	_ =	swait.ge [sflag:s9], $0x4000  }
0x35b: {  	[sflag:s9] =	ssyncset.done $0x0  }
0x35c: {  	s4 =	simm.s32 $0x4200;
	s23 =	rddreg [dreg:$0x1d];
	[sflag:s9] =	ssyncadd.s32 $0xFFFFC000  }
0x35d: {  	[hbm4b:s23+s3] =	stream.linear.scatter [tilespmem:s4], [sflag:$0x8], $0x4000, $0x38;
	[tilespmem:$0x18200] =	vst v63  }
0x35e: {  	_ =	swait.ge [sflag:s29], $0x4000  }
0x35f: {  	[sflag:s29] =	ssyncset.done $0x0  }
0x360: {  	[sflag:s29] =	ssyncadd.s32 $0xFFFFC000  }
0x361: {  	v3 =	vld [tilespmem:$0x1E0];
	_ =	sdelay $0x4  }
0x362: {  	v62 =	vshll.u32 v3, $0x3  }
0x363: {  	v3 =	vand.u32 $0x7, v3;
	v4 =	vand.u32 $0xFFFFFFC0, v62  }
0x364: {  	v3 =	vor.u32 v3, v4  }
0x365: {  	v4 =	vperm.xlane v3, v0;
	_ =	sdelay $0x1  }
0x366: {  	v4 =	vadd.s32 v1, v4;
	_ =	sdelay $0x4  }
0x367: {  	[tilespmem:s10], [sflag:$0x1] =	stream.indirect_vreg.gather [hbm4b:s2+s3], $0x80, v4, vm0, $0xb8;
	[tilespmem:$0x18200] =	vst v63  }
0x368: {  	s31 =	simm.s32 $0xA00;
	v3 =	vperm.xlane v3, v2  }
0x369: {  	[tilespmem:s31], [sflag:$0x1] =	stream.indirect_vreg.gather [hbm4b:s5+s3], $0x80, v4, vm0, $0xb8;
	[tilespmem:$0x18200] =	vst v63  }
0x36a: {  	s21 =	simm.s32 $0x1200;
	v3 =	vadd.s32 v1, v3  }
0x36b: {  	[tilespmem:s21], [sflag:$0x1] =	stream.indirect_vreg.gather [hbm4b:s6+s3], $0x80, v4, vm0, $0xb8;
	[tilespmem:$0x18200] =	vst v63  }
0x36c: {  	s22 =	simm.s32 $0x1A00  }
0x36d: {  	[tilespmem:s22], [sflag:$0x1] =	stream.indirect_vreg.gather [hbm4b:s7+s3], $0x80, v4, vm0, $0xb8;
	[tilespmem:$0x18200] =	vst v63  }
0x36e: {  	s23 =	simm.s32 $0x2200  }
0x36f: {  	[tilespmem:s23], [sflag:$0x1] =	stream.indirect_vreg.gather [hbm4b:s2+s3], $0x80, v3, vm0, $0xb8;
	[tilespmem:$0x18200] =	vst v63  }
0x370: {  	s31 =	simm.s32 $0x2A00  }
0x371: {  	[tilespmem:s31], [sflag:$0x1] =	stream.indirect_vreg.gather [hbm4b:s5+s3], $0x80, v3, vm0, $0xb8;
	[tilespmem:$0x18200] =	vst v63  }
0x372: {  	s21 =	simm.s32 $0x3200  }
0x373: {  	[tilespmem:s21], [sflag:$0x1] =	stream.indirect_vreg.gather [hbm4b:s6+s3], $0x80, v3, vm0, $0xb8;
	[tilespmem:$0x18200] =	vst v63  }
0x374: {  	s22 =	simm.s32 $0x3A00  }
0x375: {  	[tilespmem:s22], [sflag:$0x1] =	stream.indirect_vreg.gather [hbm4b:s7+s3], $0x80, v3, vm0, $0xb8;
	[tilespmem:$0x18200] =	vst v63  }
0x376: {  	_ =	swait.ge [sflag:s26], $0x4000  }
0x377: {  	[sflag:s26] =	ssyncset.done $0x0  }
0x378: {  	s8 =	simm.s32 $0x8200;
	s23 =	rddreg [dreg:$0x1e];
	[sflag:s26] =	ssyncadd.s32 $0xFFFFC000  }
0x379: {  	[hbm4b:s23+s3] =	stream.linear.scatter [tilespmem:s8], [sflag:$0x9], $0x4000, $0x38;
	[tilespmem:$0x18200] =	vst v63  }
0x37a: {  	_ =	swait.ge [sflag:s1], $0x4000  }
0x37b: {  	[sflag:s1] =	ssyncset.done $0x0  }
0x37c: {  	[sflag:s1] =	ssyncadd.s32 $0xFFFFC000  }
0x37d: {  	v3 =	vld [tilespmem:$0x1F0];
	_ =	sdelay $0x4  }
0x37e: {  	v63 =	vshll.u32 v3, $0x3  }
0x37f: {  	v3 =	vand.u32 $0x7, v3;
	v4 =	vand.u32 $0xFFFFFFC0, v63  }
0x380: {  	v3 =	vor.u32 v3, v4  }
0x381: {  	v4 =	vperm.xlane v3, v0;
	_ =	sdelay $0x1  }
0x382: {  	v4 =	vadd.s32 v1, v4;
	_ =	sdelay $0x4  }
0x383: {  	[tilespmem:s4], [sflag:$0x2] =	stream.indirect_vreg.gather [hbm4b:s2+s3], $0x80, v4, vm0, $0xb8;
	[tilespmem:$0x18200] =	vst v63  }
0x384: {  	s31 =	simm.s32 $0x4A00;
	v3 =	vperm.xlane v3, v2  }
0x385: {  	[tilespmem:s31], [sflag:$0x2] =	stream.indirect_vreg.gather [hbm4b:s5+s3], $0x80, v4, vm0, $0xb8;
	[tilespmem:$0x18200] =	vst v63  }
0x386: {  	s19 =	simm.s32 $0x5200;
	v3 =	vadd.s32 v1, v3  }
0x387: {  	[tilespmem:s19], [sflag:$0x2] =	stream.indirect_vreg.gather [hbm4b:s6+s3], $0x80, v4, vm0, $0xb8;
	[tilespmem:$0x18200] =	vst v63  }
0x388: {  	s20 =	simm.s32 $0x5A00  }
0x389: {  	[tilespmem:s20], [sflag:$0x2] =	stream.indirect_vreg.gather [hbm4b:s7+s3], $0x80, v4, vm0, $0xb8;
	[tilespmem:$0x18200] =	vst v63  }
0x38a: {  	s28 =	simm.s32 $0x6200  }
0x38b: {  	[tilespmem:s28], [sflag:$0x2] =	stream.indirect_vreg.gather [hbm4b:s2+s3], $0x80, v3, vm0, $0xb8;
	[tilespmem:$0x18200] =	vst v63  }
0x38c: {  	s30 =	simm.s32 $0x6A00  }
0x38d: {  	[tilespmem:s30], [sflag:$0x2] =	stream.indirect_vreg.gather [hbm4b:s5+s3], $0x80, v3, vm0, $0xb8;
	[tilespmem:$0x18200] =	vst v63  }
0x38e: {  	s20 =	simm.s32 $0x7200  }
0x38f: {  	[tilespmem:s20], [sflag:$0x2] =	stream.indirect_vreg.gather [hbm4b:s6+s3], $0x80, v3, vm0, $0xb8;
	[tilespmem:$0x18200] =	vst v63  }
0x390: {  	s21 =	simm.s32 $0x7A00  }
0x391: {  	[tilespmem:s21], [sflag:$0x2] =	stream.indirect_vreg.gather [hbm4b:s7+s3], $0x80, v3, vm0, $0xb8;
	[tilespmem:$0x18200] =	vst v63  }
0x392: {  	_ =	swait.ge [sflag:s11], $0x4000  }
0x393: {  	[sflag:s11] =	ssyncset.done $0x0  }
0x394: {  	s18 =	simm.s32 $0xC200;
	s22 =	rddreg [dreg:$0x1f];
	[sflag:s11] =	ssyncadd.s32 $0xFFFFC000  }
0x395: {  	[hbm4b:s22+s3] =	stream.linear.scatter [tilespmem:s18], [sflag:$0xA], $0x4000, $0x38;
	[tilespmem:$0x18200] =	vst v63  }
0x396: {  	_ =	swait.ge [sflag:s13], $0x4000  }
0x397: {  	s23 =	sld [smem:$0x7F9]  }
0x398: {  	[sflag:s13] =	ssyncset.done $0x0  }
0x399: {  	s24 =	simm.s32 $0x10200;
	[sflag:s13] =	ssyncadd.s32 $0xFFFFC000  }
0x39a: {  	[hbm4b:s23+s3] =	stream.linear.scatter [tilespmem:s24], [sflag:$0xB], $0x4000, $0x38;
	[tilespmem:$0x18200] =	vst v63  }
0x39b: {  	_ =	swait.ge [sflag:s15], $0x4000  }
0x39c: {  	s24 =	sld [smem:$0x7FA]  }
0x39d: {  	[sflag:s15] =	ssyncset.done $0x0  }
0x39e: {  	s25 =	simm.s32 $0x14200;
	[sflag:s15] =	ssyncadd.s32 $0xFFFFC000  }
0x39f: {  	[hbm4b:s24+s3] =	stream.linear.scatter [tilespmem:s25], [sflag:$0xC], $0x4000, $0x38;
	[tilespmem:$0x18200] =	vst v63  }
0x3a0: {  	_ =	swait.ge [sflag:s0], $0x4000  }
0x3a1: {  	s28 =	sld [smem:$0x7FB]  }
0x3a2: {  	[sflag:s0] =	ssyncset.done $0x0  }
0x3a3: {  	[sflag:s0] =	ssyncadd.s32 $0xFFFFC000  }
0x3a4: {  	[hbm4b:s28+s3] =	stream.linear.scatter [tilespmem:s10], [sflag:$0x7], $0x4000, $0x38;
	[tilespmem:$0x18200] =	vst v63  }
0x3a5: {  	_ =	swait.ge [sflag:s9], $0x4000  }
0x3a6: {  	s30 =	sld [smem:$0x7FD]  }
0x3a7: {  	[sflag:s9] =	ssyncset.done $0x0  }
0x3a8: {  	[sflag:s9] =	ssyncadd.s32 $0xFFFFC000  }
0x3a9: {  	[hbm4b:s30+s3] =	stream.linear.scatter [tilespmem:s4], [sflag:$0x8], $0x4000, $0x38;
	[tilespmem:$0x18200] =	vst v63  }
0x3aa: {  	s31 =	sld [smem:$0x7F8];
	_ =	swait.ge [sflag:s12], $0x4000  }
0x3ab: {  	[sflag:s12] =	ssyncset.done $0x0  }
0x3ac: {  	[sflag:s12] =	ssyncadd.s32 $0xFFFFC000  }
0x3ad: {  	_ =	swait.ge [sflag:s14], $0x4000  }
0x3ae: {  	[sflag:s14] =	ssyncset.done $0x0  }
0x3af: {  	[sflag:s14] =	ssyncadd.s32 $0xFFFFC000  }
0x3b0: {  	_ =	swait.ge [sflag:s16], $0x4000  }
0x3b1: {  	[sflag:s16] =	ssyncset.done $0x0  }
0x3b2: {  	[sflag:s16] =	ssyncadd.s32 $0xFFFFC000  }
0x3b3: {  	_ =	swait.ge [sflag:s17], $0x4000  }
0x3b4: {  	[sflag:s17] =	ssyncset.done $0x0  }
0x3b5: {  	[sflag:s17] =	ssyncadd.s32 $0xFFFFC000  }
0x3b6: {  	p0 =	sne.s32 s31, $0x1;
	_ =	swait.ge [sflag:s29], $0x4000  }
.Ltmp0:
0x3b7: {  	[sflag:s29] =	ssyncset.done $0x0;
	(pc) =	sbr.rel @p0 .LBB2_1-.Ltmp0, $4  }
0x3b8: {  	[sflag:s29] =	ssyncadd.s32 $0xFFFFC000  }
0x3b9: {  	_ =	swait.ge [sflag:s1], $0x4000  }
0x3ba: {  	[sflag:s1] =	ssyncset.done $0x0  }
0x3bb: {  	s4 =	sadd.s32 $0xFFFFFFFF, s31;
	[sflag:s1] =	ssyncadd.s32 $0xFFFFC000  }
0x3bc: {  	_ =	sfence.sel $0x180000  }
0x3bd: {  	[bflag:$0x0] =	sbarrier.arrive $0xFFFF  }
0x3be: {  	_ =	strace $0x90000047  }
0x3bf: {  	s0 =	stileid.u32;
	[bflag:$0x2] =	sbarrier.arrive $0xFFFF  }
0x3c0: {  	p0 =	sne.s32 s0, $0x0;
	s0 =	rddreg [dreg:$0x3]  }
0x3c1: {  	s0 =	sadd.s32 @!p0 $0x100000, s0  }
0x3c2: {  	[sflag:s0] =	ssyncadd.tile.s32 @!p0 $0x1;
	_ =	shalt  }
.Lfunc_end2:
_tile_overlayer_lowered:
.L_overlay_start_2:
0x3c3: {  	(tag) =	ssettag $0x2  }
0x3c4: {  	s0 =	rddreg [dreg:$0x0];
	s2 =	stileid.u32  }
0x3c5: {  	s1 =	rddreg [dreg:$0x1];
	p0 =	sne.s32 s2, $0x0  }
0x3c6: {  	s3 =	rddreg [dreg:$0x2];
	[bflag:$0x3] =	sbarrier.arrive $0xFFFF;
	s2 =	simm.s32 @!p0 $0x1C0D  }
0x3c7: {  	[timem:s3], [sflag:s2] =	dma.local @!p0 [hbm:s0], s1  }
0x3c8: {  	s0 =	simm.s32 @!p0 $0xD  }
0x3c9: {  	_ =	swait.ge @!p0 [sflag:s0], s1  }
0x3ca: {  	s1 =	ssub.s32 @!p0 $0x0, s1;
	[sflag:s0] =	ssyncset.done @!p0 $0x0  }
0x3cb: {  	[sflag:s0] =	ssyncadd.s32 @!p0 s1  }
0x3cc: {  	[bflag:$0x3] =	sbarrier.arrive $0xFFFF  }
0x3cd: {  	_ =	shalt  }

</sc_bundles>
